<compile_context>
chip_gen: v7x
topology: tpu7x:2x2x1
jax: 0.10.2.dev20260603
libtpu: 0.0.44.dev20260713+nightly
codegen_flags: <defaults>
</compile_context>

<pallas_src>
import functools

import jax
import jax.numpy as jnp
from jax import lax
from jax.experimental import pallas as pl
from jax.experimental.pallas import tpu as pltpu
from jax.experimental.pallas import tpu_sc as plsc


def _edge_linear_body(ea_ref, w_ref, b_ref, out_ref):
    out_ref[...] = (
        jnp.dot(ea_ref[...], w_ref[...], preferred_element_type=jnp.float32)
        + b_ref[...]
    )


def _edge_linear(ea, w, b):
    E, ED = ea.shape
    D = w.shape[1]
    BE = 2048
    assert E % BE == 0
    return pl.pallas_call(
        _edge_linear_body,
        grid=(E // BE,),
        in_specs=[
            pl.BlockSpec((BE, ED), lambda i: (i, 0)),
            pl.BlockSpec((ED, D), lambda i: (0, 0)),
            pl.BlockSpec((1, D), lambda i: (0, 0)),
        ],
        out_specs=pl.BlockSpec((BE, D), lambda i: (i, 0)),
        out_shape=jax.ShapeDtypeStruct((E, D), jnp.float32),
    )(ea, w, b)


def _sc_aggregate(x, e, src, dst):
    N, D = x.shape
    EP = e.shape[0]
    info = plsc.get_sparse_core_info()
    NC, NS, L = info.num_cores, info.num_subcores, info.num_lanes
    NW = NC * NS
    C = 64
    assert EP % (C * NW) == 0
    n_chunks = EP // C
    niter = n_chunks // NW
    assert niter >= 3 and niter % 2 == 1
    NPAD = N + 8
    RC = C
    n_row_chunks = N // RC
    row_tail = N - n_row_chunks * RC
    assert row_tail % 8 == 0
    nzi = (n_row_chunks + NS - 1) // NS
    DS = D // L

    mesh = plsc.VectorSubcoreMesh(core_axis_name="c", subcore_axis_name="s")

    @functools.partial(
        pl.kernel,
        mesh=mesh,
        out_type=jax.ShapeDtypeStruct((NC, N, D), jnp.float32),
        scratch_types=[
            pltpu.VMEM((2, C), jnp.int32),
            pltpu.VMEM((2, C), jnp.int32),
            pltpu.VMEM((2, C), jnp.int32),
            pltpu.VMEM((2, C, D), jnp.float32),
            pltpu.VMEM((2, C, D), jnp.float32),
            pltpu.VMEM_SHARED((NPAD, D), jnp.float32),
            pltpu.SemaphoreType.DMA,
            pltpu.SemaphoreType.DMA,
            pltpu.SemaphoreType.DMA,
            pltpu.SemaphoreType.DMA,
            pltpu.SemaphoreType.DMA,
            pltpu.SemaphoreType.DMA,
        ],
    )
    def k(x_hbm, e_hbm, src_hbm, dst_hbm, out_hbm, idx_v, dstv, dsts, e_v, m_v,
          aggr_sh, sl0, sl1, sg0, sg1, ss0, ss1):
        cid = lax.axis_index("c")
        sid = lax.axis_index("s")
        wid = sid * NC + cid
        sl = (sl0, sl1)
        sg = (sg0, sg1)
        ss = (ss0, ss1)

        def ebase_of(g):
            chunk = jnp.minimum(g * NW + wid, n_chunks - 1)
            return chunk * C

        def load_descs(g, b):
            eb = ebase_of(g)
            return (
                pltpu.make_async_copy(src_hbm.at[pl.ds(eb, C)], idx_v.at[b],
                                      sl[b]),
                pltpu.make_async_copy(dst_hbm.at[pl.ds(eb, C)], dstv.at[b],
                                      sl[b]),
                pltpu.make_async_copy(e_hbm.at[pl.ds(eb, C)], e_v.at[b], sl[b]),
            )

        def issue_loads(g, b):
            for d in load_descs(g, b):
                d.start()

        def wait_loads(g, b):
            for d in load_descs(g, b):
                d.wait()

        def gather_desc(b):
            return pltpu.make_async_copy(x_hbm.at[idx_v.at[b]], m_v.at[b],
                                         sg[b])

        def scatter_desc(b):
            return pltpu.make_async_copy(m_v.at[b], aggr_sh.at[dsts.at[b]],
                                         ss[b])

        def compute(b):
            def crow(r, c2):
                for dsub in range(DS):
                    slc = pl.ds(dsub * L, L)
                    m_v[b, r, slc] = jnp.maximum(
                        m_v[b, r, slc] + e_v[b, r, slc], 0.0)
                return c2

            lax.fori_loop(0, C, crow, 0)

        def snap_dst(b):
            for i in range(C // L):
                slc = pl.ds(i * L, L)
                dsts[b, slc] = dstv[b, slc]

        def zrow(r, carry):
            for dsub in range(DS):
                m_v[0, r, pl.ds(dsub * L, L)] = jnp.zeros((L,), jnp.float32)
            return carry

        lax.fori_loop(0, RC, zrow, 0)

        def zchunk(i, carry):
            c = i * NS + sid

            @pl.when(c < n_row_chunks)
            def _():
                pltpu.sync_copy(m_v.at[0], aggr_sh.at[pl.ds(c * RC, RC)])

            return carry

        lax.fori_loop(0, nzi, zchunk, 0)
        if row_tail:
            @pl.when(sid == 0)
            def _():
                pltpu.sync_copy(m_v.at[0, pl.ds(0, row_tail)],
                                aggr_sh.at[pl.ds(n_row_chunks * RC, row_tail)])
        plsc.subcore_barrier()

        issue_loads(0, 0)
        wait_loads(0, 0)
        gather_desc(0).start()
        issue_loads(1, 1)
        gather_desc(0).wait()
        compute(0)
        snap_dst(0)
        scatter_desc(0).start(add=True)
        wait_loads(1, 1)
        gather_desc(1).start()
        issue_loads(2, 0)

        def step(g, b):
            nb = 1 - b
            gather_desc(b).wait()
            compute(b)
            snap_dst(b)
            scatter_desc(b).start(add=True)
            scatter_desc(nb).wait()
            wait_loads(g + 1, nb)
            gather_desc(nb).start()
            issue_loads(g + 2, b)

        def pair(j, carry):
            step(2 * j + 1, 1)
            step(2 * j + 2, 0)
            return carry

        lax.fori_loop(0, (niter - 1) // 2, pair, 0)
        scatter_desc(0).wait()
        gather_desc(1).wait()
        wait_loads(niter + 1, 0)
        plsc.subcore_barrier()

        def dchunk(i, carry):
            c = i * NS + sid

            @pl.when(c < n_row_chunks)
            def _():
                r0 = c * RC
                pltpu.sync_copy(aggr_sh.at[pl.ds(r0, RC)], m_v.at[0])
                pltpu.sync_copy(m_v.at[0], out_hbm.at[cid, pl.ds(r0, RC)])

            return carry

        lax.fori_loop(0, nzi, dchunk, 0)
        if row_tail:
            @pl.when(sid == 0)
            def _():
                r0 = n_row_chunks * RC
                pltpu.sync_copy(aggr_sh.at[pl.ds(r0, row_tail)],
                                m_v.at[0, pl.ds(0, row_tail)])
                pltpu.sync_copy(m_v.at[0, pl.ds(0, row_tail)],
                                out_hbm.at[cid, pl.ds(r0, row_tail)])

    return k(x, e, src, dst)


def _mlp_stats_body(x_ref, a0_ref, a1_ref, w1_ref, b1_ref, w2_ref, b2_ref,
                    h_ref, s_ref, sq_ref):
    i = pl.program_id(0)
    out = x_ref[...] + a0_ref[...] + a1_ref[...]
    h1 = jnp.maximum(
        jnp.dot(out, w1_ref[...], preferred_element_type=jnp.float32)
        + b1_ref[...], 0.0)
    h2 = jnp.maximum(
        jnp.dot(h1, w2_ref[...], preferred_element_type=jnp.float32)
        + b2_ref[...], 0.0)
    h_ref[...] = h2
    s = jnp.sum(h2, axis=0, keepdims=True)
    sq = jnp.sum(h2 * h2, axis=0, keepdims=True)

    @pl.when(i == 0)
    def _():
        s_ref[...] = s
        sq_ref[...] = sq

    @pl.when(i != 0)
    def _():
        s_ref[...] += s
        sq_ref[...] += sq


def _mlp_stats(x, a0, a1, w1, b1, w2, b2):
    N, D = x.shape
    H = w1.shape[1]
    BN = 2000
    assert N % BN == 0
    row = lambda i: (i, 0)
    fixed = lambda i: (0, 0)
    return pl.pallas_call(
        _mlp_stats_body,
        grid=(N // BN,),
        in_specs=[
            pl.BlockSpec((BN, D), row),
            pl.BlockSpec((BN, D), row),
            pl.BlockSpec((BN, D), row),
            pl.BlockSpec((D, H), fixed),
            pl.BlockSpec((1, H), fixed),
            pl.BlockSpec((H, H), fixed),
            pl.BlockSpec((1, H), fixed),
        ],
        out_specs=[
            pl.BlockSpec((BN, H), row),
            pl.BlockSpec((1, H), fixed),
            pl.BlockSpec((1, H), fixed),
        ],
        out_shape=[
            jax.ShapeDtypeStruct((N, H), jnp.float32),
            jax.ShapeDtypeStruct((1, H), jnp.float32),
            jax.ShapeDtypeStruct((1, H), jnp.float32),
        ],
    )(x, a0, a1, w1, b1, w2, b2)


def _bn_body(n_total, h_ref, s_ref, sq_ref, g_ref, b_ref, out_ref):
    mean = s_ref[...] / n_total
    var = sq_ref[...] / n_total - mean * mean
    inv = lax.rsqrt(var + 1e-5)
    out_ref[...] = (h_ref[...] - mean) * (inv * g_ref[...]) + b_ref[...]


def _bn_apply(h, s, sq, gamma, beta):
    N, H = h.shape
    BN = 2000
    row = lambda i: (i, 0)
    fixed = lambda i: (0, 0)
    return pl.pallas_call(
        functools.partial(_bn_body, float(N)),
        grid=(N // BN,),
        in_specs=[
            pl.BlockSpec((BN, H), row),
            pl.BlockSpec((1, H), fixed),
            pl.BlockSpec((1, H), fixed),
            pl.BlockSpec((1, H), fixed),
            pl.BlockSpec((1, H), fixed),
        ],
        out_specs=pl.BlockSpec((BN, H), row),
        out_shape=jax.ShapeDtypeStruct((N, H), jnp.float32),
    )(h, s, sq, gamma, beta)


def kernel(x, edge_index, edge_attr, W_edge, b_edge, W1, b1, W2, b2, gamma,
           beta):
    N, D = x.shape
    E, ED = edge_attr.shape
    CW = 64 * 32
    nit = -(-E // CW)
    if nit % 2 == 0:
        nit += 1
    EP = nit * CW
    pad = EP - E
    src = jnp.pad(edge_index[0], (0, pad))
    dst = jnp.pad(edge_index[1], (0, pad), constant_values=N)
    ea_p = jnp.pad(edge_attr, ((0, pad), (0, 0)))
    e = _edge_linear(ea_p, W_edge, b_edge.reshape(1, D))
    aggr = _sc_aggregate(x, e, src, dst)
    h, s, sq = _mlp_stats(x, aggr[0], aggr[1], W1, b1.reshape(1, -1), W2,
                          b2.reshape(1, -1))
    return _bn_apply(h, s, sq, gamma.reshape(1, -1), beta.reshape(1, -1))

# --- scband reference (transcript-rebuilt; emitter-appended) ---
"""Pipeline reference for scband-gineblock-309237645715 (READ-ONLY COPY).

The authoritative reference and input builder live on the scoring server;
editing this copy changes nothing except your own understanding.
"""

import jax, jax.numpy as jnp
import numpy as np

N = 10000
E = 320000
D = 128
H = 128
ED = 10


def setup_inputs(seed: int = 0) -> dict:
    key = jax.random.key(seed)
    ks = jax.random.split(key, 12)
    x = jax.random.normal(ks[0], (N, D), dtype=jnp.float32)
    edge_index = jax.random.randint(ks[1], (2, E), 0, N, dtype=jnp.int32)
    edge_attr = jax.random.normal(ks[2], (E, ED), dtype=jnp.float32)
    # GINEConv internal linear mapping edge_dim -> in_channels (since edge_dim != indim)
    W_edge = jax.random.normal(ks[3], (ED, D), dtype=jnp.float32) / np.sqrt(ED)
    b_edge = jnp.zeros((D,), dtype=jnp.float32)
    # nn = Sequential(Linear(indim, hiddendim), ReLU(), Linear(hiddendim, hiddendim))
    W1 = jax.random.normal(ks[4], (D, H), dtype=jnp.float32) / np.sqrt(D)
    b1 = jnp.zeros((H,), dtype=jnp.float32)
    W2 = jax.random.normal(ks[5], (H, H), dtype=jnp.float32) / np.sqrt(H)
    b2 = jnp.zeros((H,), dtype=jnp.float32)
    # BatchNorm1d affine params
    gamma = jnp.ones((H,), dtype=jnp.float32)
    beta = jnp.zeros((H,), dtype=jnp.float32)
    return {
        "x": x,
        "edge_index": edge_index,
        "edge_attr": edge_attr,
        "W_edge": W_edge,
        "b_edge": b_edge,
        "W1": W1,
        "b1": b1,
        "W2": W2,
        "b2": b2,
        "gamma": gamma,
        "beta": beta,
    }


def reference(x, edge_index, edge_attr, W_edge, b_edge, W1, b1, W2, b2, gamma, beta):
    src = edge_index[0]
    dst = edge_index[1]
    # GINEConv message: ReLU(x_j + lin(edge_attr))
    e = edge_attr @ W_edge + b_edge
    m = jax.nn.relu(jnp.take(x, src, axis=0) + e)
    # sum-aggregate messages at destination nodes (scatter-add)
    aggr = jnp.zeros_like(x).at[dst].add(m)
    # (1 + eps) * x + aggr, eps = 0 (train_eps=False default)
    out = x + aggr
    # apply MLP nn
    h = jax.nn.relu(out @ W1 + b1)
    h = h @ W2 + b2
    # block-level ReLU
    h = jax.nn.relu(h)
    # BatchNorm1d (training mode: batch statistics, biased variance)
    mean = jnp.mean(h, axis=0)
    var = jnp.var(h, axis=0)
    h = (h - mean) / jnp.sqrt(var + 1e-5) * gamma + beta
    return h

if __name__ == "__main__":
    import jax
    _d = setup_inputs()
    print(jax.jit(kernel)(*tuple(_d.values())))

</pallas_src>

<mosaic_0001>
#map = affine_map<(d0, d1) -> (0, 0)>
#map1 = affine_map<(d0, d1) -> (0)>
#map2 = affine_map<(d0, d1) -> (0, 0, 0)>
module attributes {stable_mosaic.version = 14 : i64} {
  func.func @k(%arg0: i32, %arg1: i32, %arg2: memref<10000x128xf32, #tpu.memory_space<hbm>>, %arg3: memref<321536x128xf32, #tpu.memory_space<hbm>>, %arg4: memref<321536xi32, #tpu.memory_space<hbm>>, %arg5: memref<321536xi32, #tpu.memory_space<hbm>>, %arg6: memref<2x10000x128xf32, #tpu.memory_space<hbm>>, %arg7: memref<2x64xi32, #tpu.memory_space<vmem>>, %arg8: memref<2x64xi32, #tpu.memory_space<vmem>>, %arg9: memref<2x64xi32, #tpu.memory_space<vmem>>, %arg10: memref<2x64x128xf32, #tpu.memory_space<vmem>>, %arg11: memref<2x64x128xf32, #tpu.memory_space<vmem>>, %arg12: memref<10008x128xf32, #tpu.memory_space<vmem_shared>>, %arg13: memref<!tpu.dma_semaphore, #tpu.memory_space<semaphore_mem>>, %arg14: memref<!tpu.dma_semaphore, #tpu.memory_space<semaphore_mem>>, %arg15: memref<!tpu.dma_semaphore, #tpu.memory_space<semaphore_mem>>, %arg16: memref<!tpu.dma_semaphore, #tpu.memory_space<semaphore_mem>>, %arg17: memref<!tpu.dma_semaphore, #tpu.memory_space<semaphore_mem>>, %arg18: memref<!tpu.dma_semaphore, #tpu.memory_space<semaphore_mem>>) attributes {dimension_semantics = [#tpu.dimension_semantics<core_parallel>, #tpu.dimension_semantics<subcore_parallel>], iteration_bounds = array<i64: 2, 16>, scalar_prefetch = 0 : i64, scratch_operands = 12 : i64, tpu.core_type = #tpu.core_type<sc_vector_subcore>, window_params = [{transform_indices = #map}, {transform_indices = #map}, {transform_indices = #map1}, {transform_indices = #map1}, {transform_indices = #map2}]} {
    %mul3A = arith.constant 2 : i32
    %mul3A_0 = arith.muli %arg1, %mul3A : i32
    %add3A = arith.addi %mul3A_0, %arg0 : i32
    %scan3A = arith.constant 0 : i32
    %scan3A_1 = arith.constant 0 : i32
    %scan3A_2 = arith.constant 64 : i32
    %scan3A_3 = arith.addi %scan3A_1, %scan3A_2 : i32
    %scan3A_4 = arith.constant 1 : i32
    scf.for %scan3A_371 = %scan3A_1 to %scan3A_3 step %scan3A_4  : i32 {
      %broadcast_in_dim3A = arith.constant 0.000000e+00 : f32
      %broadcast_in_dim3A_372 = vector.broadcast %broadcast_in_dim3A : f32 to vector<16xf32>
      %swap3A_373 = arith.constant 0 : i32
      %swap3A_374 = arith.index_cast %swap3A_373 : i32 to index
      %swap3A_375 = arith.index_cast %scan3A_371 : i32 to index
      %swap3A_376 = arith.constant 0 : index
      %swap3A_377 = tpu.vector_load %arg11[%swap3A_374, %swap3A_375, %swap3A_376] {strides = array<i32>} : memref<2x64x128xf32, #tpu.memory_space<vmem>>, vector<1x1x16xf32>,
      %swap3A_378 = vector.shape_cast %swap3A_377 : vector<1x1x16xf32> to vector<16xf32>
      %swap3A_379 = vector.shape_cast %broadcast_in_dim3A_372 : vector<16xf32> to vector<1x1x16xf32>
      tpu.vector_store %arg11[%swap3A_374, %swap3A_375, %swap3A_376], %swap3A_379 {strides = array<i32>} : memref<2x64x128xf32, #tpu.memory_space<vmem>>, vector<1x1x16xf32>,
      %broadcast_in_dim3A_380 = arith.constant 0.000000e+00 : f32
      %broadcast_in_dim3A_381 = vector.broadcast %broadcast_in_dim3A_380 : f32 to vector<16xf32>
      %swap3A_382 = arith.constant 0 : i32
      %swap3A_383 = arith.index_cast %swap3A_382 : i32 to index
      %swap3A_384 = arith.index_cast %scan3A_371 : i32 to index
      %swap3A_385 = arith.constant 16 : index
      %swap3A_386 = tpu.vector_load %arg11[%swap3A_383, %swap3A_384, %swap3A_385] {strides = array<i32>} : memref<2x64x128xf32, #tpu.memory_space<vmem>>, vector<1x1x16xf32>,
      %swap3A_387 = vector.shape_cast %swap3A_386 : vector<1x1x16xf32> to vector<16xf32>
      %swap3A_388 = vector.shape_cast %broadcast_in_dim3A_381 : vector<16xf32> to vector<1x1x16xf32>
      tpu.vector_store %arg11[%swap3A_383, %swap3A_384, %swap3A_385], %swap3A_388 {strides = array<i32>} : memref<2x64x128xf32, #tpu.memory_space<vmem>>, vector<1x1x16xf32>,
      %broadcast_in_dim3A_389 = arith.constant 0.000000e+00 : f32
      %broadcast_in_dim3A_390 = vector.broadcast %broadcast_in_dim3A_389 : f32 to vector<16xf32>
      %swap3A_391 = arith.constant 0 : i32
      %swap3A_392 = arith.index_cast %swap3A_391 : i32 to index
      %swap3A_393 = arith.index_cast %scan3A_371 : i32 to index
      %swap3A_394 = arith.constant 32 : index
      %swap3A_395 = tpu.vector_load %arg11[%swap3A_392, %swap3A_393, %swap3A_394] {strides = array<i32>} : memref<2x64x128xf32, #tpu.memory_space<vmem>>, vector<1x1x16xf32>,
      %swap3A_396 = vector.shape_cast %swap3A_395 : vector<1x1x16xf32> to vector<16xf32>
      %swap3A_397 = vector.shape_cast %broadcast_in_dim3A_390 : vector<16xf32> to vector<1x1x16xf32>
      tpu.vector_store %arg11[%swap3A_392, %swap3A_393, %swap3A_394], %swap3A_397 {strides = array<i32>} : memref<2x64x128xf32, #tpu.memory_space<vmem>>, vector<1x1x16xf32>,
      %broadcast_in_dim3A_398 = arith.constant 0.000000e+00 : f32
      %broadcast_in_dim3A_399 = vector.broadcast %broadcast_in_dim3A_398 : f32 to vector<16xf32>
      %swap3A_400 = arith.constant 0 : i32
      %swap3A_401 = arith.index_cast %swap3A_400 : i32 to index
      %swap3A_402 = arith.index_cast %scan3A_371 : i32 to index
      %swap3A_403 = arith.constant 48 : index
      %swap3A_404 = tpu.vector_load %arg11[%swap3A_401, %swap3A_402, %swap3A_403] {strides = array<i32>} : memref<2x64x128xf32, #tpu.memory_space<vmem>>, vector<1x1x16xf32>,
      %swap3A_405 = vector.shape_cast %swap3A_404 : vector<1x1x16xf32> to vector<16xf32>
      %swap3A_406 = vector.shape_cast %broadcast_in_dim3A_399 : vector<16xf32> to vector<1x1x16xf32>
      tpu.vector_store %arg11[%swap3A_401, %swap3A_402, %swap3A_403], %swap3A_406 {strides = array<i32>} : memref<2x64x128xf32, #tpu.memory_space<vmem>>, vector<1x1x16xf32>,
      %broadcast_in_dim3A_407 = arith.constant 0.000000e+00 : f32
      %broadcast_in_dim3A_408 = vector.broadcast %broadcast_in_dim3A_407 : f32 to vector<16xf32>
      %swap3A_409 = arith.constant 0 : i32
      %swap3A_410 = arith.index_cast %swap3A_409 : i32 to index
      %swap3A_411 = arith.index_cast %scan3A_371 : i32 to index
      %swap3A_412 = arith.constant 64 : index
      %swap3A_413 = tpu.vector_load %arg11[%swap3A_410, %swap3A_411, %swap3A_412] {strides = array<i32>} : memref<2x64x128xf32, #tpu.memory_space<vmem>>, vector<1x1x16xf32>,
      %swap3A_414 = vector.shape_cast %swap3A_413 : vector<1x1x16xf32> to vector<16xf32>
      %swap3A_415 = vector.shape_cast %broadcast_in_dim3A_408 : vector<16xf32> to vector<1x1x16xf32>
      tpu.vector_store %arg11[%swap3A_410, %swap3A_411, %swap3A_412], %swap3A_415 {strides = array<i32>} : memref<2x64x128xf32, #tpu.memory_space<vmem>>, vector<1x1x16xf32>,
      %broadcast_in_dim3A_416 = arith.constant 0.000000e+00 : f32
      %broadcast_in_dim3A_417 = vector.broadcast %broadcast_in_dim3A_416 : f32 to vector<16xf32>
      %swap3A_418 = arith.constant 0 : i32
      %swap3A_419 = arith.index_cast %swap3A_418 : i32 to index
      %swap3A_420 = arith.index_cast %scan3A_371 : i32 to index
      %swap3A_421 = arith.constant 80 : index
      %swap3A_422 = tpu.vector_load %arg11[%swap3A_419, %swap3A_420, %swap3A_421] {strides = array<i32>} : memref<2x64x128xf32, #tpu.memory_space<vmem>>, vector<1x1x16xf32>,
      %swap3A_423 = vector.shape_cast %swap3A_422 : vector<1x1x16xf32> to vector<16xf32>
      %swap3A_424 = vector.shape_cast %broadcast_in_dim3A_417 : vector<16xf32> to vector<1x1x16xf32>
      tpu.vector_store %arg11[%swap3A_419, %swap3A_420, %swap3A_421], %swap3A_424 {strides = array<i32>} : memref<2x64x128xf32, #tpu.memory_space<vmem>>, vector<1x1x16xf32>,
      %broadcast_in_dim3A_425 = arith.constant 0.000000e+00 : f32
      %broadcast_in_dim3A_426 = vector.broadcast %broadcast_in_dim3A_425 : f32 to vector<16xf32>
      %swap3A_427 = arith.constant 0 : i32
      %swap3A_428 = arith.index_cast %swap3A_427 : i32 to index
      %swap3A_429 = arith.index_cast %scan3A_371 : i32 to index
      %swap3A_430 = arith.constant 96 : index
      %swap3A_431 = tpu.vector_load %arg11[%swap3A_428, %swap3A_429, %swap3A_430] {strides = array<i32>} : memref<2x64x128xf32, #tpu.memory_space<vmem>>, vector<1x1x16xf32>,
      %swap3A_432 = vector.shape_cast %swap3A_431 : vector<1x1x16xf32> to vector<16xf32>
      %swap3A_433 = vector.shape_cast %broadcast_in_dim3A_426 : vector<16xf32> to vector<1x1x16xf32>
      tpu.vector_store %arg11[%swap3A_428, %swap3A_429, %swap3A_430], %swap3A_433 {strides = array<i32>} : memref<2x64x128xf32, #tpu.memory_space<vmem>>, vector<1x1x16xf32>,
      %broadcast_in_dim3A_434 = arith.constant 0.000000e+00 : f32
      %broadcast_in_dim3A_435 = vector.broadcast %broadcast_in_dim3A_434 : f32 to vector<16xf32>
      %swap3A_436 = arith.constant 0 : i32
      %swap3A_437 = arith.index_cast %swap3A_436 : i32 to index
      %swap3A_438 = arith.index_cast %scan3A_371 : i32 to index
      %swap3A_439 = arith.constant 112 : index
      %swap3A_440 = tpu.vector_load %arg11[%swap3A_437, %swap3A_438, %swap3A_439] {strides = array<i32>} : memref<2x64x128xf32, #tpu.memory_space<vmem>>, vector<1x1x16xf32>,
      %swap3A_441 = vector.shape_cast %swap3A_440 : vector<1x1x16xf32> to vector<16xf32>
      %swap3A_442 = vector.shape_cast %broadcast_in_dim3A_435 : vector<16xf32> to vector<1x1x16xf32>
      tpu.vector_store %arg11[%swap3A_437, %swap3A_438, %swap3A_439], %swap3A_442 {strides = array<i32>} : memref<2x64x128xf32, #tpu.memory_space<vmem>>, vector<1x1x16xf32>,
    }
    %scan3A_5 = arith.constant 64 : i32
    %scan3A_6 = arith.constant 0 : i32
    %scan3A_7 = arith.constant 0 : i32
    %scan3A_8 = arith.constant 10 : i32
    %scan3A_9 = arith.addi %scan3A_7, %scan3A_8 : i32
    %scan3A_10 = arith.constant 1 : i32
    scf.for %scan3A_371 = %scan3A_7 to %scan3A_9 step %scan3A_10  : i32 {
      %mul3A_372 = arith.constant 16 : i32
      %mul3A_373 = arith.muli %scan3A_371, %mul3A_372 : i32
      %add3A_374 = arith.addi %mul3A_373, %arg1 : i32
      %lt3A = arith.constant 156 : i32
      %lt3A_375 = arith.cmpi slt, %add3A_374, %lt3A : i32
      %convert_element_type3A_376 = arith.extui %lt3A_375 : i1 to i32
      %cond3A_377 = arith.constant 0 : i32
      %cond3A_378 = arith.cmpi ne, %convert_element_type3A_376, %cond3A_377 : i32
      scf.if %cond3A_378 {
        %mul3A_379 = arith.constant 64 : i32
        %mul3A_380 = arith.muli %add3A_374, %mul3A_379 : i32
        %run_scoped3A = arith.constant 0 : i32
        "tpu.region"() ({
          %run_scoped3A_381 = tpu.sem_alloc : memref<!tpu.dma_semaphore, #tpu.memory_space<semaphore_mem>>
          %dma_start3A_382 = arith.constant 0 : i32
          %dma_start3A_383 = arith.constant 0 : i32
          %dma_start3A_384 = tpu.memref_slice %arg11[%run_scoped3A, %dma_start3A_382, %dma_start3A_383] : memref<2x64x128xf32, #tpu.memory_space<vmem>> -> memref<1x64x128xf32, #tpu.memory_space<vmem>>
          %dma_start3A_385 = tpu.memref_squeeze %dma_start3A_384 : memref<1x64x128xf32, #tpu.memory_space<vmem>> -> memref<64x128xf32, #tpu.memory_space<vmem>>
          %dma_start3A_386 = arith.constant 0 : i32
          %dma_start3A_387 = tpu.memref_slice %arg12[%mul3A_380, %dma_start3A_386] : memref<10008x128xf32, #tpu.memory_space<vmem_shared>> -> memref<64x128xf32, #tpu.memory_space<vmem_shared>>
          %dma_start3A_388 = arith.constant 0 : i32
          %dma_start3A_389 = tpu.memref_slice %arg12[%mul3A_380, %dma_start3A_388] : memref<10008x128xf32, #tpu.memory_space<vmem_shared>> -> memref<64x128xf32, #tpu.memory_space<vmem_shared>>
          %dma_start3A_390 = arith.constant 0 : i32
          %dma_start3A_391 = arith.constant 0 : i32
          %dma_start3A_392 = tpu.memref_slice %arg11[%run_scoped3A, %dma_start3A_390, %dma_start3A_391] : memref<2x64x128xf32, #tpu.memory_space<vmem>> -> memref<1x64x128xf32, #tpu.memory_space<vmem>>
          %dma_start3A_393 = tpu.memref_squeeze %dma_start3A_392 : memref<1x64x128xf32, #tpu.memory_space<vmem>> -> memref<64x128xf32, #tpu.memory_space<vmem>>
          tpu.enqueue_dma source(%dma_start3A_393 : memref<64x128xf32, #tpu.memory_space<vmem>>) target(%dma_start3A_389 : memref<64x128xf32, #tpu.memory_space<vmem_shared>>) target_semaphore(%run_scoped3A_381 : memref<!tpu.dma_semaphore, #tpu.memory_space<semaphore_mem>>)
          %dma_wait3A_394 = arith.constant 0 : i32
          %dma_wait3A_395 = arith.constant 0 : i32
          %dma_wait3A_396 = tpu.memref_slice %arg11[%run_scoped3A, %dma_wait3A_394, %dma_wait3A_395] : memref<2x64x128xf32, #tpu.memory_space<vmem>> -> memref<1x64x128xf32, #tpu.memory_space<vmem>>
          %dma_wait3A_397 = tpu.memref_squeeze %dma_wait3A_396 : memref<1x64x128xf32, #tpu.memory_space<vmem>> -> memref<64x128xf32, #tpu.memory_space<vmem>>
          %dma_wait3A_398 = arith.constant 0 : i32
          %dma_wait3A_399 = tpu.memref_slice %arg12[%mul3A_380, %dma_wait3A_398] : memref<10008x128xf32, #tpu.memory_space<vmem_shared>> -> memref<64x128xf32, #tpu.memory_space<vmem_shared>>
          %dma_wait3A_400 = arith.constant 0 : i32
          %dma_wait3A_401 = tpu.memref_slice %arg12[%mul3A_380, %dma_wait3A_400] : memref<10008x128xf32, #tpu.memory_space<vmem_shared>> -> memref<64x128xf32, #tpu.memory_space<vmem_shared>>
          %dma_wait3A_402 = arith.constant 0 : i32
          %dma_wait3A_403 = arith.constant 0 : i32
          %dma_wait3A_404 = tpu.memref_slice %arg11[%run_scoped3A, %dma_wait3A_402, %dma_wait3A_403] : memref<2x64x128xf32, #tpu.memory_space<vmem>> -> memref<1x64x128xf32, #tpu.memory_space<vmem>>
          %dma_wait3A_405 = tpu.memref_squeeze %dma_wait3A_404 : memref<1x64x128xf32, #tpu.memory_space<vmem>> -> memref<64x128xf32, #tpu.memory_space<vmem>>
          tpu.wait_dma2 semaphore(%run_scoped3A_381 : memref<!tpu.dma_semaphore, #tpu.memory_space<semaphore_mem>>) src(%dma_wait3A_405 : memref<64x128xf32, #tpu.memory_space<vmem>>) dst(%dma_wait3A_401 : memref<64x128xf32, #tpu.memory_space<vmem_shared>>)
          tpu.yield
        }) : () -> ()
      } else {
      }
    }
    %scan3A_11 = arith.constant 10 : i32
    %eq3A = arith.constant 0 : i32
    %eq3A_12 = arith.cmpi eq, %arg1, %eq3A : i32
    %convert_element_type3A = arith.extui %eq3A_12 : i1 to i32
    %cond3A = arith.constant 0 : i32
    %cond3A_13 = arith.cmpi ne, %convert_element_type3A, %cond3A : i32
    scf.if %cond3A_13 {
      %run_scoped3A = arith.constant 0 : i32
      "tpu.region"() ({
        %run_scoped3A_371 = tpu.sem_alloc : memref<!tpu.dma_semaphore, #tpu.memory_space<semaphore_mem>>
        %dma_start3A_372 = arith.constant 0 : i32
        %dma_start3A_373 = arith.constant 0 : i32
        %dma_start3A_374 = tpu.memref_slice %arg11[%run_scoped3A, %dma_start3A_372, %dma_start3A_373] : memref<2x64x128xf32, #tpu.memory_space<vmem>> -> memref<1x16x128xf32, #tpu.memory_space<vmem>>
        %dma_start3A_375 = tpu.memref_squeeze %dma_start3A_374 : memref<1x16x128xf32, #tpu.memory_space<vmem>> -> memref<16x128xf32, #tpu.memory_space<vmem>>
        %dma_start3A_376 = arith.constant 9984 : i32
        %dma_start3A_377 = arith.constant 0 : i32
        %dma_start3A_378 = tpu.memref_slice %arg12[%dma_start3A_376, %dma_start3A_377] : memref<10008x128xf32, #tpu.memory_space<vmem_shared>> -> memref<16x128xf32, #tpu.memory_space<vmem_shared>>
        %dma_start3A_379 = arith.constant 9984 : i32
        %dma_start3A_380 = arith.constant 0 : i32
        %dma_start3A_381 = tpu.memref_slice %arg12[%dma_start3A_379, %dma_start3A_380] : memref<10008x128xf32, #tpu.memory_space<vmem_shared>> -> memref<16x128xf32, #tpu.memory_space<vmem_shared>>
        %dma_start3A_382 = arith.constant 0 : i32
        %dma_start3A_383 = arith.constant 0 : i32
        %dma_start3A_384 = tpu.memref_slice %arg11[%run_scoped3A, %dma_start3A_382, %dma_start3A_383] : memref<2x64x128xf32, #tpu.memory_space<vmem>> -> memref<1x16x128xf32, #tpu.memory_space<vmem>>
        %dma_start3A_385 = tpu.memref_squeeze %dma_start3A_384 : memref<1x16x128xf32, #tpu.memory_space<vmem>> -> memref<16x128xf32, #tpu.memory_space<vmem>>
        tpu.enqueue_dma source(%dma_start3A_385 : memref<16x128xf32, #tpu.memory_space<vmem>>) target(%dma_start3A_381 : memref<16x128xf32, #tpu.memory_space<vmem_shared>>) target_semaphore(%run_scoped3A_371 : memref<!tpu.dma_semaphore, #tpu.memory_space<semaphore_mem>>)
        %dma_wait3A_386 = arith.constant 0 : i32
        %dma_wait3A_387 = arith.constant 0 : i32
        %dma_wait3A_388 = tpu.memref_slice %arg11[%run_scoped3A, %dma_wait3A_386, %dma_wait3A_387] : memref<2x64x128xf32, #tpu.memory_space<vmem>> -> memref<1x16x128xf32, #tpu.memory_space<vmem>>
        %dma_wait3A_389 = tpu.memref_squeeze %dma_wait3A_388 : memref<1x16x128xf32, #tpu.memory_space<vmem>> -> memref<16x128xf32, #tpu.memory_space<vmem>>
        %dma_wait3A_390 = arith.constant 9984 : i32
        %dma_wait3A_391 = arith.constant 0 : i32
        %dma_wait3A_392 = tpu.memref_slice %arg12[%dma_wait3A_390, %dma_wait3A_391] : memref<10008x128xf32, #tpu.memory_space<vmem_shared>> -> memref<16x128xf32, #tpu.memory_space<vmem_shared>>
        %dma_wait3A_393 = arith.constant 9984 : i32
        %dma_wait3A_394 = arith.constant 0 : i32
        %dma_wait3A_395 = tpu.memref_slice %arg12[%dma_wait3A_393, %dma_wait3A_394] : memref<10008x128xf32, #tpu.memory_space<vmem_shared>> -> memref<16x128xf32, #tpu.memory_space<vmem_shared>>
        %dma_wait3A_396 = arith.constant 0 : i32
        %dma_wait3A_397 = arith.constant 0 : i32
        %dma_wait3A_398 = tpu.memref_slice %arg11[%run_scoped3A, %dma_wait3A_396, %dma_wait3A_397] : memref<2x64x128xf32, #tpu.memory_space<vmem>> -> memref<1x16x128xf32, #tpu.memory_space<vmem>>
        %dma_wait3A_399 = tpu.memref_squeeze %dma_wait3A_398 : memref<1x16x128xf32, #tpu.memory_space<vmem>> -> memref<16x128xf32, #tpu.memory_space<vmem>>
        tpu.wait_dma2 semaphore(%run_scoped3A_371 : memref<!tpu.dma_semaphore, #tpu.memory_space<semaphore_mem>>) src(%dma_wait3A_399 : memref<16x128xf32, #tpu.memory_space<vmem>>) dst(%dma_wait3A_395 : memref<16x128xf32, #tpu.memory_space<vmem_shared>>)
        tpu.yield
      }) : () -> ()
    } else {
    }
    %barrier3A = arith.constant 0 : index
    tpu.barrier barrier_id(%barrier3A)
    %add3A_14 = arith.constant 0 : i32
    %add3A_15 = arith.addi %add3A_14, %add3A : i32
    %min3A = arith.constant 5023 : i32
    %min3A_16 = arith.minsi %add3A_15, %min3A : i32
    %mul3A_17 = arith.constant 64 : i32
    %mul3A_18 = arith.muli %min3A_16, %mul3A_17 : i32
    %dma_start3A = arith.constant 0 : i32
    %dma_start3A_19 = arith.constant 0 : i32
    %dma_start3A_20 = tpu.memref_slice %arg7[%dma_start3A, %dma_start3A_19] : memref<2x64xi32, #tpu.memory_space<vmem>> -> memref<1x64xi32, #tpu.memory_space<vmem>>
    %dma_start3A_21 = tpu.memref_squeeze %dma_start3A_20 : memref<1x64xi32, #tpu.memory_space<vmem>> -> memref<64xi32, #tpu.memory_space<vmem>>
    %dma_start3A_22 = tpu.memref_slice %arg4[%mul3A_18] : memref<321536xi32, #tpu.memory_space<hbm>> -> memref<64xi32, #tpu.memory_space<hbm>>
    %dma_start3A_23 = arith.constant 0 : i32
    %dma_start3A_24 = tpu.memref_slice %arg7[%dma_start3A, %dma_start3A_23] : memref<2x64xi32, #tpu.memory_space<vmem>> -> memref<1x64xi32, #tpu.memory_space<vmem>>
    %dma_start3A_25 = tpu.memref_squeeze %dma_start3A_24 : memref<1x64xi32, #tpu.memory_space<vmem>> -> memref<64xi32, #tpu.memory_space<vmem>>
    %dma_start3A_26 = tpu.memref_slice %arg4[%mul3A_18] : memref<321536xi32, #tpu.memory_space<hbm>> -> memref<64xi32, #tpu.memory_space<hbm>>
    tpu.enqueue_dma source(%dma_start3A_26 : memref<64xi32, #tpu.memory_space<hbm>>) target(%dma_start3A_25 : memref<64xi32, #tpu.memory_space<vmem>>) target_semaphore(%arg13 : memref<!tpu.dma_semaphore, #tpu.memory_space<semaphore_mem>>)
    %dma_start3A_27 = arith.constant 0 : i32
    %dma_start3A_28 = arith.constant 0 : i32
    %dma_start3A_29 = tpu.memref_slice %arg8[%dma_start3A_27, %dma_start3A_28] : memref<2x64xi32, #tpu.memory_space<vmem>> -> memref<1x64xi32, #tpu.memory_space<vmem>>
    %dma_start3A_30 = tpu.memref_squeeze %dma_start3A_29 : memref<1x64xi32, #tpu.memory_space<vmem>> -> memref<64xi32, #tpu.memory_space<vmem>>
    %dma_start3A_31 = tpu.memref_slice %arg5[%mul3A_18] : memref<321536xi32, #tpu.memory_space<hbm>> -> memref<64xi32, #tpu.memory_space<hbm>>
    %dma_start3A_32 = arith.constant 0 : i32
    %dma_start3A_33 = tpu.memref_slice %arg8[%dma_start3A_27, %dma_start3A_32] : memref<2x64xi32, #tpu.memory_space<vmem>> -> memref<1x64xi32, #tpu.memory_space<vmem>>
    %dma_start3A_34 = tpu.memref_squeeze %dma_start3A_33 : memref<1x64xi32, #tpu.memory_space<vmem>> -> memref<64xi32, #tpu.memory_space<vmem>>
    %dma_start3A_35 = tpu.memref_slice %arg5[%mul3A_18] : memref<321536xi32, #tpu.memory_space<hbm>> -> memref<64xi32, #tpu.memory_space<hbm>>
    tpu.enqueue_dma source(%dma_start3A_35 : memref<64xi32, #tpu.memory_space<hbm>>) target(%dma_start3A_34 : memref<64xi32, #tpu.memory_space<vmem>>) target_semaphore(%arg13 : memref<!tpu.dma_semaphore, #tpu.memory_space<semaphore_mem>>)
    %dma_start3A_36 = arith.constant 0 : i32
    %dma_start3A_37 = arith.constant 0 : i32
    %dma_start3A_38 = arith.constant 0 : i32
    %dma_start3A_39 = tpu.memref_slice %arg10[%dma_start3A_36, %dma_start3A_37, %dma_start3A_38] : memref<2x64x128xf32, #tpu.memory_space<vmem>> -> memref<1x64x128xf32, #tpu.memory_space<vmem>>
    %dma_start3A_40 = tpu.memref_squeeze %dma_start3A_39 : memref<1x64x128xf32, #tpu.memory_space<vmem>> -> memref<64x128xf32, #tpu.memory_space<vmem>>
    %dma_start3A_41 = arith.constant 0 : i32
    %dma_start3A_42 = tpu.memref_slice %arg3[%mul3A_18, %dma_start3A_41] : memref<321536x128xf32, #tpu.memory_space<hbm>> -> memref<64x128xf32, #tpu.memory_space<hbm>>
    %dma_start3A_43 = arith.constant 0 : i32
    %dma_start3A_44 = arith.constant 0 : i32
    %dma_start3A_45 = tpu.memref_slice %arg10[%dma_start3A_36, %dma_start3A_43, %dma_start3A_44] : memref<2x64x128xf32, #tpu.memory_space<vmem>> -> memref<1x64x128xf32, #tpu.memory_space<vmem>>
    %dma_start3A_46 = tpu.memref_squeeze %dma_start3A_45 : memref<1x64x128xf32, #tpu.memory_space<vmem>> -> memref<64x128xf32, #tpu.memory_space<vmem>>
    %dma_start3A_47 = arith.constant 0 : i32
    %dma_start3A_48 = tpu.memref_slice %arg3[%mul3A_18, %dma_start3A_47] : memref<321536x128xf32, #tpu.memory_space<hbm>> -> memref<64x128xf32, #tpu.memory_space<hbm>>
    tpu.enqueue_dma source(%dma_start3A_48 : memref<64x128xf32, #tpu.memory_space<hbm>>) target(%dma_start3A_46 : memref<64x128xf32, #tpu.memory_space<vmem>>) target_semaphore(%arg13 : memref<!tpu.dma_semaphore, #tpu.memory_space<semaphore_mem>>)
    %add3A_49 = arith.constant 0 : i32
    %add3A_50 = arith.addi %add3A_49, %add3A : i32
    %min3A_51 = arith.constant 5023 : i32
    %min3A_52 = arith.minsi %add3A_50, %min3A_51 : i32
    %mul3A_53 = arith.constant 64 : i32
    %mul3A_54 = arith.muli %min3A_52, %mul3A_53 : i32
    %dma_wait3A = arith.constant 0 : i32
    %dma_wait3A_55 = arith.constant 0 : i32
    %dma_wait3A_56 = tpu.memref_slice %arg7[%dma_wait3A, %dma_wait3A_55] : memref<2x64xi32, #tpu.memory_space<vmem>> -> memref<1x64xi32, #tpu.memory_space<vmem>>
    %dma_wait3A_57 = tpu.memref_squeeze %dma_wait3A_56 : memref<1x64xi32, #tpu.memory_space<vmem>> -> memref<64xi32, #tpu.memory_space<vmem>>
    %dma_wait3A_58 = tpu.memref_slice %arg4[%mul3A_54] : memref<321536xi32, #tpu.memory_space<hbm>> -> memref<64xi32, #tpu.memory_space<hbm>>
    %dma_wait3A_59 = arith.constant 0 : i32
    %dma_wait3A_60 = tpu.memref_slice %arg7[%dma_wait3A, %dma_wait3A_59] : memref<2x64xi32, #tpu.memory_space<vmem>> -> memref<1x64xi32, #tpu.memory_space<vmem>>
    %dma_wait3A_61 = tpu.memref_squeeze %dma_wait3A_60 : memref<1x64xi32, #tpu.memory_space<vmem>> -> memref<64xi32, #tpu.memory_space<vmem>>
    %dma_wait3A_62 = tpu.memref_slice %arg4[%mul3A_54] : memref<321536xi32, #tpu.memory_space<hbm>> -> memref<64xi32, #tpu.memory_space<hbm>>
    tpu.wait_dma2 semaphore(%arg13 : memref<!tpu.dma_semaphore, #tpu.memory_space<semaphore_mem>>) src(%dma_wait3A_62 : memref<64xi32, #tpu.memory_space<hbm>>) dst(%dma_wait3A_61 : memref<64xi32, #tpu.memory_space<vmem>>)
    %dma_wait3A_63 = arith.constant 0 : i32
    %dma_wait3A_64 = arith.constant 0 : i32
    %dma_wait3A_65 = tpu.memref_slice %arg8[%dma_wait3A_63, %dma_wait3A_64] : memref<2x64xi32, #tpu.memory_space<vmem>> -> memref<1x64xi32, #tpu.memory_space<vmem>>
    %dma_wait3A_66 = tpu.memref_squeeze %dma_wait3A_65 : memref<1x64xi32, #tpu.memory_space<vmem>> -> memref<64xi32, #tpu.memory_space<vmem>>
    %dma_wait3A_67 = tpu.memref_slice %arg5[%mul3A_54] : memref<321536xi32, #tpu.memory_space<hbm>> -> memref<64xi32, #tpu.memory_space<hbm>>
    %dma_wait3A_68 = arith.constant 0 : i32
    %dma_wait3A_69 = tpu.memref_slice %arg8[%dma_wait3A_63, %dma_wait3A_68] : memref<2x64xi32, #tpu.memory_space<vmem>> -> memref<1x64xi32, #tpu.memory_space<vmem>>
    %dma_wait3A_70 = tpu.memref_squeeze %dma_wait3A_69 : memref<1x64xi32, #tpu.memory_space<vmem>> -> memref<64xi32, #tpu.memory_space<vmem>>
    %dma_wait3A_71 = tpu.memref_slice %arg5[%mul3A_54] : memref<321536xi32, #tpu.memory_space<hbm>> -> memref<64xi32, #tpu.memory_space<hbm>>
    tpu.wait_dma2 semaphore(%arg13 : memref<!tpu.dma_semaphore, #tpu.memory_space<semaphore_mem>>) src(%dma_wait3A_71 : memref<64xi32, #tpu.memory_space<hbm>>) dst(%dma_wait3A_70 : memref<64xi32, #tpu.memory_space<vmem>>)
    %dma_wait3A_72 = arith.constant 0 : i32
    %dma_wait3A_73 = arith.constant 0 : i32
    %dma_wait3A_74 = arith.constant 0 : i32
    %dma_wait3A_75 = tpu.memref_slice %arg10[%dma_wait3A_72, %dma_wait3A_73, %dma_wait3A_74] : memref<2x64x128xf32, #tpu.memory_space<vmem>> -> memref<1x64x128xf32, #tpu.memory_space<vmem>>
    %dma_wait3A_76 = tpu.memref_squeeze %dma_wait3A_75 : memref<1x64x128xf32, #tpu.memory_space<vmem>> -> memref<64x128xf32, #tpu.memory_space<vmem>>
    %dma_wait3A_77 = arith.constant 0 : i32
    %dma_wait3A_78 = tpu.memref_slice %arg3[%mul3A_54, %dma_wait3A_77] : memref<321536x128xf32, #tpu.memory_space<hbm>> -> memref<64x128xf32, #tpu.memory_space<hbm>>
    %dma_wait3A_79 = arith.constant 0 : i32
    %dma_wait3A_80 = arith.constant 0 : i32
    %dma_wait3A_81 = tpu.memref_slice %arg10[%dma_wait3A_72, %dma_wait3A_79, %dma_wait3A_80] : memref<2x64x128xf32, #tpu.memory_space<vmem>> -> memref<1x64x128xf32, #tpu.memory_space<vmem>>
    %dma_wait3A_82 = tpu.memref_squeeze %dma_wait3A_81 : memref<1x64x128xf32, #tpu.memory_space<vmem>> -> memref<64x128xf32, #tpu.memory_space<vmem>>
    %dma_wait3A_83 = arith.constant 0 : i32
    %dma_wait3A_84 = tpu.memref_slice %arg3[%mul3A_54, %dma_wait3A_83] : memref<321536x128xf32, #tpu.memory_space<hbm>> -> memref<64x128xf32, #tpu.memory_space<hbm>>
    tpu.wait_dma2 semaphore(%arg13 : memref<!tpu.dma_semaphore, #tpu.memory_space<semaphore_mem>>) src(%dma_wait3A_84 : memref<64x128xf32, #tpu.memory_space<hbm>>) dst(%dma_wait3A_82 : memref<64x128xf32, #tpu.memory_space<vmem>>)
    %dma_start3A_85 = arith.constant 0 : i32
    %dma_start3A_86 = arith.constant 0 : i32
    %dma_start3A_87 = arith.constant 0 : i32
    %dma_start3A_88 = arith.constant 0 : i32
    %dma_start3A_89 = tpu.memref_slice %arg11[%dma_start3A_86, %dma_start3A_87, %dma_start3A_88] : memref<2x64x128xf32, #tpu.memory_space<vmem>> -> memref<1x64x128xf32, #tpu.memory_space<vmem>>
    %dma_start3A_90 = tpu.memref_squeeze %dma_start3A_89 : memref<1x64x128xf32, #tpu.memory_space<vmem>> -> memref<64x128xf32, #tpu.memory_space<vmem>>
    %dma_start3A_91 = arith.constant 0 : i32
    %dma_start3A_92 = tpu.memref_slice %arg7[%dma_start3A_85, %dma_start3A_91] : memref<2x64xi32, #tpu.memory_space<vmem>> -> memref<1x64xi32, #tpu.memory_space<vmem>>
    %dma_start3A_93 = tpu.memref_squeeze %dma_start3A_92 : memref<1x64xi32, #tpu.memory_space<vmem>> -> memref<64xi32, #tpu.memory_space<vmem>>
    %dma_start3A_94 = arith.constant 0 : i32
    %dma_start3A_95 = arith.constant 0 : i32
    %dma_start3A_96 = tpu.memref_slice %arg2[%dma_start3A_94, %dma_start3A_95] : memref<10000x128xf32, #tpu.memory_space<hbm>> -> memref<10000x128xf32, #tpu.memory_space<hbm>>
    tpu.enqueue_indirect_dma source(%dma_start3A_96 : memref<10000x128xf32, #tpu.memory_space<hbm>>) target(%dma_start3A_90 : memref<64x128xf32, #tpu.memory_space<vmem>>) offsets(%dma_start3A_93 : memref<64xi32, #tpu.memory_space<vmem>>) semaphore(%arg15 : memref<!tpu.dma_semaphore, #tpu.memory_space<semaphore_mem>>)
    %add3A_97 = arith.constant 32 : i32
    %add3A_98 = arith.addi %add3A_97, %add3A : i32
    %min3A_99 = arith.constant 5023 : i32
    %min3A_100 = arith.minsi %add3A_98, %min3A_99 : i32
    %mul3A_101 = arith.constant 64 : i32
    %mul3A_102 = arith.muli %min3A_100, %mul3A_101 : i32
    %dma_start3A_103 = arith.constant 1 : i32
    %dma_start3A_104 = arith.constant 0 : i32
    %dma_start3A_105 = tpu.memref_slice %arg7[%dma_start3A_103, %dma_start3A_104] : memref<2x64xi32, #tpu.memory_space<vmem>> -> memref<1x64xi32, #tpu.memory_space<vmem>>
    %dma_start3A_106 = tpu.memref_squeeze %dma_start3A_105 : memref<1x64xi32, #tpu.memory_space<vmem>> -> memref<64xi32, #tpu.memory_space<vmem>>
    %dma_start3A_107 = tpu.memref_slice %arg4[%mul3A_102] : memref<321536xi32, #tpu.memory_space<hbm>> -> memref<64xi32, #tpu.memory_space<hbm>>
    %dma_start3A_108 = arith.constant 0 : i32
    %dma_start3A_109 = tpu.memref_slice %arg7[%dma_start3A_103, %dma_start3A_108] : memref<2x64xi32, #tpu.memory_space<vmem>> -> memref<1x64xi32, #tpu.memory_space<vmem>>
    %dma_start3A_110 = tpu.memref_squeeze %dma_start3A_109 : memref<1x64xi32, #tpu.memory_space<vmem>> -> memref<64xi32, #tpu.memory_space<vmem>>
    %dma_start3A_111 = tpu.memref_slice %arg4[%mul3A_102] : memref<321536xi32, #tpu.memory_space<hbm>> -> memref<64xi32, #tpu.memory_space<hbm>>
    tpu.enqueue_dma source(%dma_start3A_111 : memref<64xi32, #tpu.memory_space<hbm>>) target(%dma_start3A_110 : memref<64xi32, #tpu.memory_space<vmem>>) target_semaphore(%arg14 : memref<!tpu.dma_semaphore, #tpu.memory_space<semaphore_mem>>)
    %dma_start3A_112 = arith.constant 1 : i32
    %dma_start3A_113 = arith.constant 0 : i32
    %dma_start3A_114 = tpu.memref_slice %arg8[%dma_start3A_112, %dma_start3A_113] : memref<2x64xi32, #tpu.memory_space<vmem>> -> memref<1x64xi32, #tpu.memory_space<vmem>>
    %dma_start3A_115 = tpu.memref_squeeze %dma_start3A_114 : memref<1x64xi32, #tpu.memory_space<vmem>> -> memref<64xi32, #tpu.memory_space<vmem>>
    %dma_start3A_116 = tpu.memref_slice %arg5[%mul3A_102] : memref<321536xi32, #tpu.memory_space<hbm>> -> memref<64xi32, #tpu.memory_space<hbm>>
    %dma_start3A_117 = arith.constant 0 : i32
    %dma_start3A_118 = tpu.memref_slice %arg8[%dma_start3A_112, %dma_start3A_117] : memref<2x64xi32, #tpu.memory_space<vmem>> -> memref<1x64xi32, #tpu.memory_space<vmem>>
    %dma_start3A_119 = tpu.memref_squeeze %dma_start3A_118 : memref<1x64xi32, #tpu.memory_space<vmem>> -> memref<64xi32, #tpu.memory_space<vmem>>
    %dma_start3A_120 = tpu.memref_slice %arg5[%mul3A_102] : memref<321536xi32, #tpu.memory_space<hbm>> -> memref<64xi32, #tpu.memory_space<hbm>>
    tpu.enqueue_dma source(%dma_start3A_120 : memref<64xi32, #tpu.memory_space<hbm>>) target(%dma_start3A_119 : memref<64xi32, #tpu.memory_space<vmem>>) target_semaphore(%arg14 : memref<!tpu.dma_semaphore, #tpu.memory_space<semaphore_mem>>)
    %dma_start3A_121 = arith.constant 1 : i32
    %dma_start3A_122 = arith.constant 0 : i32
    %dma_start3A_123 = arith.constant 0 : i32
    %dma_start3A_124 = tpu.memref_slice %arg10[%dma_start3A_121, %dma_start3A_122, %dma_start3A_123] : memref<2x64x128xf32, #tpu.memory_space<vmem>> -> memref<1x64x128xf32, #tpu.memory_space<vmem>>
    %dma_start3A_125 = tpu.memref_squeeze %dma_start3A_124 : memref<1x64x128xf32, #tpu.memory_space<vmem>> -> memref<64x128xf32, #tpu.memory_space<vmem>>
    %dma_start3A_126 = arith.constant 0 : i32
    %dma_start3A_127 = tpu.memref_slice %arg3[%mul3A_102, %dma_start3A_126] : memref<321536x128xf32, #tpu.memory_space<hbm>> -> memref<64x128xf32, #tpu.memory_space<hbm>>
    %dma_start3A_128 = arith.constant 0 : i32
    %dma_start3A_129 = arith.constant 0 : i32
    %dma_start3A_130 = tpu.memref_slice %arg10[%dma_start3A_121, %dma_start3A_128, %dma_start3A_129] : memref<2x64x128xf32, #tpu.memory_space<vmem>> -> memref<1x64x128xf32, #tpu.memory_space<vmem>>
    %dma_start3A_131 = tpu.memref_squeeze %dma_start3A_130 : memref<1x64x128xf32, #tpu.memory_space<vmem>> -> memref<64x128xf32, #tpu.memory_space<vmem>>
    %dma_start3A_132 = arith.constant 0 : i32
    %dma_start3A_133 = tpu.memref_slice %arg3[%mul3A_102, %dma_start3A_132] : memref<321536x128xf32, #tpu.memory_space<hbm>> -> memref<64x128xf32, #tpu.memory_space<hbm>>
    tpu.enqueue_dma source(%dma_start3A_133 : memref<64x128xf32, #tpu.memory_space<hbm>>) target(%dma_start3A_131 : memref<64x128xf32, #tpu.memory_space<vmem>>) target_semaphore(%arg14 : memref<!tpu.dma_semaphore, #tpu.memory_space<semaphore_mem>>)
    %dma_wait3A_134 = arith.constant 0 : i32
    %dma_wait3A_135 = arith.constant 0 : i32
    %dma_wait3A_136 = arith.constant 0 : i32
    %dma_wait3A_137 = arith.constant 0 : i32
    %dma_wait3A_138 = tpu.memref_slice %arg11[%dma_wait3A_135, %dma_wait3A_136, %dma_wait3A_137] : memref<2x64x128xf32, #tpu.memory_space<vmem>> -> memref<1x64x128xf32, #tpu.memory_space<vmem>>
    %dma_wait3A_139 = tpu.memref_squeeze %dma_wait3A_138 : memref<1x64x128xf32, #tpu.memory_space<vmem>> -> memref<64x128xf32, #tpu.memory_space<vmem>>
    %dma_wait3A_140 = arith.constant 0 : i32
    %dma_wait3A_141 = tpu.memref_slice %arg7[%dma_wait3A_134, %dma_wait3A_140] : memref<2x64xi32, #tpu.memory_space<vmem>> -> memref<1x64xi32, #tpu.memory_space<vmem>>
    %dma_wait3A_142 = tpu.memref_squeeze %dma_wait3A_141 : memref<1x64xi32, #tpu.memory_space<vmem>> -> memref<64xi32, #tpu.memory_space<vmem>>
    %dma_wait3A_143 = arith.constant 0 : i32
    %dma_wait3A_144 = arith.constant 0 : i32
    %dma_wait3A_145 = tpu.memref_slice %arg2[%dma_wait3A_143, %dma_wait3A_144] : memref<10000x128xf32, #tpu.memory_space<hbm>> -> memref<10000x128xf32, #tpu.memory_space<hbm>>
    tpu.wait_indirect_dma semaphore(%arg15 : memref<!tpu.dma_semaphore, #tpu.memory_space<semaphore_mem>>) src(%dma_wait3A_145 : memref<10000x128xf32, #tpu.memory_space<hbm>>) dst(%dma_wait3A_139 : memref<64x128xf32, #tpu.memory_space<vmem>>)
    %scan3A_146 = arith.constant 0 : i32
    %scan3A_147 = arith.constant 0 : i32
    %scan3A_148 = arith.constant 64 : i32
    %scan3A_149 = arith.addi %scan3A_147, %scan3A_148 : i32
    %scan3A_150 = arith.constant 1 : i32
    scf.for %scan3A_371 = %scan3A_147 to %scan3A_149 step %scan3A_150  : i32 {
      %get3A_372 = arith.constant 0 : i32
      %get3A_373 = arith.index_cast %get3A_372 : i32 to index
      %get3A_374 = arith.index_cast %scan3A_371 : i32 to index
      %get3A_375 = arith.constant 0 : index
      %get3A_376 = tpu.vector_load %arg11[%get3A_373, %get3A_374, %get3A_375] {strides = array<i32>} : memref<2x64x128xf32, #tpu.memory_space<vmem>>, vector<1x1x16xf32>,
      %get3A_377 = vector.shape_cast %get3A_376 : vector<1x1x16xf32> to vector<16xf32>
      %get3A_378 = arith.constant 0 : i32
      %get3A_379 = arith.index_cast %get3A_378 : i32 to index
      %get3A_380 = arith.index_cast %scan3A_371 : i32 to index
      %get3A_381 = arith.constant 0 : index
      %get3A_382 = tpu.vector_load %arg10[%get3A_379, %get3A_380, %get3A_381] {strides = array<i32>} : memref<2x64x128xf32, #tpu.memory_space<vmem>>, vector<1x1x16xf32>,
      %get3A_383 = vector.shape_cast %get3A_382 : vector<1x1x16xf32> to vector<16xf32>
      %add3A_384 = arith.addf %get3A_377, %get3A_383 : vector<16xf32>
      %max3A = arith.constant 0.000000e+00 : f32
      %max3A_385 = vector.broadcast %max3A : f32 to vector<16xf32>
      %max3A_386 = arith.maximumf %add3A_384, %max3A_385 : vector<16xf32>
      %swap3A_387 = arith.constant 0 : i32
      %swap3A_388 = arith.index_cast %swap3A_387 : i32 to index
      %swap3A_389 = arith.index_cast %scan3A_371 : i32 to index
      %swap3A_390 = arith.constant 0 : index
      %swap3A_391 = tpu.vector_load %arg11[%swap3A_388, %swap3A_389, %swap3A_390] {strides = array<i32>} : memref<2x64x128xf32, #tpu.memory_space<vmem>>, vector<1x1x16xf32>,
      %swap3A_392 = vector.shape_cast %swap3A_391 : vector<1x1x16xf32> to vector<16xf32>
      %swap3A_393 = vector.shape_cast %max3A_386 : vector<16xf32> to vector<1x1x16xf32>
      tpu.vector_store %arg11[%swap3A_388, %swap3A_389, %swap3A_390], %swap3A_393 {strides = array<i32>} : memref<2x64x128xf32, #tpu.memory_space<vmem>>, vector<1x1x16xf32>,
      %get3A_394 = arith.constant 0 : i32
      %get3A_395 = arith.index_cast %get3A_394 : i32 to index
      %get3A_396 = arith.index_cast %scan3A_371 : i32 to index
      %get3A_397 = arith.constant 16 : index
      %get3A_398 = tpu.vector_load %arg11[%get3A_395, %get3A_396, %get3A_397] {strides = array<i32>} : memref<2x64x128xf32, #tpu.memory_space<vmem>>, vector<1x1x16xf32>,
      %get3A_399 = vector.shape_cast %get3A_398 : vector<1x1x16xf32> to vector<16xf32>
      %get3A_400 = arith.constant 0 : i32
      %get3A_401 = arith.index_cast %get3A_400 : i32 to index
      %get3A_402 = arith.index_cast %scan3A_371 : i32 to index
      %get3A_403 = arith.constant 16 : index
      %get3A_404 = tpu.vector_load %arg10[%get3A_401, %get3A_402, %get3A_403] {strides = array<i32>} : memref<2x64x128xf32, #tpu.memory_space<vmem>>, vector<1x1x16xf32>,
      %get3A_405 = vector.shape_cast %get3A_404 : vector<1x1x16xf32> to vector<16xf32>
      %add3A_406 = arith.addf %get3A_399, %get3A_405 : vector<16xf32>
      %max3A_407 = arith.constant 0.000000e+00 : f32
      %max3A_408 = vector.broadcast %max3A_407 : f32 to vector<16xf32>
      %max3A_409 = arith.maximumf %add3A_406, %max3A_408 : vector<16xf32>
      %swap3A_410 = arith.constant 0 : i32
      %swap3A_411 = arith.index_cast %swap3A_410 : i32 to index
      %swap3A_412 = arith.index_cast %scan3A_371 : i32 to index
      %swap3A_413 = arith.constant 16 : index
      %swap3A_414 = tpu.vector_load %arg11[%swap3A_411, %swap3A_412, %swap3A_413] {strides = array<i32>} : memref<2x64x128xf32, #tpu.memory_space<vmem>>, vector<1x1x16xf32>,
      %swap3A_415 = vector.shape_cast %swap3A_414 : vector<1x1x16xf32> to vector<16xf32>
      %swap3A_416 = vector.shape_cast %max3A_409 : vector<16xf32> to vector<1x1x16xf32>
      tpu.vector_store %arg11[%swap3A_411, %swap3A_412, %swap3A_413], %swap3A_416 {strides = array<i32>} : memref<2x64x128xf32, #tpu.memory_space<vmem>>, vector<1x1x16xf32>,
      %get3A_417 = arith.constant 0 : i32
      %get3A_418 = arith.index_cast %get3A_417 : i32 to index
      %get3A_419 = arith.index_cast %scan3A_371 : i32 to index
      %get3A_420 = arith.constant 32 : index
      %get3A_421 = tpu.vector_load %arg11[%get3A_418, %get3A_419, %get3A_420] {strides = array<i32>} : memref<2x64x128xf32, #tpu.memory_space<vmem>>, vector<1x1x16xf32>,
      %get3A_422 = vector.shape_cast %get3A_421 : vector<1x1x16xf32> to vector<16xf32>
      %get3A_423 = arith.constant 0 : i32
      %get3A_424 = arith.index_cast %get3A_423 : i32 to index
      %get3A_425 = arith.index_cast %scan3A_371 : i32 to index
      %get3A_426 = arith.constant 32 : index
      %get3A_427 = tpu.vector_load %arg10[%get3A_424, %get3A_425, %get3A_426] {strides = array<i32>} : memref<2x64x128xf32, #tpu.memory_space<vmem>>, vector<1x1x16xf32>,
      %get3A_428 = vector.shape_cast %get3A_427 : vector<1x1x16xf32> to vector<16xf32>
      %add3A_429 = arith.addf %get3A_422, %get3A_428 : vector<16xf32>
      %max3A_430 = arith.constant 0.000000e+00 : f32
      %max3A_431 = vector.broadcast %max3A_430 : f32 to vector<16xf32>
      %max3A_432 = arith.maximumf %add3A_429, %max3A_431 : vector<16xf32>
      %swap3A_433 = arith.constant 0 : i32
      %swap3A_434 = arith.index_cast %swap3A_433 : i32 to index
      %swap3A_435 = arith.index_cast %scan3A_371 : i32 to index
      %swap3A_436 = arith.constant 32 : index
      %swap3A_437 = tpu.vector_load %arg11[%swap3A_434, %swap3A_435, %swap3A_436] {strides = array<i32>} : memref<2x64x128xf32, #tpu.memory_space<vmem>>, vector<1x1x16xf32>,
      %swap3A_438 = vector.shape_cast %swap3A_437 : vector<1x1x16xf32> to vector<16xf32>
      %swap3A_439 = vector.shape_cast %max3A_432 : vector<16xf32> to vector<1x1x16xf32>
      tpu.vector_store %arg11[%swap3A_434, %swap3A_435, %swap3A_436], %swap3A_439 {strides = array<i32>} : memref<2x64x128xf32, #tpu.memory_space<vmem>>, vector<1x1x16xf32>,
      %get3A_440 = arith.constant 0 : i32
      %get3A_441 = arith.index_cast %get3A_440 : i32 to index
      %get3A_442 = arith.index_cast %scan3A_371 : i32 to index
      %get3A_443 = arith.constant 48 : index
      %get3A_444 = tpu.vector_load %arg11[%get3A_441, %get3A_442, %get3A_443] {strides = array<i32>} : memref<2x64x128xf32, #tpu.memory_space<vmem>>, vector<1x1x16xf32>,
      %get3A_445 = vector.shape_cast %get3A_444 : vector<1x1x16xf32> to vector<16xf32>
      %get3A_446 = arith.constant 0 : i32
      %get3A_447 = arith.index_cast %get3A_446 : i32 to index
      %get3A_448 = arith.index_cast %scan3A_371 : i32 to index
      %get3A_449 = arith.constant 48 : index
      %get3A_450 = tpu.vector_load %arg10[%get3A_447, %get3A_448, %get3A_449] {strides = array<i32>} : memref<2x64x128xf32, #tpu.memory_space<vmem>>, vector<1x1x16xf32>,
      %get3A_451 = vector.shape_cast %get3A_450 : vector<1x1x16xf32> to vector<16xf32>
      %add3A_452 = arith.addf %get3A_445, %get3A_451 : vector<16xf32>
      %max3A_453 = arith.constant 0.000000e+00 : f32
      %max3A_454 = vector.broadcast %max3A_453 : f32 to vector<16xf32>
      %max3A_455 = arith.maximumf %add3A_452, %max3A_454 : vector<16xf32>
      %swap3A_456 = arith.constant 0 : i32
      %swap3A_457 = arith.index_cast %swap3A_456 : i32 to index
      %swap3A_458 = arith.index_cast %scan3A_371 : i32 to index
      %swap3A_459 = arith.constant 48 : index
      %swap3A_460 = tpu.vector_load %arg11[%swap3A_457, %swap3A_458, %swap3A_459] {strides = array<i32>} : memref<2x64x128xf32, #tpu.memory_space<vmem>>, vector<1x1x16xf32>,
      %swap3A_461 = vector.shape_cast %swap3A_460 : vector<1x1x16xf32> to vector<16xf32>
      %swap3A_462 = vector.shape_cast %max3A_455 : vector<16xf32> to vector<1x1x16xf32>
      tpu.vector_store %arg11[%swap3A_457, %swap3A_458, %swap3A_459], %swap3A_462 {strides = array<i32>} : memref<2x64x128xf32, #tpu.memory_space<vmem>>, vector<1x1x16xf32>,
      %get3A_463 = arith.constant 0 : i32
      %get3A_464 = arith.index_cast %get3A_463 : i32 to index
      %get3A_465 = arith.index_cast %scan3A_371 : i32 to index
      %get3A_466 = arith.constant 64 : index
      %get3A_467 = tpu.vector_load %arg11[%get3A_464, %get3A_465, %get3A_466] {strides = array<i32>} : memref<2x64x128xf32, #tpu.memory_space<vmem>>, vector<1x1x16xf32>,
      %get3A_468 = vector.shape_cast %get3A_467 : vector<1x1x16xf32> to vector<16xf32>
      %get3A_469 = arith.constant 0 : i32
      %get3A_470 = arith.index_cast %get3A_469 : i32 to index
      %get3A_471 = arith.index_cast %scan3A_371 : i32 to index
      %get3A_472 = arith.constant 64 : index
      %get3A_473 = tpu.vector_load %arg10[%get3A_470, %get3A_471, %get3A_472] {strides = array<i32>} : memref<2x64x128xf32, #tpu.memory_space<vmem>>, vector<1x1x16xf32>,
      %get3A_474 = vector.shape_cast %get3A_473 : vector<1x1x16xf32> to vector<16xf32>
      %add3A_475 = arith.addf %get3A_468, %get3A_474 : vector<16xf32>
      %max3A_476 = arith.constant 0.000000e+00 : f32
      %max3A_477 = vector.broadcast %max3A_476 : f32 to vector<16xf32>
      %max3A_478 = arith.maximumf %add3A_475, %max3A_477 : vector<16xf32>
      %swap3A_479 = arith.constant 0 : i32
      %swap3A_480 = arith.index_cast %swap3A_479 : i32 to index
      %swap3A_481 = arith.index_cast %scan3A_371 : i32 to index
      %swap3A_482 = arith.constant 64 : index
      %swap3A_483 = tpu.vector_load %arg11[%swap3A_480, %swap3A_481, %swap3A_482] {strides = array<i32>} : memref<2x64x128xf32, #tpu.memory_space<vmem>>, vector<1x1x16xf32>,
      %swap3A_484 = vector.shape_cast %swap3A_483 : vector<1x1x16xf32> to vector<16xf32>
      %swap3A_485 = vector.shape_cast %max3A_478 : vector<16xf32> to vector<1x1x16xf32>
      tpu.vector_store %arg11[%swap3A_480, %swap3A_481, %swap3A_482], %swap3A_485 {strides = array<i32>} : memref<2x64x128xf32, #tpu.memory_space<vmem>>, vector<1x1x16xf32>,
      %get3A_486 = arith.constant 0 : i32
      %get3A_487 = arith.index_cast %get3A_486 : i32 to index
      %get3A_488 = arith.index_cast %scan3A_371 : i32 to index
      %get3A_489 = arith.constant 80 : index
      %get3A_490 = tpu.vector_load %arg11[%get3A_487, %get3A_488, %get3A_489] {strides = array<i32>} : memref<2x64x128xf32, #tpu.memory_space<vmem>>, vector<1x1x16xf32>,
      %get3A_491 = vector.shape_cast %get3A_490 : vector<1x1x16xf32> to vector<16xf32>
      %get3A_492 = arith.constant 0 : i32
      %get3A_493 = arith.index_cast %get3A_492 : i32 to index
      %get3A_494 = arith.index_cast %scan3A_371 : i32 to index
      %get3A_495 = arith.constant 80 : index
      %get3A_496 = tpu.vector_load %arg10[%get3A_493, %get3A_494, %get3A_495] {strides = array<i32>} : memref<2x64x128xf32, #tpu.memory_space<vmem>>, vector<1x1x16xf32>,
      %get3A_497 = vector.shape_cast %get3A_496 : vector<1x1x16xf32> to vector<16xf32>
      %add3A_498 = arith.addf %get3A_491, %get3A_497 : vector<16xf32>
      %max3A_499 = arith.constant 0.000000e+00 : f32
      %max3A_500 = vector.broadcast %max3A_499 : f32 to vector<16xf32>
      %max3A_501 = arith.maximumf %add3A_498, %max3A_500 : vector<16xf32>
      %swap3A_502 = arith.constant 0 : i32
      %swap3A_503 = arith.index_cast %swap3A_502 : i32 to index
      %swap3A_504 = arith.index_cast %scan3A_371 : i32 to index
      %swap3A_505 = arith.constant 80 : index
      %swap3A_506 = tpu.vector_load %arg11[%swap3A_503, %swap3A_504, %swap3A_505] {strides = array<i32>} : memref<2x64x128xf32, #tpu.memory_space<vmem>>, vector<1x1x16xf32>,
      %swap3A_507 = vector.shape_cast %swap3A_506 : vector<1x1x16xf32> to vector<16xf32>
      %swap3A_508 = vector.shape_cast %max3A_501 : vector<16xf32> to vector<1x1x16xf32>
      tpu.vector_store %arg11[%swap3A_503, %swap3A_504, %swap3A_505], %swap3A_508 {strides = array<i32>} : memref<2x64x128xf32, #tpu.memory_space<vmem>>, vector<1x1x16xf32>,
      %get3A_509 = arith.constant 0 : i32
      %get3A_510 = arith.index_cast %get3A_509 : i32 to index
      %get3A_511 = arith.index_cast %scan3A_371 : i32 to index
      %get3A_512 = arith.constant 96 : index
      %get3A_513 = tpu.vector_load %arg11[%get3A_510, %get3A_511, %get3A_512] {strides = array<i32>} : memref<2x64x128xf32, #tpu.memory_space<vmem>>, vector<1x1x16xf32>,
      %get3A_514 = vector.shape_cast %get3A_513 : vector<1x1x16xf32> to vector<16xf32>
      %get3A_515 = arith.constant 0 : i32
      %get3A_516 = arith.index_cast %get3A_515 : i32 to index
      %get3A_517 = arith.index_cast %scan3A_371 : i32 to index
      %get3A_518 = arith.constant 96 : index
      %get3A_519 = tpu.vector_load %arg10[%get3A_516, %get3A_517, %get3A_518] {strides = array<i32>} : memref<2x64x128xf32, #tpu.memory_space<vmem>>, vector<1x1x16xf32>,
      %get3A_520 = vector.shape_cast %get3A_519 : vector<1x1x16xf32> to vector<16xf32>
      %add3A_521 = arith.addf %get3A_514, %get3A_520 : vector<16xf32>
      %max3A_522 = arith.constant 0.000000e+00 : f32
      %max3A_523 = vector.broadcast %max3A_522 : f32 to vector<16xf32>
      %max3A_524 = arith.maximumf %add3A_521, %max3A_523 : vector<16xf32>
      %swap3A_525 = arith.constant 0 : i32
      %swap3A_526 = arith.index_cast %swap3A_525 : i32 to index
      %swap3A_527 = arith.index_cast %scan3A_371 : i32 to index
      %swap3A_528 = arith.constant 96 : index
      %swap3A_529 = tpu.vector_load %arg11[%swap3A_526, %swap3A_527, %swap3A_528] {strides = array<i32>} : memref<2x64x128xf32, #tpu.memory_space<vmem>>, vector<1x1x16xf32>,
      %swap3A_530 = vector.shape_cast %swap3A_529 : vector<1x1x16xf32> to vector<16xf32>
      %swap3A_531 = vector.shape_cast %max3A_524 : vector<16xf32> to vector<1x1x16xf32>
      tpu.vector_store %arg11[%swap3A_526, %swap3A_527, %swap3A_528], %swap3A_531 {strides = array<i32>} : memref<2x64x128xf32, #tpu.memory_space<vmem>>, vector<1x1x16xf32>,
      %get3A_532 = arith.constant 0 : i32
      %get3A_533 = arith.index_cast %get3A_532 : i32 to index
      %get3A_534 = arith.index_cast %scan3A_371 : i32 to index
      %get3A_535 = arith.constant 112 : index
      %get3A_536 = tpu.vector_load %arg11[%get3A_533, %get3A_534, %get3A_535] {strides = array<i32>} : memref<2x64x128xf32, #tpu.memory_space<vmem>>, vector<1x1x16xf32>,
      %get3A_537 = vector.shape_cast %get3A_536 : vector<1x1x16xf32> to vector<16xf32>
      %get3A_538 = arith.constant 0 : i32
      %get3A_539 = arith.index_cast %get3A_538 : i32 to index
      %get3A_540 = arith.index_cast %scan3A_371 : i32 to index
      %get3A_541 = arith.constant 112 : index
      %get3A_542 = tpu.vector_load %arg10[%get3A_539, %get3A_540, %get3A_541] {strides = array<i32>} : memref<2x64x128xf32, #tpu.memory_space<vmem>>, vector<1x1x16xf32>,
      %get3A_543 = vector.shape_cast %get3A_542 : vector<1x1x16xf32> to vector<16xf32>
      %add3A_544 = arith.addf %get3A_537, %get3A_543 : vector<16xf32>
      %max3A_545 = arith.constant 0.000000e+00 : f32
      %max3A_546 = vector.broadcast %max3A_545 : f32 to vector<16xf32>
      %max3A_547 = arith.maximumf %add3A_544, %max3A_546 : vector<16xf32>
      %swap3A_548 = arith.constant 0 : i32
      %swap3A_549 = arith.index_cast %swap3A_548 : i32 to index
      %swap3A_550 = arith.index_cast %scan3A_371 : i32 to index
      %swap3A_551 = arith.constant 112 : index
      %swap3A_552 = tpu.vector_load %arg11[%swap3A_549, %swap3A_550, %swap3A_551] {strides = array<i32>} : memref<2x64x128xf32, #tpu.memory_space<vmem>>, vector<1x1x16xf32>,
      %swap3A_553 = vector.shape_cast %swap3A_552 : vector<1x1x16xf32> to vector<16xf32>
      %swap3A_554 = vector.shape_cast %max3A_547 : vector<16xf32> to vector<1x1x16xf32>
      tpu.vector_store %arg11[%swap3A_549, %swap3A_550, %swap3A_551], %swap3A_554 {strides = array<i32>} : memref<2x64x128xf32, #tpu.memory_space<vmem>>, vector<1x1x16xf32>,
    }
    %scan3A_151 = arith.constant 64 : i32
    %get3A = arith.constant 0 : i32
    %get3A_152 = arith.index_cast %get3A : i32 to index
    %get3A_153 = arith.constant 0 : index
    %get3A_154 = tpu.vector_load %arg8[%get3A_152, %get3A_153] {strides = array<i32>} : memref<2x64xi32, #tpu.memory_space<vmem>>, vector<1x16xi32>,
    %get3A_155 = vector.shape_cast %get3A_154 : vector<1x16xi32> to vector<16xi32>
    %swap3A = arith.constant 0 : i32
    %swap3A_156 = arith.index_cast %swap3A : i32 to index
    %swap3A_157 = arith.constant 0 : index
    %swap3A_158 = tpu.vector_load %arg9[%swap3A_156, %swap3A_157] {strides = array<i32>} : memref<2x64xi32, #tpu.memory_space<vmem>>, vector<1x16xi32>,
    %swap3A_159 = vector.shape_cast %swap3A_158 : vector<1x16xi32> to vector<16xi32>
    %swap3A_160 = vector.shape_cast %get3A_155 : vector<16xi32> to vector<1x16xi32>
    tpu.vector_store %arg9[%swap3A_156, %swap3A_157], %swap3A_160 {strides = array<i32>} : memref<2x64xi32, #tpu.memory_space<vmem>>, vector<1x16xi32>,
    %get3A_161 = arith.constant 0 : i32
    %get3A_162 = arith.index_cast %get3A_161 : i32 to index
    %get3A_163 = arith.constant 16 : index
    %get3A_164 = tpu.vector_load %arg8[%get3A_162, %get3A_163] {strides = array<i32>} : memref<2x64xi32, #tpu.memory_space<vmem>>, vector<1x16xi32>,
    %get3A_165 = vector.shape_cast %get3A_164 : vector<1x16xi32> to vector<16xi32>
    %swap3A_166 = arith.constant 0 : i32
    %swap3A_167 = arith.index_cast %swap3A_166 : i32 to index
    %swap3A_168 = arith.constant 16 : index
    %swap3A_169 = tpu.vector_load %arg9[%swap3A_167, %swap3A_168] {strides = array<i32>} : memref<2x64xi32, #tpu.memory_space<vmem>>, vector<1x16xi32>,
    %swap3A_170 = vector.shape_cast %swap3A_169 : vector<1x16xi32> to vector<16xi32>
    %swap3A_171 = vector.shape_cast %get3A_165 : vector<16xi32> to vector<1x16xi32>
    tpu.vector_store %arg9[%swap3A_167, %swap3A_168], %swap3A_171 {strides = array<i32>} : memref<2x64xi32, #tpu.memory_space<vmem>>, vector<1x16xi32>,
    %get3A_172 = arith.constant 0 : i32
    %get3A_173 = arith.index_cast %get3A_172 : i32 to index
    %get3A_174 = arith.constant 32 : index
    %get3A_175 = tpu.vector_load %arg8[%get3A_173, %get3A_174] {strides = array<i32>} : memref<2x64xi32, #tpu.memory_space<vmem>>, vector<1x16xi32>,
    %get3A_176 = vector.shape_cast %get3A_175 : vector<1x16xi32> to vector<16xi32>
    %swap3A_177 = arith.constant 0 : i32
    %swap3A_178 = arith.index_cast %swap3A_177 : i32 to index
    %swap3A_179 = arith.constant 32 : index
    %swap3A_180 = tpu.vector_load %arg9[%swap3A_178, %swap3A_179] {strides = array<i32>} : memref<2x64xi32, #tpu.memory_space<vmem>>, vector<1x16xi32>,
    %swap3A_181 = vector.shape_cast %swap3A_180 : vector<1x16xi32> to vector<16xi32>
    %swap3A_182 = vector.shape_cast %get3A_176 : vector<16xi32> to vector<1x16xi32>
    tpu.vector_store %arg9[%swap3A_178, %swap3A_179], %swap3A_182 {strides = array<i32>} : memref<2x64xi32, #tpu.memory_space<vmem>>, vector<1x16xi32>,
    %get3A_183 = arith.constant 0 : i32
    %get3A_184 = arith.index_cast %get3A_183 : i32 to index
    %get3A_185 = arith.constant 48 : index
    %get3A_186 = tpu.vector_load %arg8[%get3A_184, %get3A_185] {strides = array<i32>} : memref<2x64xi32, #tpu.memory_space<vmem>>, vector<1x16xi32>,
    %get3A_187 = vector.shape_cast %get3A_186 : vector<1x16xi32> to vector<16xi32>
    %swap3A_188 = arith.constant 0 : i32
    %swap3A_189 = arith.index_cast %swap3A_188 : i32 to index
    %swap3A_190 = arith.constant 48 : index
    %swap3A_191 = tpu.vector_load %arg9[%swap3A_189, %swap3A_190] {strides = array<i32>} : memref<2x64xi32, #tpu.memory_space<vmem>>, vector<1x16xi32>,
    %swap3A_192 = vector.shape_cast %swap3A_191 : vector<1x16xi32> to vector<16xi32>
    %swap3A_193 = vector.shape_cast %get3A_187 : vector<16xi32> to vector<1x16xi32>
    tpu.vector_store %arg9[%swap3A_189, %swap3A_190], %swap3A_193 {strides = array<i32>} : memref<2x64xi32, #tpu.memory_space<vmem>>, vector<1x16xi32>,
    %dma_start3A_194 = arith.constant 0 : i32
    %dma_start3A_195 = arith.constant 0 : i32
    %dma_start3A_196 = arith.constant 0 : i32
    %dma_start3A_197 = arith.constant 0 : i32
    %dma_start3A_198 = tpu.memref_slice %arg11[%dma_start3A_194, %dma_start3A_196, %dma_start3A_197] : memref<2x64x128xf32, #tpu.memory_space<vmem>> -> memref<1x64x128xf32, #tpu.memory_space<vmem>>
    %dma_start3A_199 = tpu.memref_squeeze %dma_start3A_198 : memref<1x64x128xf32, #tpu.memory_space<vmem>> -> memref<64x128xf32, #tpu.memory_space<vmem>>
    %dma_start3A_200 = arith.constant 0 : i32
    %dma_start3A_201 = tpu.memref_slice %arg9[%dma_start3A_195, %dma_start3A_200] : memref<2x64xi32, #tpu.memory_space<vmem>> -> memref<1x64xi32, #tpu.memory_space<vmem>>
    %dma_start3A_202 = tpu.memref_squeeze %dma_start3A_201 : memref<1x64xi32, #tpu.memory_space<vmem>> -> memref<64xi32, #tpu.memory_space<vmem>>
    %dma_start3A_203 = arith.constant 0 : i32
    %dma_start3A_204 = arith.constant 0 : i32
    %dma_start3A_205 = tpu.memref_slice %arg12[%dma_start3A_203, %dma_start3A_204] : memref<10008x128xf32, #tpu.memory_space<vmem_shared>> -> memref<10008x128xf32, #tpu.memory_space<vmem_shared>>
    tpu.enqueue_indirect_dma source(%dma_start3A_199 : memref<64x128xf32, #tpu.memory_space<vmem>>) target(%dma_start3A_205 : memref<10008x128xf32, #tpu.memory_space<vmem_shared>>) offsets(%dma_start3A_202 : memref<64xi32, #tpu.memory_space<vmem>>) semaphore(%arg17 : memref<!tpu.dma_semaphore, #tpu.memory_space<semaphore_mem>>) {add = true}
    %add3A_206 = arith.constant 32 : i32
    %add3A_207 = arith.addi %add3A_206, %add3A : i32
    %min3A_208 = arith.constant 5023 : i32
    %min3A_209 = arith.minsi %add3A_207, %min3A_208 : i32
    %mul3A_210 = arith.constant 64 : i32
    %mul3A_211 = arith.muli %min3A_209, %mul3A_210 : i32
    %dma_wait3A_212 = arith.constant 1 : i32
    %dma_wait3A_213 = arith.constant 0 : i32
    %dma_wait3A_214 = tpu.memref_slice %arg7[%dma_wait3A_212, %dma_wait3A_213] : memref<2x64xi32, #tpu.memory_space<vmem>> -> memref<1x64xi32, #tpu.memory_space<vmem>>
    %dma_wait3A_215 = tpu.memref_squeeze %dma_wait3A_214 : memref<1x64xi32, #tpu.memory_space<vmem>> -> memref<64xi32, #tpu.memory_space<vmem>>
    %dma_wait3A_216 = tpu.memref_slice %arg4[%mul3A_211] : memref<321536xi32, #tpu.memory_space<hbm>> -> memref<64xi32, #tpu.memory_space<hbm>>
    %dma_wait3A_217 = arith.constant 0 : i32
    %dma_wait3A_218 = tpu.memref_slice %arg7[%dma_wait3A_212, %dma_wait3A_217] : memref<2x64xi32, #tpu.memory_space<vmem>> -> memref<1x64xi32, #tpu.memory_space<vmem>>
    %dma_wait3A_219 = tpu.memref_squeeze %dma_wait3A_218 : memref<1x64xi32, #tpu.memory_space<vmem>> -> memref<64xi32, #tpu.memory_space<vmem>>
    %dma_wait3A_220 = tpu.memref_slice %arg4[%mul3A_211] : memref<321536xi32, #tpu.memory_space<hbm>> -> memref<64xi32, #tpu.memory_space<hbm>>
    tpu.wait_dma2 semaphore(%arg14 : memref<!tpu.dma_semaphore, #tpu.memory_space<semaphore_mem>>) src(%dma_wait3A_220 : memref<64xi32, #tpu.memory_space<hbm>>) dst(%dma_wait3A_219 : memref<64xi32, #tpu.memory_space<vmem>>)
    %dma_wait3A_221 = arith.constant 1 : i32
    %dma_wait3A_222 = arith.constant 0 : i32
    %dma_wait3A_223 = tpu.memref_slice %arg8[%dma_wait3A_221, %dma_wait3A_222] : memref<2x64xi32, #tpu.memory_space<vmem>> -> memref<1x64xi32, #tpu.memory_space<vmem>>
    %dma_wait3A_224 = tpu.memref_squeeze %dma_wait3A_223 : memref<1x64xi32, #tpu.memory_space<vmem>> -> memref<64xi32, #tpu.memory_space<vmem>>
    %dma_wait3A_225 = tpu.memref_slice %arg5[%mul3A_211] : memref<321536xi32, #tpu.memory_space<hbm>> -> memref<64xi32, #tpu.memory_space<hbm>>
    %dma_wait3A_226 = arith.constant 0 : i32
    %dma_wait3A_227 = tpu.memref_slice %arg8[%dma_wait3A_221, %dma_wait3A_226] : memref<2x64xi32, #tpu.memory_space<vmem>> -> memref<1x64xi32, #tpu.memory_space<vmem>>
    %dma_wait3A_228 = tpu.memref_squeeze %dma_wait3A_227 : memref<1x64xi32, #tpu.memory_space<vmem>> -> memref<64xi32, #tpu.memory_space<vmem>>
    %dma_wait3A_229 = tpu.memref_slice %arg5[%mul3A_211] : memref<321536xi32, #tpu.memory_space<hbm>> -> memref<64xi32, #tpu.memory_space<hbm>>
    tpu.wait_dma2 semaphore(%arg14 : memref<!tpu.dma_semaphore, #tpu.memory_space<semaphore_mem>>) src(%dma_wait3A_229 : memref<64xi32, #tpu.memory_space<hbm>>) dst(%dma_wait3A_228 : memref<64xi32, #tpu.memory_space<vmem>>)
    %dma_wait3A_230 = arith.constant 1 : i32
    %dma_wait3A_231 = arith.constant 0 : i32
    %dma_wait3A_232 = arith.constant 0 : i32
    %dma_wait3A_233 = tpu.memref_slice %arg10[%dma_wait3A_230, %dma_wait3A_231, %dma_wait3A_232] : memref<2x64x128xf32, #tpu.memory_space<vmem>> -> memref<1x64x128xf32, #tpu.memory_space<vmem>>
    %dma_wait3A_234 = tpu.memref_squeeze %dma_wait3A_233 : memref<1x64x128xf32, #tpu.memory_space<vmem>> -> memref<64x128xf32, #tpu.memory_space<vmem>>
    %dma_wait3A_235 = arith.constant 0 : i32
    %dma_wait3A_236 = tpu.memref_slice %arg3[%mul3A_211, %dma_wait3A_235] : memref<321536x128xf32, #tpu.memory_space<hbm>> -> memref<64x128xf32, #tpu.memory_space<hbm>>
    %dma_wait3A_237 = arith.constant 0 : i32
    %dma_wait3A_238 = arith.constant 0 : i32
    %dma_wait3A_239 = tpu.memref_slice %arg10[%dma_wait3A_230, %dma_wait3A_237, %dma_wait3A_238] : memref<2x64x128xf32, #tpu.memory_space<vmem>> -> memref<1x64x128xf32, #tpu.memory_space<vmem>>
    %dma_wait3A_240 = tpu.memref_squeeze %dma_wait3A_239 : memref<1x64x128xf32, #tpu.memory_space<vmem>> -> memref<64x128xf32, #tpu.memory_space<vmem>>
    %dma_wait3A_241 = arith.constant 0 : i32
    %dma_wait3A_242 = tpu.memref_slice %arg3[%mul3A_211, %dma_wait3A_241] : memref<321536x128xf32, #tpu.memory_space<hbm>> -> memref<64x128xf32, #tpu.memory_space<hbm>>
    tpu.wait_dma2 semaphore(%arg14 : memref<!tpu.dma_semaphore, #tpu.memory_space<semaphore_mem>>) src(%dma_wait3A_242 : memref<64x128xf32, #tpu.memory_space<hbm>>) dst(%dma_wait3A_240 : memref<64x128xf32, #tpu.memory_space<vmem>>)
    %dma_start3A_243 = arith.constant 1 : i32
    %dma_start3A_244 = arith.constant 1 : i32
    %dma_start3A_245 = arith.constant 0 : i32
    %dma_start3A_246 = arith.constant 0 : i32
    %dma_start3A_247 = tpu.memref_slice %arg11[%dma_start3A_244, %dma_start3A_245, %dma_start3A_246] : memref<2x64x128xf32, #tpu.memory_space<vmem>> -> memref<1x64x128xf32, #tpu.memory_space<vmem>>
    %dma_start3A_248 = tpu.memref_squeeze %dma_start3A_247 : memref<1x64x128xf32, #tpu.memory_space<vmem>> -> memref<64x128xf32, #tpu.memory_space<vmem>>
    %dma_start3A_249 = arith.constant 0 : i32
    %dma_start3A_250 = tpu.memref_slice %arg7[%dma_start3A_243, %dma_start3A_249] : memref<2x64xi32, #tpu.memory_space<vmem>> -> memref<1x64xi32, #tpu.memory_space<vmem>>
    %dma_start3A_251 = tpu.memref_squeeze %dma_start3A_250 : memref<1x64xi32, #tpu.memory_space<vmem>> -> memref<64xi32, #tpu.memory_space<vmem>>
    %dma_start3A_252 = arith.constant 0 : i32
    %dma_start3A_253 = arith.constant 0 : i32
    %dma_start3A_254 = tpu.memref_slice %arg2[%dma_start3A_252, %dma_start3A_253] : memref<10000x128xf32, #tpu.memory_space<hbm>> -> memref<10000x128xf32, #tpu.memory_space<hbm>>
    tpu.enqueue_indirect_dma source(%dma_start3A_254 : memref<10000x128xf32, #tpu.memory_space<hbm>>) target(%dma_start3A_248 : memref<64x128xf32, #tpu.memory_space<vmem>>) offsets(%dma_start3A_251 : memref<64xi32, #tpu.memory_space<vmem>>) semaphore(%arg16 : memref<!tpu.dma_semaphore, #tpu.memory_space<semaphore_mem>>)
    %add3A_255 = arith.constant 64 : i32
    %add3A_256 = arith.addi %add3A_255, %add3A : i32
    %min3A_257 = arith.constant 5023 : i32
    %min3A_258 = arith.minsi %add3A_256, %min3A_257 : i32
    %mul3A_259 = arith.constant 64 : i32
    %mul3A_260 = arith.muli %min3A_258, %mul3A_259 : i32
    %dma_start3A_261 = arith.constant 0 : i32
    %dma_start3A_262 = arith.constant 0 : i32
    %dma_start3A_263 = tpu.memref_slice %arg7[%dma_start3A_261, %dma_start3A_262] : memref<2x64xi32, #tpu.memory_space<vmem>> -> memref<1x64xi32, #tpu.memory_space<vmem>>
    %dma_start3A_264 = tpu.memref_squeeze %dma_start3A_263 : memref<1x64xi32, #tpu.memory_space<vmem>> -> memref<64xi32, #tpu.memory_space<vmem>>
    %dma_start3A_265 = tpu.memref_slice %arg4[%mul3A_260] : memref<321536xi32, #tpu.memory_space<hbm>> -> memref<64xi32, #tpu.memory_space<hbm>>
    %dma_start3A_266 = arith.constant 0 : i32
    %dma_start3A_267 = tpu.memref_slice %arg7[%dma_start3A_261, %dma_start3A_266] : memref<2x64xi32, #tpu.memory_space<vmem>> -> memref<1x64xi32, #tpu.memory_space<vmem>>
    %dma_start3A_268 = tpu.memref_squeeze %dma_start3A_267 : memref<1x64xi32, #tpu.memory_space<vmem>> -> memref<64xi32, #tpu.memory_space<vmem>>
    %dma_start3A_269 = tpu.memref_slice %arg4[%mul3A_260] : memref<321536xi32, #tpu.memory_space<hbm>> -> memref<64xi32, #tpu.memory_space<hbm>>
    tpu.enqueue_dma source(%dma_start3A_269 : memref<64xi32, #tpu.memory_space<hbm>>) target(%dma_start3A_268 : memref<64xi32, #tpu.memory_space<vmem>>) target_semaphore(%arg13 : memref<!tpu.dma_semaphore, #tpu.memory_space<semaphore_mem>>)
    %dma_start3A_270 = arith.constant 0 : i32
    %dma_start3A_271 = arith.constant 0 : i32
    %dma_start3A_272 = tpu.memref_slice %arg8[%dma_start3A_270, %dma_start3A_271] : memref<2x64xi32, #tpu.memory_space<vmem>> -> memref<1x64xi32, #tpu.memory_space<vmem>>
    %dma_start3A_273 = tpu.memref_squeeze %dma_start3A_272 : memref<1x64xi32, #tpu.memory_space<vmem>> -> memref<64xi32, #tpu.memory_space<vmem>>
    %dma_start3A_274 = tpu.memref_slice %arg5[%mul3A_260] : memref<321536xi32, #tpu.memory_space<hbm>> -> memref<64xi32, #tpu.memory_space<hbm>>
    %dma_start3A_275 = arith.constant 0 : i32
    %dma_start3A_276 = tpu.memref_slice %arg8[%dma_start3A_270, %dma_start3A_275] : memref<2x64xi32, #tpu.memory_space<vmem>> -> memref<1x64xi32, #tpu.memory_space<vmem>>
    %dma_start3A_277 = tpu.memref_squeeze %dma_start3A_276 : memref<1x64xi32, #tpu.memory_space<vmem>> -> memref<64xi32, #tpu.memory_space<vmem>>
    %dma_start3A_278 = tpu.memref_slice %arg5[%mul3A_260] : memref<321536xi32, #tpu.memory_space<hbm>> -> memref<64xi32, #tpu.memory_space<hbm>>
    tpu.enqueue_dma source(%dma_start3A_278 : memref<64xi32, #tpu.memory_space<hbm>>) target(%dma_start3A_277 : memref<64xi32, #tpu.memory_space<vmem>>) target_semaphore(%arg13 : memref<!tpu.dma_semaphore, #tpu.memory_space<semaphore_mem>>)
    %dma_start3A_279 = arith.constant 0 : i32
    %dma_start3A_280 = arith.constant 0 : i32
    %dma_start3A_281 = arith.constant 0 : i32
    %dma_start3A_282 = tpu.memref_slice %arg10[%dma_start3A_279, %dma_start3A_280, %dma_start3A_281] : memref<2x64x128xf32, #tpu.memory_space<vmem>> -> memref<1x64x128xf32, #tpu.memory_space<vmem>>
    %dma_start3A_283 = tpu.memref_squeeze %dma_start3A_282 : memref<1x64x128xf32, #tpu.memory_space<vmem>> -> memref<64x128xf32, #tpu.memory_space<vmem>>
    %dma_start3A_284 = arith.constant 0 : i32
    %dma_start3A_285 = tpu.memref_slice %arg3[%mul3A_260, %dma_start3A_284] : memref<321536x128xf32, #tpu.memory_space<hbm>> -> memref<64x128xf32, #tpu.memory_space<hbm>>
    %dma_start3A_286 = arith.constant 0 : i32
    %dma_start3A_287 = arith.constant 0 : i32
    %dma_start3A_288 = tpu.memref_slice %arg10[%dma_start3A_279, %dma_start3A_286, %dma_start3A_287] : memref<2x64x128xf32, #tpu.memory_space<vmem>> -> memref<1x64x128xf32, #tpu.memory_space<vmem>>
    %dma_start3A_289 = tpu.memref_squeeze %dma_start3A_288 : memref<1x64x128xf32, #tpu.memory_space<vmem>> -> memref<64x128xf32, #tpu.memory_space<vmem>>
    %dma_start3A_290 = arith.constant 0 : i32
    %dma_start3A_291 = tpu.memref_slice %arg3[%mul3A_260, %dma_start3A_290] : memref<321536x128xf32, #tpu.memory_space<hbm>> -> memref<64x128xf32, #tpu.memory_space<hbm>>
    tpu.enqueue_dma source(%dma_start3A_291 : memref<64x128xf32, #tpu.memory_space<hbm>>) target(%dma_start3A_289 : memref<64x128xf32, #tpu.memory_space<vmem>>) target_semaphore(%arg13 : memref<!tpu.dma_semaphore, #tpu.memory_space<semaphore_mem>>)
    %scan3A_292 = arith.constant 0 : i32
    %scan3A_293 = arith.constant 0 : i32
    %scan3A_294 = arith.constant 78 : i32
    %scan3A_295 = arith.addi %scan3A_293, %scan3A_294 : i32
    %scan3A_296 = arith.constant 1 : i32
    scf.for %scan3A_371 = %scan3A_293 to %scan3A_295 step %scan3A_296  : i32 {
      %mul3A_372 = arith.constant 2 : i32
      %mul3A_373 = arith.muli %mul3A_372, %scan3A_371 : i32
      %add3A_374 = arith.constant 1 : i32
      %add3A_375 = arith.addi %mul3A_373, %add3A_374 : i32
      %dma_wait3A_376 = arith.constant 1 : i32
      %dma_wait3A_377 = arith.constant 1 : i32
      %dma_wait3A_378 = arith.constant 0 : i32
      %dma_wait3A_379 = arith.constant 0 : i32
      %dma_wait3A_380 = tpu.memref_slice %arg11[%dma_wait3A_377, %dma_wait3A_378, %dma_wait3A_379] : memref<2x64x128xf32, #tpu.memory_space<vmem>> -> memref<1x64x128xf32, #tpu.memory_space<vmem>>
      %dma_wait3A_381 = tpu.memref_squeeze %dma_wait3A_380 : memref<1x64x128xf32, #tpu.memory_space<vmem>> -> memref<64x128xf32, #tpu.memory_space<vmem>>
      %dma_wait3A_382 = arith.constant 0 : i32
      %dma_wait3A_383 = tpu.memref_slice %arg7[%dma_wait3A_376, %dma_wait3A_382] : memref<2x64xi32, #tpu.memory_space<vmem>> -> memref<1x64xi32, #tpu.memory_space<vmem>>
      %dma_wait3A_384 = tpu.memref_squeeze %dma_wait3A_383 : memref<1x64xi32, #tpu.memory_space<vmem>> -> memref<64xi32, #tpu.memory_space<vmem>>
      %dma_wait3A_385 = arith.constant 0 : i32
      %dma_wait3A_386 = arith.constant 0 : i32
      %dma_wait3A_387 = tpu.memref_slice %arg2[%dma_wait3A_385, %dma_wait3A_386] : memref<10000x128xf32, #tpu.memory_space<hbm>> -> memref<10000x128xf32, #tpu.memory_space<hbm>>
      tpu.wait_indirect_dma semaphore(%arg16 : memref<!tpu.dma_semaphore, #tpu.memory_space<semaphore_mem>>) src(%dma_wait3A_387 : memref<10000x128xf32, #tpu.memory_space<hbm>>) dst(%dma_wait3A_381 : memref<64x128xf32, #tpu.memory_space<vmem>>)
      %scan3A_388 = arith.constant 0 : i32
      %scan3A_389 = arith.constant 0 : i32
      %scan3A_390 = arith.constant 64 : i32
      %scan3A_391 = arith.addi %scan3A_389, %scan3A_390 : i32
      %scan3A_392 = arith.constant 1 : i32
      scf.for %scan3A_736 = %scan3A_389 to %scan3A_391 step %scan3A_392  : i32 {
        %get3A_737 = arith.constant 1 : i32
        %get3A_738 = arith.index_cast %get3A_737 : i32 to index
        %get3A_739 = arith.index_cast %scan3A_736 : i32 to index
        %get3A_740 = arith.constant 0 : index
        %get3A_741 = tpu.vector_load %arg11[%get3A_738, %get3A_739, %get3A_740] {strides = array<i32>} : memref<2x64x128xf32, #tpu.memory_space<vmem>>, vector<1x1x16xf32>,
        %get3A_742 = vector.shape_cast %get3A_741 : vector<1x1x16xf32> to vector<16xf32>
        %get3A_743 = arith.constant 1 : i32
        %get3A_744 = arith.index_cast %get3A_743 : i32 to index
        %get3A_745 = arith.index_cast %scan3A_736 : i32 to index
        %get3A_746 = arith.constant 0 : index
        %get3A_747 = tpu.vector_load %arg10[%get3A_744, %get3A_745, %get3A_746] {strides = array<i32>} : memref<2x64x128xf32, #tpu.memory_space<vmem>>, vector<1x1x16xf32>,
        %get3A_748 = vector.shape_cast %get3A_747 : vector<1x1x16xf32> to vector<16xf32>
        %add3A_749 = arith.addf %get3A_742, %get3A_748 : vector<16xf32>
        %max3A = arith.constant 0.000000e+00 : f32
        %max3A_750 = vector.broadcast %max3A : f32 to vector<16xf32>
        %max3A_751 = arith.maximumf %add3A_749, %max3A_750 : vector<16xf32>
        %swap3A_752 = arith.constant 1 : i32
        %swap3A_753 = arith.index_cast %swap3A_752 : i32 to index
        %swap3A_754 = arith.index_cast %scan3A_736 : i32 to index
        %swap3A_755 = arith.constant 0 : index
        %swap3A_756 = tpu.vector_load %arg11[%swap3A_753, %swap3A_754, %swap3A_755] {strides = array<i32>} : memref<2x64x128xf32, #tpu.memory_space<vmem>>, vector<1x1x16xf32>,
        %swap3A_757 = vector.shape_cast %swap3A_756 : vector<1x1x16xf32> to vector<16xf32>
        %swap3A_758 = vector.shape_cast %max3A_751 : vector<16xf32> to vector<1x1x16xf32>
        tpu.vector_store %arg11[%swap3A_753, %swap3A_754, %swap3A_755], %swap3A_758 {strides = array<i32>} : memref<2x64x128xf32, #tpu.memory_space<vmem>>, vector<1x1x16xf32>,
        %get3A_759 = arith.constant 1 : i32
        %get3A_760 = arith.index_cast %get3A_759 : i32 to index
        %get3A_761 = arith.index_cast %scan3A_736 : i32 to index
        %get3A_762 = arith.constant 16 : index
        %get3A_763 = tpu.vector_load %arg11[%get3A_760, %get3A_761, %get3A_762] {strides = array<i32>} : memref<2x64x128xf32, #tpu.memory_space<vmem>>, vector<1x1x16xf32>,
        %get3A_764 = vector.shape_cast %get3A_763 : vector<1x1x16xf32> to vector<16xf32>
        %get3A_765 = arith.constant 1 : i32
        %get3A_766 = arith.index_cast %get3A_765 : i32 to index
        %get3A_767 = arith.index_cast %scan3A_736 : i32 to index
        %get3A_768 = arith.constant 16 : index
        %get3A_769 = tpu.vector_load %arg10[%get3A_766, %get3A_767, %get3A_768] {strides = array<i32>} : memref<2x64x128xf32, #tpu.memory_space<vmem>>, vector<1x1x16xf32>,
        %get3A_770 = vector.shape_cast %get3A_769 : vector<1x1x16xf32> to vector<16xf32>
        %add3A_771 = arith.addf %get3A_764, %get3A_770 : vector<16xf32>
        %max3A_772 = arith.constant 0.000000e+00 : f32
        %max3A_773 = vector.broadcast %max3A_772 : f32 to vector<16xf32>
        %max3A_774 = arith.maximumf %add3A_771, %max3A_773 : vector<16xf32>
        %swap3A_775 = arith.constant 1 : i32
        %swap3A_776 = arith.index_cast %swap3A_775 : i32 to index
        %swap3A_777 = arith.index_cast %scan3A_736 : i32 to index
        %swap3A_778 = arith.constant 16 : index
        %swap3A_779 = tpu.vector_load %arg11[%swap3A_776, %swap3A_777, %swap3A_778] {strides = array<i32>} : memref<2x64x128xf32, #tpu.memory_space<vmem>>, vector<1x1x16xf32>,
        %swap3A_780 = vector.shape_cast %swap3A_779 : vector<1x1x16xf32> to vector<16xf32>
        %swap3A_781 = vector.shape_cast %max3A_774 : vector<16xf32> to vector<1x1x16xf32>
        tpu.vector_store %arg11[%swap3A_776, %swap3A_777, %swap3A_778], %swap3A_781 {strides = array<i32>} : memref<2x64x128xf32, #tpu.memory_space<vmem>>, vector<1x1x16xf32>,
        %get3A_782 = arith.constant 1 : i32
        %get3A_783 = arith.index_cast %get3A_782 : i32 to index
        %get3A_784 = arith.index_cast %scan3A_736 : i32 to index
        %get3A_785 = arith.constant 32 : index
        %get3A_786 = tpu.vector_load %arg11[%get3A_783, %get3A_784, %get3A_785] {strides = array<i32>} : memref<2x64x128xf32, #tpu.memory_space<vmem>>, vector<1x1x16xf32>,
        %get3A_787 = vector.shape_cast %get3A_786 : vector<1x1x16xf32> to vector<16xf32>
        %get3A_788 = arith.constant 1 : i32
        %get3A_789 = arith.index_cast %get3A_788 : i32 to index
        %get3A_790 = arith.index_cast %scan3A_736 : i32 to index
        %get3A_791 = arith.constant 32 : index
        %get3A_792 = tpu.vector_load %arg10[%get3A_789, %get3A_790, %get3A_791] {strides = array<i32>} : memref<2x64x128xf32, #tpu.memory_space<vmem>>, vector<1x1x16xf32>,
        %get3A_793 = vector.shape_cast %get3A_792 : vector<1x1x16xf32> to vector<16xf32>
        %add3A_794 = arith.addf %get3A_787, %get3A_793 : vector<16xf32>
        %max3A_795 = arith.constant 0.000000e+00 : f32
        %max3A_796 = vector.broadcast %max3A_795 : f32 to vector<16xf32>
        %max3A_797 = arith.maximumf %add3A_794, %max3A_796 : vector<16xf32>
        %swap3A_798 = arith.constant 1 : i32
        %swap3A_799 = arith.index_cast %swap3A_798 : i32 to index
        %swap3A_800 = arith.index_cast %scan3A_736 : i32 to index
        %swap3A_801 = arith.constant 32 : index
        %swap3A_802 = tpu.vector_load %arg11[%swap3A_799, %swap3A_800, %swap3A_801] {strides = array<i32>} : memref<2x64x128xf32, #tpu.memory_space<vmem>>, vector<1x1x16xf32>,
        %swap3A_803 = vector.shape_cast %swap3A_802 : vector<1x1x16xf32> to vector<16xf32>
        %swap3A_804 = vector.shape_cast %max3A_797 : vector<16xf32> to vector<1x1x16xf32>
        tpu.vector_store %arg11[%swap3A_799, %swap3A_800, %swap3A_801], %swap3A_804 {strides = array<i32>} : memref<2x64x128xf32, #tpu.memory_space<vmem>>, vector<1x1x16xf32>,
        %get3A_805 = arith.constant 1 : i32
        %get3A_806 = arith.index_cast %get3A_805 : i32 to index
        %get3A_807 = arith.index_cast %scan3A_736 : i32 to index
        %get3A_808 = arith.constant 48 : index
        %get3A_809 = tpu.vector_load %arg11[%get3A_806, %get3A_807, %get3A_808] {strides = array<i32>} : memref<2x64x128xf32, #tpu.memory_space<vmem>>, vector<1x1x16xf32>,
        %get3A_810 = vector.shape_cast %get3A_809 : vector<1x1x16xf32> to vector<16xf32>
        %get3A_811 = arith.constant 1 : i32
        %get3A_812 = arith.index_cast %get3A_811 : i32 to index
        %get3A_813 = arith.index_cast %scan3A_736 : i32 to index
        %get3A_814 = arith.constant 48 : index
        %get3A_815 = tpu.vector_load %arg10[%get3A_812, %get3A_813, %get3A_814] {strides = array<i32>} : memref<2x64x128xf32, #tpu.memory_space<vmem>>, vector<1x1x16xf32>,
        %get3A_816 = vector.shape_cast %get3A_815 : vector<1x1x16xf32> to vector<16xf32>
        %add3A_817 = arith.addf %get3A_810, %get3A_816 : vector<16xf32>
        %max3A_818 = arith.constant 0.000000e+00 : f32
        %max3A_819 = vector.broadcast %max3A_818 : f32 to vector<16xf32>
        %max3A_820 = arith.maximumf %add3A_817, %max3A_819 : vector<16xf32>
        %swap3A_821 = arith.constant 1 : i32
        %swap3A_822 = arith.index_cast %swap3A_821 : i32 to index
        %swap3A_823 = arith.index_cast %scan3A_736 : i32 to index
        %swap3A_824 = arith.constant 48 : index
        %swap3A_825 = tpu.vector_load %arg11[%swap3A_822, %swap3A_823, %swap3A_824] {strides = array<i32>} : memref<2x64x128xf32, #tpu.memory_space<vmem>>, vector<1x1x16xf32>,
        %swap3A_826 = vector.shape_cast %swap3A_825 : vector<1x1x16xf32> to vector<16xf32>
        %swap3A_827 = vector.shape_cast %max3A_820 : vector<16xf32> to vector<1x1x16xf32>
        tpu.vector_store %arg11[%swap3A_822, %swap3A_823, %swap3A_824], %swap3A_827 {strides = array<i32>} : memref<2x64x128xf32, #tpu.memory_space<vmem>>, vector<1x1x16xf32>,
        %get3A_828 = arith.constant 1 : i32
        %get3A_829 = arith.index_cast %get3A_828 : i32 to index
        %get3A_830 = arith.index_cast %scan3A_736 : i32 to index
        %get3A_831 = arith.constant 64 : index
        %get3A_832 = tpu.vector_load %arg11[%get3A_829, %get3A_830, %get3A_831] {strides = array<i32>} : memref<2x64x128xf32, #tpu.memory_space<vmem>>, vector<1x1x16xf32>,
        %get3A_833 = vector.shape_cast %get3A_832 : vector<1x1x16xf32> to vector<16xf32>
        %get3A_834 = arith.constant 1 : i32
        %get3A_835 = arith.index_cast %get3A_834 : i32 to index
        %get3A_836 = arith.index_cast %scan3A_736 : i32 to index
        %get3A_837 = arith.constant 64 : index
        %get3A_838 = tpu.vector_load %arg10[%get3A_835, %get3A_836, %get3A_837] {strides = array<i32>} : memref<2x64x128xf32, #tpu.memory_space<vmem>>, vector<1x1x16xf32>,
        %get3A_839 = vector.shape_cast %get3A_838 : vector<1x1x16xf32> to vector<16xf32>
        %add3A_840 = arith.addf %get3A_833, %get3A_839 : vector<16xf32>
        %max3A_841 = arith.constant 0.000000e+00 : f32
        %max3A_842 = vector.broadcast %max3A_841 : f32 to vector<16xf32>
        %max3A_843 = arith.maximumf %add3A_840, %max3A_842 : vector<16xf32>
        %swap3A_844 = arith.constant 1 : i32
        %swap3A_845 = arith.index_cast %swap3A_844 : i32 to index
        %swap3A_846 = arith.index_cast %scan3A_736 : i32 to index
        %swap3A_847 = arith.constant 64 : index
        %swap3A_848 = tpu.vector_load %arg11[%swap3A_845, %swap3A_846, %swap3A_847] {strides = array<i32>} : memref<2x64x128xf32, #tpu.memory_space<vmem>>, vector<1x1x16xf32>,
        %swap3A_849 = vector.shape_cast %swap3A_848 : vector<1x1x16xf32> to vector<16xf32>
        %swap3A_850 = vector.shape_cast %max3A_843 : vector<16xf32> to vector<1x1x16xf32>
        tpu.vector_store %arg11[%swap3A_845, %swap3A_846, %swap3A_847], %swap3A_850 {strides = array<i32>} : memref<2x64x128xf32, #tpu.memory_space<vmem>>, vector<1x1x16xf32>,
        %get3A_851 = arith.constant 1 : i32
        %get3A_852 = arith.index_cast %get3A_851 : i32 to index
        %get3A_853 = arith.index_cast %scan3A_736 : i32 to index
        %get3A_854 = arith.constant 80 : index
        %get3A_855 = tpu.vector_load %arg11[%get3A_852, %get3A_853, %get3A_854] {strides = array<i32>} : memref<2x64x128xf32, #tpu.memory_space<vmem>>, vector<1x1x16xf32>,
        %get3A_856 = vector.shape_cast %get3A_855 : vector<1x1x16xf32> to vector<16xf32>
        %get3A_857 = arith.constant 1 : i32
        %get3A_858 = arith.index_cast %get3A_857 : i32 to index
        %get3A_859 = arith.index_cast %scan3A_736 : i32 to index
        %get3A_860 = arith.constant 80 : index
        %get3A_861 = tpu.vector_load %arg10[%get3A_858, %get3A_859, %get3A_860] {strides = array<i32>} : memref<2x64x128xf32, #tpu.memory_space<vmem>>, vector<1x1x16xf32>,
        %get3A_862 = vector.shape_cast %get3A_861 : vector<1x1x16xf32> to vector<16xf32>
        %add3A_863 = arith.addf %get3A_856, %get3A_862 : vector<16xf32>
        %max3A_864 = arith.constant 0.000000e+00 : f32
        %max3A_865 = vector.broadcast %max3A_864 : f32 to vector<16xf32>
        %max3A_866 = arith.maximumf %add3A_863, %max3A_865 : vector<16xf32>
        %swap3A_867 = arith.constant 1 : i32
        %swap3A_868 = arith.index_cast %swap3A_867 : i32 to index
        %swap3A_869 = arith.index_cast %scan3A_736 : i32 to index
        %swap3A_870 = arith.constant 80 : index
        %swap3A_871 = tpu.vector_load %arg11[%swap3A_868, %swap3A_869, %swap3A_870] {strides = array<i32>} : memref<2x64x128xf32, #tpu.memory_space<vmem>>, vector<1x1x16xf32>,
        %swap3A_872 = vector.shape_cast %swap3A_871 : vector<1x1x16xf32> to vector<16xf32>
        %swap3A_873 = vector.shape_cast %max3A_866 : vector<16xf32> to vector<1x1x16xf32>
        tpu.vector_store %arg11[%swap3A_868, %swap3A_869, %swap3A_870], %swap3A_873 {strides = array<i32>} : memref<2x64x128xf32, #tpu.memory_space<vmem>>, vector<1x1x16xf32>,
        %get3A_874 = arith.constant 1 : i32
        %get3A_875 = arith.index_cast %get3A_874 : i32 to index
        %get3A_876 = arith.index_cast %scan3A_736 : i32 to index
        %get3A_877 = arith.constant 96 : index
        %get3A_878 = tpu.vector_load %arg11[%get3A_875, %get3A_876, %get3A_877] {strides = array<i32>} : memref<2x64x128xf32, #tpu.memory_space<vmem>>, vector<1x1x16xf32>,
        %get3A_879 = vector.shape_cast %get3A_878 : vector<1x1x16xf32> to vector<16xf32>
        %get3A_880 = arith.constant 1 : i32
        %get3A_881 = arith.index_cast %get3A_880 : i32 to index
        %get3A_882 = arith.index_cast %scan3A_736 : i32 to index
        %get3A_883 = arith.constant 96 : index
        %get3A_884 = tpu.vector_load %arg10[%get3A_881, %get3A_882, %get3A_883] {strides = array<i32>} : memref<2x64x128xf32, #tpu.memory_space<vmem>>, vector<1x1x16xf32>,
        %get3A_885 = vector.shape_cast %get3A_884 : vector<1x1x16xf32> to vector<16xf32>
        %add3A_886 = arith.addf %get3A_879, %get3A_885 : vector<16xf32>
        %max3A_887 = arith.constant 0.000000e+00 : f32
        %max3A_888 = vector.broadcast %max3A_887 : f32 to vector<16xf32>
        %max3A_889 = arith.maximumf %add3A_886, %max3A_888 : vector<16xf32>
        %swap3A_890 = arith.constant 1 : i32
        %swap3A_891 = arith.index_cast %swap3A_890 : i32 to index
        %swap3A_892 = arith.index_cast %scan3A_736 : i32 to index
        %swap3A_893 = arith.constant 96 : index
        %swap3A_894 = tpu.vector_load %arg11[%swap3A_891, %swap3A_892, %swap3A_893] {strides = array<i32>} : memref<2x64x128xf32, #tpu.memory_space<vmem>>, vector<1x1x16xf32>,
        %swap3A_895 = vector.shape_cast %swap3A_894 : vector<1x1x16xf32> to vector<16xf32>
        %swap3A_896 = vector.shape_cast %max3A_889 : vector<16xf32> to vector<1x1x16xf32>
        tpu.vector_store %arg11[%swap3A_891, %swap3A_892, %swap3A_893], %swap3A_896 {strides = array<i32>} : memref<2x64x128xf32, #tpu.memory_space<vmem>>, vector<1x1x16xf32>,
        %get3A_897 = arith.constant 1 : i32
        %get3A_898 = arith.index_cast %get3A_897 : i32 to index
        %get3A_899 = arith.index_cast %scan3A_736 : i32 to index
        %get3A_900 = arith.constant 112 : index
        %get3A_901 = tpu.vector_load %arg11[%get3A_898, %get3A_899, %get3A_900] {strides = array<i32>} : memref<2x64x128xf32, #tpu.memory_space<vmem>>, vector<1x1x16xf32>,
        %get3A_902 = vector.shape_cast %get3A_901 : vector<1x1x16xf32> to vector<16xf32>
        %get3A_903 = arith.constant 1 : i32
        %get3A_904 = arith.index_cast %get3A_903 : i32 to index
        %get3A_905 = arith.index_cast %scan3A_736 : i32 to index
        %get3A_906 = arith.constant 112 : index
        %get3A_907 = tpu.vector_load %arg10[%get3A_904, %get3A_905, %get3A_906] {strides = array<i32>} : memref<2x64x128xf32, #tpu.memory_space<vmem>>, vector<1x1x16xf32>,
        %get3A_908 = vector.shape_cast %get3A_907 : vector<1x1x16xf32> to vector<16xf32>
        %add3A_909 = arith.addf %get3A_902, %get3A_908 : vector<16xf32>
        %max3A_910 = arith.constant 0.000000e+00 : f32
        %max3A_911 = vector.broadcast %max3A_910 : f32 to vector<16xf32>
        %max3A_912 = arith.maximumf %add3A_909, %max3A_911 : vector<16xf32>
        %swap3A_913 = arith.constant 1 : i32
        %swap3A_914 = arith.index_cast %swap3A_913 : i32 to index
        %swap3A_915 = arith.index_cast %scan3A_736 : i32 to index
        %swap3A_916 = arith.constant 112 : index
        %swap3A_917 = tpu.vector_load %arg11[%swap3A_914, %swap3A_915, %swap3A_916] {strides = array<i32>} : memref<2x64x128xf32, #tpu.memory_space<vmem>>, vector<1x1x16xf32>,
        %swap3A_918 = vector.shape_cast %swap3A_917 : vector<1x1x16xf32> to vector<16xf32>
        %swap3A_919 = vector.shape_cast %max3A_912 : vector<16xf32> to vector<1x1x16xf32>
        tpu.vector_store %arg11[%swap3A_914, %swap3A_915, %swap3A_916], %swap3A_919 {strides = array<i32>} : memref<2x64x128xf32, #tpu.memory_space<vmem>>, vector<1x1x16xf32>,
      }
      %scan3A_393 = arith.constant 64 : i32
      %get3A_394 = arith.constant 1 : i32
      %get3A_395 = arith.index_cast %get3A_394 : i32 to index
      %get3A_396 = arith.constant 0 : index
      %get3A_397 = tpu.vector_load %arg8[%get3A_395, %get3A_396] {strides = array<i32>} : memref<2x64xi32, #tpu.memory_space<vmem>>, vector<1x16xi32>,
      %get3A_398 = vector.shape_cast %get3A_397 : vector<1x16xi32> to vector<16xi32>
      %swap3A_399 = arith.constant 1 : i32
      %swap3A_400 = arith.index_cast %swap3A_399 : i32 to index
      %swap3A_401 = arith.constant 0 : index
      %swap3A_402 = tpu.vector_load %arg9[%swap3A_400, %swap3A_401] {strides = array<i32>} : memref<2x64xi32, #tpu.memory_space<vmem>>, vector<1x16xi32>,
      %swap3A_403 = vector.shape_cast %swap3A_402 : vector<1x16xi32> to vector<16xi32>
      %swap3A_404 = vector.shape_cast %get3A_398 : vector<16xi32> to vector<1x16xi32>
      tpu.vector_store %arg9[%swap3A_400, %swap3A_401], %swap3A_404 {strides = array<i32>} : memref<2x64xi32, #tpu.memory_space<vmem>>, vector<1x16xi32>,
      %get3A_405 = arith.constant 1 : i32
      %get3A_406 = arith.index_cast %get3A_405 : i32 to index
      %get3A_407 = arith.constant 16 : index
      %get3A_408 = tpu.vector_load %arg8[%get3A_406, %get3A_407] {strides = array<i32>} : memref<2x64xi32, #tpu.memory_space<vmem>>, vector<1x16xi32>,
      %get3A_409 = vector.shape_cast %get3A_408 : vector<1x16xi32> to vector<16xi32>
      %swap3A_410 = arith.constant 1 : i32
      %swap3A_411 = arith.index_cast %swap3A_410 : i32 to index
      %swap3A_412 = arith.constant 16 : index
      %swap3A_413 = tpu.vector_load %arg9[%swap3A_411, %swap3A_412] {strides = array<i32>} : memref<2x64xi32, #tpu.memory_space<vmem>>, vector<1x16xi32>,
      %swap3A_414 = vector.shape_cast %swap3A_413 : vector<1x16xi32> to vector<16xi32>
      %swap3A_415 = vector.shape_cast %get3A_409 : vector<16xi32> to vector<1x16xi32>
      tpu.vector_store %arg9[%swap3A_411, %swap3A_412], %swap3A_415 {strides = array<i32>} : memref<2x64xi32, #tpu.memory_space<vmem>>, vector<1x16xi32>,
      %get3A_416 = arith.constant 1 : i32
      %get3A_417 = arith.index_cast %get3A_416 : i32 to index
      %get3A_418 = arith.constant 32 : index
      %get3A_419 = tpu.vector_load %arg8[%get3A_417, %get3A_418] {strides = array<i32>} : memref<2x64xi32, #tpu.memory_space<vmem>>, vector<1x16xi32>,
      %get3A_420 = vector.shape_cast %get3A_419 : vector<1x16xi32> to vector<16xi32>
      %swap3A_421 = arith.constant 1 : i32
      %swap3A_422 = arith.index_cast %swap3A_421 : i32 to index
      %swap3A_423 = arith.constant 32 : index
      %swap3A_424 = tpu.vector_load %arg9[%swap3A_422, %swap3A_423] {strides = array<i32>} : memref<2x64xi32, #tpu.memory_space<vmem>>, vector<1x16xi32>,
      %swap3A_425 = vector.shape_cast %swap3A_424 : vector<1x16xi32> to vector<16xi32>
      %swap3A_426 = vector.shape_cast %get3A_420 : vector<16xi32> to vector<1x16xi32>
      tpu.vector_store %arg9[%swap3A_422, %swap3A_423], %swap3A_426 {strides = array<i32>} : memref<2x64xi32, #tpu.memory_space<vmem>>, vector<1x16xi32>,
      %get3A_427 = arith.constant 1 : i32
      %get3A_428 = arith.index_cast %get3A_427 : i32 to index
      %get3A_429 = arith.constant 48 : index
      %get3A_430 = tpu.vector_load %arg8[%get3A_428, %get3A_429] {strides = array<i32>} : memref<2x64xi32, #tpu.memory_space<vmem>>, vector<1x16xi32>,
      %get3A_431 = vector.shape_cast %get3A_430 : vector<1x16xi32> to vector<16xi32>
      %swap3A_432 = arith.constant 1 : i32
      %swap3A_433 = arith.index_cast %swap3A_432 : i32 to index
      %swap3A_434 = arith.constant 48 : index
      %swap3A_435 = tpu.vector_load %arg9[%swap3A_433, %swap3A_434] {strides = array<i32>} : memref<2x64xi32, #tpu.memory_space<vmem>>, vector<1x16xi32>,
      %swap3A_436 = vector.shape_cast %swap3A_435 : vector<1x16xi32> to vector<16xi32>
      %swap3A_437 = vector.shape_cast %get3A_431 : vector<16xi32> to vector<1x16xi32>
      tpu.vector_store %arg9[%swap3A_433, %swap3A_434], %swap3A_437 {strides = array<i32>} : memref<2x64xi32, #tpu.memory_space<vmem>>, vector<1x16xi32>,
      %dma_start3A_438 = arith.constant 1 : i32
      %dma_start3A_439 = arith.constant 1 : i32
      %dma_start3A_440 = arith.constant 0 : i32
      %dma_start3A_441 = arith.constant 0 : i32
      %dma_start3A_442 = tpu.memref_slice %arg11[%dma_start3A_438, %dma_start3A_440, %dma_start3A_441] : memref<2x64x128xf32, #tpu.memory_space<vmem>> -> memref<1x64x128xf32, #tpu.memory_space<vmem>>
      %dma_start3A_443 = tpu.memref_squeeze %dma_start3A_442 : memref<1x64x128xf32, #tpu.memory_space<vmem>> -> memref<64x128xf32, #tpu.memory_space<vmem>>
      %dma_start3A_444 = arith.constant 0 : i32
      %dma_start3A_445 = tpu.memref_slice %arg9[%dma_start3A_439, %dma_start3A_444] : memref<2x64xi32, #tpu.memory_space<vmem>> -> memref<1x64xi32, #tpu.memory_space<vmem>>
      %dma_start3A_446 = tpu.memref_squeeze %dma_start3A_445 : memref<1x64xi32, #tpu.memory_space<vmem>> -> memref<64xi32, #tpu.memory_space<vmem>>
      %dma_start3A_447 = arith.constant 0 : i32
      %dma_start3A_448 = arith.constant 0 : i32
      %dma_start3A_449 = tpu.memref_slice %arg12[%dma_start3A_447, %dma_start3A_448] : memref<10008x128xf32, #tpu.memory_space<vmem_shared>> -> memref<10008x128xf32, #tpu.memory_space<vmem_shared>>
      tpu.enqueue_indirect_dma source(%dma_start3A_443 : memref<64x128xf32, #tpu.memory_space<vmem>>) target(%dma_start3A_449 : memref<10008x128xf32, #tpu.memory_space<vmem_shared>>) offsets(%dma_start3A_446 : memref<64xi32, #tpu.memory_space<vmem>>) semaphore(%arg18 : memref<!tpu.dma_semaphore, #tpu.memory_space<semaphore_mem>>) {add = true}
      %dma_wait3A_450 = arith.constant 0 : i32
      %dma_wait3A_451 = arith.constant 0 : i32
      %dma_wait3A_452 = arith.constant 0 : i32
      %dma_wait3A_453 = arith.constant 0 : i32
      %dma_wait3A_454 = tpu.memref_slice %arg11[%dma_wait3A_450, %dma_wait3A_452, %dma_wait3A_453] : memref<2x64x128xf32, #tpu.memory_space<vmem>> -> memref<1x64x128xf32, #tpu.memory_space<vmem>>
      %dma_wait3A_455 = tpu.memref_squeeze %dma_wait3A_454 : memref<1x64x128xf32, #tpu.memory_space<vmem>> -> memref<64x128xf32, #tpu.memory_space<vmem>>
      %dma_wait3A_456 = arith.constant 0 : i32
      %dma_wait3A_457 = tpu.memref_slice %arg9[%dma_wait3A_451, %dma_wait3A_456] : memref<2x64xi32, #tpu.memory_space<vmem>> -> memref<1x64xi32, #tpu.memory_space<vmem>>
      %dma_wait3A_458 = tpu.memref_squeeze %dma_wait3A_457 : memref<1x64xi32, #tpu.memory_space<vmem>> -> memref<64xi32, #tpu.memory_space<vmem>>
      %dma_wait3A_459 = arith.constant 0 : i32
      %dma_wait3A_460 = arith.constant 0 : i32
      %dma_wait3A_461 = tpu.memref_slice %arg12[%dma_wait3A_459, %dma_wait3A_460] : memref<10008x128xf32, #tpu.memory_space<vmem_shared>> -> memref<10008x128xf32, #tpu.memory_space<vmem_shared>>
      tpu.wait_indirect_dma semaphore(%arg17 : memref<!tpu.dma_semaphore, #tpu.memory_space<semaphore_mem>>) src(%dma_wait3A_455 : memref<64x128xf32, #tpu.memory_space<vmem>>) dst(%dma_wait3A_461 : memref<10008x128xf32, #tpu.memory_space<vmem_shared>>)
      %add3A_462 = arith.constant 1 : i32
      %add3A_463 = arith.addi %add3A_375, %add3A_462 : i32
      %mul3A_464 = arith.constant 32 : i32
      %mul3A_465 = arith.muli %add3A_463, %mul3A_464 : i32
      %add3A_466 = arith.addi %mul3A_465, %add3A : i32
      %min3A_467 = arith.constant 5023 : i32
      %min3A_468 = arith.minsi %add3A_466, %min3A_467 : i32
      %mul3A_469 = arith.constant 64 : i32
      %mul3A_470 = arith.muli %min3A_468, %mul3A_469 : i32
      %dma_wait3A_471 = arith.constant 0 : i32
      %dma_wait3A_472 = arith.constant 0 : i32
      %dma_wait3A_473 = tpu.memref_slice %arg7[%dma_wait3A_471, %dma_wait3A_472] : memref<2x64xi32, #tpu.memory_space<vmem>> -> memref<1x64xi32, #tpu.memory_space<vmem>>
      %dma_wait3A_474 = tpu.memref_squeeze %dma_wait3A_473 : memref<1x64xi32, #tpu.memory_space<vmem>> -> memref<64xi32, #tpu.memory_space<vmem>>
      %dma_wait3A_475 = tpu.memref_slice %arg4[%mul3A_470] : memref<321536xi32, #tpu.memory_space<hbm>> -> memref<64xi32, #tpu.memory_space<hbm>>
      %dma_wait3A_476 = arith.constant 0 : i32
      %dma_wait3A_477 = tpu.memref_slice %arg7[%dma_wait3A_471, %dma_wait3A_476] : memref<2x64xi32, #tpu.memory_space<vmem>> -> memref<1x64xi32, #tpu.memory_space<vmem>>
      %dma_wait3A_478 = tpu.memref_squeeze %dma_wait3A_477 : memref<1x64xi32, #tpu.memory_space<vmem>> -> memref<64xi32, #tpu.memory_space<vmem>>
      %dma_wait3A_479 = tpu.memref_slice %arg4[%mul3A_470] : memref<321536xi32, #tpu.memory_space<hbm>> -> memref<64xi32, #tpu.memory_space<hbm>>
      tpu.wait_dma2 semaphore(%arg13 : memref<!tpu.dma_semaphore, #tpu.memory_space<semaphore_mem>>) src(%dma_wait3A_479 : memref<64xi32, #tpu.memory_space<hbm>>) dst(%dma_wait3A_478 : memref<64xi32, #tpu.memory_space<vmem>>)
      %dma_wait3A_480 = arith.constant 0 : i32
      %dma_wait3A_481 = arith.constant 0 : i32
      %dma_wait3A_482 = tpu.memref_slice %arg8[%dma_wait3A_480, %dma_wait3A_481] : memref<2x64xi32, #tpu.memory_space<vmem>> -> memref<1x64xi32, #tpu.memory_space<vmem>>
      %dma_wait3A_483 = tpu.memref_squeeze %dma_wait3A_482 : memref<1x64xi32, #tpu.memory_space<vmem>> -> memref<64xi32, #tpu.memory_space<vmem>>
      %dma_wait3A_484 = tpu.memref_slice %arg5[%mul3A_470] : memref<321536xi32, #tpu.memory_space<hbm>> -> memref<64xi32, #tpu.memory_space<hbm>>
      %dma_wait3A_485 = arith.constant 0 : i32
      %dma_wait3A_486 = tpu.memref_slice %arg8[%dma_wait3A_480, %dma_wait3A_485] : memref<2x64xi32, #tpu.memory_space<vmem>> -> memref<1x64xi32, #tpu.memory_space<vmem>>
      %dma_wait3A_487 = tpu.memref_squeeze %dma_wait3A_486 : memref<1x64xi32, #tpu.memory_space<vmem>> -> memref<64xi32, #tpu.memory_space<vmem>>
      %dma_wait3A_488 = tpu.memref_slice %arg5[%mul3A_470] : memref<321536xi32, #tpu.memory_space<hbm>> -> memref<64xi32, #tpu.memory_space<hbm>>
      tpu.wait_dma2 semaphore(%arg13 : memref<!tpu.dma_semaphore, #tpu.memory_space<semaphore_mem>>) src(%dma_wait3A_488 : memref<64xi32, #tpu.memory_space<hbm>>) dst(%dma_wait3A_487 : memref<64xi32, #tpu.memory_space<vmem>>)
      %dma_wait3A_489 = arith.constant 0 : i32
      %dma_wait3A_490 = arith.constant 0 : i32
      %dma_wait3A_491 = arith.constant 0 : i32
      %dma_wait3A_492 = tpu.memref_slice %arg10[%dma_wait3A_489, %dma_wait3A_490, %dma_wait3A_491] : memref<2x64x128xf32, #tpu.memory_space<vmem>> -> memref<1x64x128xf32, #tpu.memory_space<vmem>>
      %dma_wait3A_493 = tpu.memref_squeeze %dma_wait3A_492 : memref<1x64x128xf32, #tpu.memory_space<vmem>> -> memref<64x128xf32, #tpu.memory_space<vmem>>
      %dma_wait3A_494 = arith.constant 0 : i32
      %dma_wait3A_495 = tpu.memref_slice %arg3[%mul3A_470, %dma_wait3A_494] : memref<321536x128xf32, #tpu.memory_space<hbm>> -> memref<64x128xf32, #tpu.memory_space<hbm>>
      %dma_wait3A_496 = arith.constant 0 : i32
      %dma_wait3A_497 = arith.constant 0 : i32
      %dma_wait3A_498 = tpu.memref_slice %arg10[%dma_wait3A_489, %dma_wait3A_496, %dma_wait3A_497] : memref<2x64x128xf32, #tpu.memory_space<vmem>> -> memref<1x64x128xf32, #tpu.memory_space<vmem>>
      %dma_wait3A_499 = tpu.memref_squeeze %dma_wait3A_498 : memref<1x64x128xf32, #tpu.memory_space<vmem>> -> memref<64x128xf32, #tpu.memory_space<vmem>>
      %dma_wait3A_500 = arith.constant 0 : i32
      %dma_wait3A_501 = tpu.memref_slice %arg3[%mul3A_470, %dma_wait3A_500] : memref<321536x128xf32, #tpu.memory_space<hbm>> -> memref<64x128xf32, #tpu.memory_space<hbm>>
      tpu.wait_dma2 semaphore(%arg13 : memref<!tpu.dma_semaphore, #tpu.memory_space<semaphore_mem>>) src(%dma_wait3A_501 : memref<64x128xf32, #tpu.memory_space<hbm>>) dst(%dma_wait3A_499 : memref<64x128xf32, #tpu.memory_space<vmem>>)
      %dma_start3A_502 = arith.constant 0 : i32
      %dma_start3A_503 = arith.constant 0 : i32
      %dma_start3A_504 = arith.constant 0 : i32
      %dma_start3A_505 = arith.constant 0 : i32
      %dma_start3A_506 = tpu.memref_slice %arg11[%dma_start3A_503, %dma_start3A_504, %dma_start3A_505] : memref<2x64x128xf32, #tpu.memory_space<vmem>> -> memref<1x64x128xf32, #tpu.memory_space<vmem>>
      %dma_start3A_507 = tpu.memref_squeeze %dma_start3A_506 : memref<1x64x128xf32, #tpu.memory_space<vmem>> -> memref<64x128xf32, #tpu.memory_space<vmem>>
      %dma_start3A_508 = arith.constant 0 : i32
      %dma_start3A_509 = tpu.memref_slice %arg7[%dma_start3A_502, %dma_start3A_508] : memref<2x64xi32, #tpu.memory_space<vmem>> -> memref<1x64xi32, #tpu.memory_space<vmem>>
      %dma_start3A_510 = tpu.memref_squeeze %dma_start3A_509 : memref<1x64xi32, #tpu.memory_space<vmem>> -> memref<64xi32, #tpu.memory_space<vmem>>
      %dma_start3A_511 = arith.constant 0 : i32
      %dma_start3A_512 = arith.constant 0 : i32
      %dma_start3A_513 = tpu.memref_slice %arg2[%dma_start3A_511, %dma_start3A_512] : memref<10000x128xf32, #tpu.memory_space<hbm>> -> memref<10000x128xf32, #tpu.memory_space<hbm>>
      tpu.enqueue_indirect_dma source(%dma_start3A_513 : memref<10000x128xf32, #tpu.memory_space<hbm>>) target(%dma_start3A_507 : memref<64x128xf32, #tpu.memory_space<vmem>>) offsets(%dma_start3A_510 : memref<64xi32, #tpu.memory_space<vmem>>) semaphore(%arg15 : memref<!tpu.dma_semaphore, #tpu.memory_space<semaphore_mem>>)
      %add3A_514 = arith.constant 2 : i32
      %add3A_515 = arith.addi %add3A_375, %add3A_514 : i32
      %mul3A_516 = arith.constant 32 : i32
      %mul3A_517 = arith.muli %add3A_515, %mul3A_516 : i32
      %add3A_518 = arith.addi %mul3A_517, %add3A : i32
      %min3A_519 = arith.constant 5023 : i32
      %min3A_520 = arith.minsi %add3A_518, %min3A_519 : i32
      %mul3A_521 = arith.constant 64 : i32
      %mul3A_522 = arith.muli %min3A_520, %mul3A_521 : i32
      %dma_start3A_523 = arith.constant 1 : i32
      %dma_start3A_524 = arith.constant 0 : i32
      %dma_start3A_525 = tpu.memref_slice %arg7[%dma_start3A_523, %dma_start3A_524] : memref<2x64xi32, #tpu.memory_space<vmem>> -> memref<1x64xi32, #tpu.memory_space<vmem>>
      %dma_start3A_526 = tpu.memref_squeeze %dma_start3A_525 : memref<1x64xi32, #tpu.memory_space<vmem>> -> memref<64xi32, #tpu.memory_space<vmem>>
      %dma_start3A_527 = tpu.memref_slice %arg4[%mul3A_522] : memref<321536xi32, #tpu.memory_space<hbm>> -> memref<64xi32, #tpu.memory_space<hbm>>
      %dma_start3A_528 = arith.constant 0 : i32
      %dma_start3A_529 = tpu.memref_slice %arg7[%dma_start3A_523, %dma_start3A_528] : memref<2x64xi32, #tpu.memory_space<vmem>> -> memref<1x64xi32, #tpu.memory_space<vmem>>
      %dma_start3A_530 = tpu.memref_squeeze %dma_start3A_529 : memref<1x64xi32, #tpu.memory_space<vmem>> -> memref<64xi32, #tpu.memory_space<vmem>>
      %dma_start3A_531 = tpu.memref_slice %arg4[%mul3A_522] : memref<321536xi32, #tpu.memory_space<hbm>> -> memref<64xi32, #tpu.memory_space<hbm>>
      tpu.enqueue_dma source(%dma_start3A_531 : memref<64xi32, #tpu.memory_space<hbm>>) target(%dma_start3A_530 : memref<64xi32, #tpu.memory_space<vmem>>) target_semaphore(%arg14 : memref<!tpu.dma_semaphore, #tpu.memory_space<semaphore_mem>>)
      %dma_start3A_532 = arith.constant 1 : i32
      %dma_start3A_533 = arith.constant 0 : i32
      %dma_start3A_534 = tpu.memref_slice %arg8[%dma_start3A_532, %dma_start3A_533] : memref<2x64xi32, #tpu.memory_space<vmem>> -> memref<1x64xi32, #tpu.memory_space<vmem>>
      %dma_start3A_535 = tpu.memref_squeeze %dma_start3A_534 : memref<1x64xi32, #tpu.memory_space<vmem>> -> memref<64xi32, #tpu.memory_space<vmem>>
      %dma_start3A_536 = tpu.memref_slice %arg5[%mul3A_522] : memref<321536xi32, #tpu.memory_space<hbm>> -> memref<64xi32, #tpu.memory_space<hbm>>
      %dma_start3A_537 = arith.constant 0 : i32
      %dma_start3A_538 = tpu.memref_slice %arg8[%dma_start3A_532, %dma_start3A_537] : memref<2x64xi32, #tpu.memory_space<vmem>> -> memref<1x64xi32, #tpu.memory_space<vmem>>
      %dma_start3A_539 = tpu.memref_squeeze %dma_start3A_538 : memref<1x64xi32, #tpu.memory_space<vmem>> -> memref<64xi32, #tpu.memory_space<vmem>>
      %dma_start3A_540 = tpu.memref_slice %arg5[%mul3A_522] : memref<321536xi32, #tpu.memory_space<hbm>> -> memref<64xi32, #tpu.memory_space<hbm>>
      tpu.enqueue_dma source(%dma_start3A_540 : memref<64xi32, #tpu.memory_space<hbm>>) target(%dma_start3A_539 : memref<64xi32, #tpu.memory_space<vmem>>) target_semaphore(%arg14 : memref<!tpu.dma_semaphore, #tpu.memory_space<semaphore_mem>>)
      %dma_start3A_541 = arith.constant 1 : i32
      %dma_start3A_542 = arith.constant 0 : i32
      %dma_start3A_543 = arith.constant 0 : i32
      %dma_start3A_544 = tpu.memref_slice %arg10[%dma_start3A_541, %dma_start3A_542, %dma_start3A_543] : memref<2x64x128xf32, #tpu.memory_space<vmem>> -> memref<1x64x128xf32, #tpu.memory_space<vmem>>
      %dma_start3A_545 = tpu.memref_squeeze %dma_start3A_544 : memref<1x64x128xf32, #tpu.memory_space<vmem>> -> memref<64x128xf32, #tpu.memory_space<vmem>>
      %dma_start3A_546 = arith.constant 0 : i32
      %dma_start3A_547 = tpu.memref_slice %arg3[%mul3A_522, %dma_start3A_546] : memref<321536x128xf32, #tpu.memory_space<hbm>> -> memref<64x128xf32, #tpu.memory_space<hbm>>
      %dma_start3A_548 = arith.constant 0 : i32
      %dma_start3A_549 = arith.constant 0 : i32
      %dma_start3A_550 = tpu.memref_slice %arg10[%dma_start3A_541, %dma_start3A_548, %dma_start3A_549] : memref<2x64x128xf32, #tpu.memory_space<vmem>> -> memref<1x64x128xf32, #tpu.memory_space<vmem>>
      %dma_start3A_551 = tpu.memref_squeeze %dma_start3A_550 : memref<1x64x128xf32, #tpu.memory_space<vmem>> -> memref<64x128xf32, #tpu.memory_space<vmem>>
      %dma_start3A_552 = arith.constant 0 : i32
      %dma_start3A_553 = tpu.memref_slice %arg3[%mul3A_522, %dma_start3A_552] : memref<321536x128xf32, #tpu.memory_space<hbm>> -> memref<64x128xf32, #tpu.memory_space<hbm>>
      tpu.enqueue_dma source(%dma_start3A_553 : memref<64x128xf32, #tpu.memory_space<hbm>>) target(%dma_start3A_551 : memref<64x128xf32, #tpu.memory_space<vmem>>) target_semaphore(%arg14 : memref<!tpu.dma_semaphore, #tpu.memory_space<semaphore_mem>>)
      %mul3A_554 = arith.constant 2 : i32
      %mul3A_555 = arith.muli %mul3A_554, %scan3A_371 : i32
      %add3A_556 = arith.constant 2 : i32
      %add3A_557 = arith.addi %mul3A_555, %add3A_556 : i32
      %dma_wait3A_558 = arith.constant 0 : i32
      %dma_wait3A_559 = arith.constant 0 : i32
      %dma_wait3A_560 = arith.constant 0 : i32
      %dma_wait3A_561 = arith.constant 0 : i32
      %dma_wait3A_562 = tpu.memref_slice %arg11[%dma_wait3A_559, %dma_wait3A_560, %dma_wait3A_561] : memref<2x64x128xf32, #tpu.memory_space<vmem>> -> memref<1x64x128xf32, #tpu.memory_space<vmem>>
      %dma_wait3A_563 = tpu.memref_squeeze %dma_wait3A_562 : memref<1x64x128xf32, #tpu.memory_space<vmem>> -> memref<64x128xf32, #tpu.memory_space<vmem>>
      %dma_wait3A_564 = arith.constant 0 : i32
      %dma_wait3A_565 = tpu.memref_slice %arg7[%dma_wait3A_558, %dma_wait3A_564] : memref<2x64xi32, #tpu.memory_space<vmem>> -> memref<1x64xi32, #tpu.memory_space<vmem>>
      %dma_wait3A_566 = tpu.memref_squeeze %dma_wait3A_565 : memref<1x64xi32, #tpu.memory_space<vmem>> -> memref<64xi32, #tpu.memory_space<vmem>>
      %dma_wait3A_567 = arith.constant 0 : i32
      %dma_wait3A_568 = arith.constant 0 : i32
      %dma_wait3A_569 = tpu.memref_slice %arg2[%dma_wait3A_567, %dma_wait3A_568] : memref<10000x128xf32, #tpu.memory_space<hbm>> -> memref<10000x128xf32, #tpu.memory_space<hbm>>
      tpu.wait_indirect_dma semaphore(%arg15 : memref<!tpu.dma_semaphore, #tpu.memory_space<semaphore_mem>>) src(%dma_wait3A_569 : memref<10000x128xf32, #tpu.memory_space<hbm>>) dst(%dma_wait3A_563 : memref<64x128xf32, #tpu.memory_space<vmem>>)
      %scan3A_570 = arith.constant 0 : i32
      %scan3A_571 = arith.constant 0 : i32
      %scan3A_572 = arith.constant 64 : i32
      %scan3A_573 = arith.addi %scan3A_571, %scan3A_572 : i32
      %scan3A_574 = arith.constant 1 : i32
      scf.for %scan3A_736 = %scan3A_571 to %scan3A_573 step %scan3A_574  : i32 {
        %get3A_737 = arith.constant 0 : i32
        %get3A_738 = arith.index_cast %get3A_737 : i32 to index
        %get3A_739 = arith.index_cast %scan3A_736 : i32 to index
        %get3A_740 = arith.constant 0 : index
        %get3A_741 = tpu.vector_load %arg11[%get3A_738, %get3A_739, %get3A_740] {strides = array<i32>} : memref<2x64x128xf32, #tpu.memory_space<vmem>>, vector<1x1x16xf32>,
        %get3A_742 = vector.shape_cast %get3A_741 : vector<1x1x16xf32> to vector<16xf32>
        %get3A_743 = arith.constant 0 : i32
        %get3A_744 = arith.index_cast %get3A_743 : i32 to index
        %get3A_745 = arith.index_cast %scan3A_736 : i32 to index
        %get3A_746 = arith.constant 0 : index
        %get3A_747 = tpu.vector_load %arg10[%get3A_744, %get3A_745, %get3A_746] {strides = array<i32>} : memref<2x64x128xf32, #tpu.memory_space<vmem>>, vector<1x1x16xf32>,
        %get3A_748 = vector.shape_cast %get3A_747 : vector<1x1x16xf32> to vector<16xf32>
        %add3A_749 = arith.addf %get3A_742, %get3A_748 : vector<16xf32>
        %max3A = arith.constant 0.000000e+00 : f32
        %max3A_750 = vector.broadcast %max3A : f32 to vector<16xf32>
        %max3A_751 = arith.maximumf %add3A_749, %max3A_750 : vector<16xf32>
        %swap3A_752 = arith.constant 0 : i32
        %swap3A_753 = arith.index_cast %swap3A_752 : i32 to index
        %swap3A_754 = arith.index_cast %scan3A_736 : i32 to index
        %swap3A_755 = arith.constant 0 : index
        %swap3A_756 = tpu.vector_load %arg11[%swap3A_753, %swap3A_754, %swap3A_755] {strides = array<i32>} : memref<2x64x128xf32, #tpu.memory_space<vmem>>, vector<1x1x16xf32>,
        %swap3A_757 = vector.shape_cast %swap3A_756 : vector<1x1x16xf32> to vector<16xf32>
        %swap3A_758 = vector.shape_cast %max3A_751 : vector<16xf32> to vector<1x1x16xf32>
        tpu.vector_store %arg11[%swap3A_753, %swap3A_754, %swap3A_755], %swap3A_758 {strides = array<i32>} : memref<2x64x128xf32, #tpu.memory_space<vmem>>, vector<1x1x16xf32>,
        %get3A_759 = arith.constant 0 : i32
        %get3A_760 = arith.index_cast %get3A_759 : i32 to index
        %get3A_761 = arith.index_cast %scan3A_736 : i32 to index
        %get3A_762 = arith.constant 16 : index
        %get3A_763 = tpu.vector_load %arg11[%get3A_760, %get3A_761, %get3A_762] {strides = array<i32>} : memref<2x64x128xf32, #tpu.memory_space<vmem>>, vector<1x1x16xf32>,
        %get3A_764 = vector.shape_cast %get3A_763 : vector<1x1x16xf32> to vector<16xf32>
        %get3A_765 = arith.constant 0 : i32
        %get3A_766 = arith.index_cast %get3A_765 : i32 to index
        %get3A_767 = arith.index_cast %scan3A_736 : i32 to index
        %get3A_768 = arith.constant 16 : index
        %get3A_769 = tpu.vector_load %arg10[%get3A_766, %get3A_767, %get3A_768] {strides = array<i32>} : memref<2x64x128xf32, #tpu.memory_space<vmem>>, vector<1x1x16xf32>,
        %get3A_770 = vector.shape_cast %get3A_769 : vector<1x1x16xf32> to vector<16xf32>
        %add3A_771 = arith.addf %get3A_764, %get3A_770 : vector<16xf32>
        %max3A_772 = arith.constant 0.000000e+00 : f32
        %max3A_773 = vector.broadcast %max3A_772 : f32 to vector<16xf32>
        %max3A_774 = arith.maximumf %add3A_771, %max3A_773 : vector<16xf32>
        %swap3A_775 = arith.constant 0 : i32
        %swap3A_776 = arith.index_cast %swap3A_775 : i32 to index
        %swap3A_777 = arith.index_cast %scan3A_736 : i32 to index
        %swap3A_778 = arith.constant 16 : index
        %swap3A_779 = tpu.vector_load %arg11[%swap3A_776, %swap3A_777, %swap3A_778] {strides = array<i32>} : memref<2x64x128xf32, #tpu.memory_space<vmem>>, vector<1x1x16xf32>,
        %swap3A_780 = vector.shape_cast %swap3A_779 : vector<1x1x16xf32> to vector<16xf32>
        %swap3A_781 = vector.shape_cast %max3A_774 : vector<16xf32> to vector<1x1x16xf32>
        tpu.vector_store %arg11[%swap3A_776, %swap3A_777, %swap3A_778], %swap3A_781 {strides = array<i32>} : memref<2x64x128xf32, #tpu.memory_space<vmem>>, vector<1x1x16xf32>,
        %get3A_782 = arith.constant 0 : i32
        %get3A_783 = arith.index_cast %get3A_782 : i32 to index
        %get3A_784 = arith.index_cast %scan3A_736 : i32 to index
        %get3A_785 = arith.constant 32 : index
        %get3A_786 = tpu.vector_load %arg11[%get3A_783, %get3A_784, %get3A_785] {strides = array<i32>} : memref<2x64x128xf32, #tpu.memory_space<vmem>>, vector<1x1x16xf32>,
        %get3A_787 = vector.shape_cast %get3A_786 : vector<1x1x16xf32> to vector<16xf32>
        %get3A_788 = arith.constant 0 : i32
        %get3A_789 = arith.index_cast %get3A_788 : i32 to index
        %get3A_790 = arith.index_cast %scan3A_736 : i32 to index
        %get3A_791 = arith.constant 32 : index
        %get3A_792 = tpu.vector_load %arg10[%get3A_789, %get3A_790, %get3A_791] {strides = array<i32>} : memref<2x64x128xf32, #tpu.memory_space<vmem>>, vector<1x1x16xf32>,
        %get3A_793 = vector.shape_cast %get3A_792 : vector<1x1x16xf32> to vector<16xf32>
        %add3A_794 = arith.addf %get3A_787, %get3A_793 : vector<16xf32>
        %max3A_795 = arith.constant 0.000000e+00 : f32
        %max3A_796 = vector.broadcast %max3A_795 : f32 to vector<16xf32>
        %max3A_797 = arith.maximumf %add3A_794, %max3A_796 : vector<16xf32>
        %swap3A_798 = arith.constant 0 : i32
        %swap3A_799 = arith.index_cast %swap3A_798 : i32 to index
        %swap3A_800 = arith.index_cast %scan3A_736 : i32 to index
        %swap3A_801 = arith.constant 32 : index
        %swap3A_802 = tpu.vector_load %arg11[%swap3A_799, %swap3A_800, %swap3A_801] {strides = array<i32>} : memref<2x64x128xf32, #tpu.memory_space<vmem>>, vector<1x1x16xf32>,
        %swap3A_803 = vector.shape_cast %swap3A_802 : vector<1x1x16xf32> to vector<16xf32>
        %swap3A_804 = vector.shape_cast %max3A_797 : vector<16xf32> to vector<1x1x16xf32>
        tpu.vector_store %arg11[%swap3A_799, %swap3A_800, %swap3A_801], %swap3A_804 {strides = array<i32>} : memref<2x64x128xf32, #tpu.memory_space<vmem>>, vector<1x1x16xf32>,
        %get3A_805 = arith.constant 0 : i32
        %get3A_806 = arith.index_cast %get3A_805 : i32 to index
        %get3A_807 = arith.index_cast %scan3A_736 : i32 to index
        %get3A_808 = arith.constant 48 : index
        %get3A_809 = tpu.vector_load %arg11[%get3A_806, %get3A_807, %get3A_808] {strides = array<i32>} : memref<2x64x128xf32, #tpu.memory_space<vmem>>, vector<1x1x16xf32>,
        %get3A_810 = vector.shape_cast %get3A_809 : vector<1x1x16xf32> to vector<16xf32>
        %get3A_811 = arith.constant 0 : i32
        %get3A_812 = arith.index_cast %get3A_811 : i32 to index
        %get3A_813 = arith.index_cast %scan3A_736 : i32 to index
        %get3A_814 = arith.constant 48 : index
        %get3A_815 = tpu.vector_load %arg10[%get3A_812, %get3A_813, %get3A_814] {strides = array<i32>} : memref<2x64x128xf32, #tpu.memory_space<vmem>>, vector<1x1x16xf32>,
        %get3A_816 = vector.shape_cast %get3A_815 : vector<1x1x16xf32> to vector<16xf32>
        %add3A_817 = arith.addf %get3A_810, %get3A_816 : vector<16xf32>
        %max3A_818 = arith.constant 0.000000e+00 : f32
        %max3A_819 = vector.broadcast %max3A_818 : f32 to vector<16xf32>
        %max3A_820 = arith.maximumf %add3A_817, %max3A_819 : vector<16xf32>
        %swap3A_821 = arith.constant 0 : i32
        %swap3A_822 = arith.index_cast %swap3A_821 : i32 to index
        %swap3A_823 = arith.index_cast %scan3A_736 : i32 to index
        %swap3A_824 = arith.constant 48 : index
        %swap3A_825 = tpu.vector_load %arg11[%swap3A_822, %swap3A_823, %swap3A_824] {strides = array<i32>} : memref<2x64x128xf32, #tpu.memory_space<vmem>>, vector<1x1x16xf32>,
        %swap3A_826 = vector.shape_cast %swap3A_825 : vector<1x1x16xf32> to vector<16xf32>
        %swap3A_827 = vector.shape_cast %max3A_820 : vector<16xf32> to vector<1x1x16xf32>
        tpu.vector_store %arg11[%swap3A_822, %swap3A_823, %swap3A_824], %swap3A_827 {strides = array<i32>} : memref<2x64x128xf32, #tpu.memory_space<vmem>>, vector<1x1x16xf32>,
        %get3A_828 = arith.constant 0 : i32
        %get3A_829 = arith.index_cast %get3A_828 : i32 to index
        %get3A_830 = arith.index_cast %scan3A_736 : i32 to index
        %get3A_831 = arith.constant 64 : index
        %get3A_832 = tpu.vector_load %arg11[%get3A_829, %get3A_830, %get3A_831] {strides = array<i32>} : memref<2x64x128xf32, #tpu.memory_space<vmem>>, vector<1x1x16xf32>,
        %get3A_833 = vector.shape_cast %get3A_832 : vector<1x1x16xf32> to vector<16xf32>
        %get3A_834 = arith.constant 0 : i32
        %get3A_835 = arith.index_cast %get3A_834 : i32 to index
        %get3A_836 = arith.index_cast %scan3A_736 : i32 to index
        %get3A_837 = arith.constant 64 : index
        %get3A_838 = tpu.vector_load %arg10[%get3A_835, %get3A_836, %get3A_837] {strides = array<i32>} : memref<2x64x128xf32, #tpu.memory_space<vmem>>, vector<1x1x16xf32>,
        %get3A_839 = vector.shape_cast %get3A_838 : vector<1x1x16xf32> to vector<16xf32>
        %add3A_840 = arith.addf %get3A_833, %get3A_839 : vector<16xf32>
        %max3A_841 = arith.constant 0.000000e+00 : f32
        %max3A_842 = vector.broadcast %max3A_841 : f32 to vector<16xf32>
        %max3A_843 = arith.maximumf %add3A_840, %max3A_842 : vector<16xf32>
        %swap3A_844 = arith.constant 0 : i32
        %swap3A_845 = arith.index_cast %swap3A_844 : i32 to index
        %swap3A_846 = arith.index_cast %scan3A_736 : i32 to index
        %swap3A_847 = arith.constant 64 : index
        %swap3A_848 = tpu.vector_load %arg11[%swap3A_845, %swap3A_846, %swap3A_847] {strides = array<i32>} : memref<2x64x128xf32, #tpu.memory_space<vmem>>, vector<1x1x16xf32>,
        %swap3A_849 = vector.shape_cast %swap3A_848 : vector<1x1x16xf32> to vector<16xf32>
        %swap3A_850 = vector.shape_cast %max3A_843 : vector<16xf32> to vector<1x1x16xf32>
        tpu.vector_store %arg11[%swap3A_845, %swap3A_846, %swap3A_847], %swap3A_850 {strides = array<i32>} : memref<2x64x128xf32, #tpu.memory_space<vmem>>, vector<1x1x16xf32>,
        %get3A_851 = arith.constant 0 : i32
        %get3A_852 = arith.index_cast %get3A_851 : i32 to index
        %get3A_853 = arith.index_cast %scan3A_736 : i32 to index
        %get3A_854 = arith.constant 80 : index
        %get3A_855 = tpu.vector_load %arg11[%get3A_852, %get3A_853, %get3A_854] {strides = array<i32>} : memref<2x64x128xf32, #tpu.memory_space<vmem>>, vector<1x1x16xf32>,
        %get3A_856 = vector.shape_cast %get3A_855 : vector<1x1x16xf32> to vector<16xf32>
        %get3A_857 = arith.constant 0 : i32
        %get3A_858 = arith.index_cast %get3A_857 : i32 to index
        %get3A_859 = arith.index_cast %scan3A_736 : i32 to index
        %get3A_860 = arith.constant 80 : index
        %get3A_861 = tpu.vector_load %arg10[%get3A_858, %get3A_859, %get3A_860] {strides = array<i32>} : memref<2x64x128xf32, #tpu.memory_space<vmem>>, vector<1x1x16xf32>,
        %get3A_862 = vector.shape_cast %get3A_861 : vector<1x1x16xf32> to vector<16xf32>
        %add3A_863 = arith.addf %get3A_856, %get3A_862 : vector<16xf32>
        %max3A_864 = arith.constant 0.000000e+00 : f32
        %max3A_865 = vector.broadcast %max3A_864 : f32 to vector<16xf32>
        %max3A_866 = arith.maximumf %add3A_863, %max3A_865 : vector<16xf32>
        %swap3A_867 = arith.constant 0 : i32
        %swap3A_868 = arith.index_cast %swap3A_867 : i32 to index
        %swap3A_869 = arith.index_cast %scan3A_736 : i32 to index
        %swap3A_870 = arith.constant 80 : index
        %swap3A_871 = tpu.vector_load %arg11[%swap3A_868, %swap3A_869, %swap3A_870] {strides = array<i32>} : memref<2x64x128xf32, #tpu.memory_space<vmem>>, vector<1x1x16xf32>,
        %swap3A_872 = vector.shape_cast %swap3A_871 : vector<1x1x16xf32> to vector<16xf32>
        %swap3A_873 = vector.shape_cast %max3A_866 : vector<16xf32> to vector<1x1x16xf32>
        tpu.vector_store %arg11[%swap3A_868, %swap3A_869, %swap3A_870], %swap3A_873 {strides = array<i32>} : memref<2x64x128xf32, #tpu.memory_space<vmem>>, vector<1x1x16xf32>,
        %get3A_874 = arith.constant 0 : i32
        %get3A_875 = arith.index_cast %get3A_874 : i32 to index
        %get3A_876 = arith.index_cast %scan3A_736 : i32 to index
        %get3A_877 = arith.constant 96 : index
        %get3A_878 = tpu.vector_load %arg11[%get3A_875, %get3A_876, %get3A_877] {strides = array<i32>} : memref<2x64x128xf32, #tpu.memory_space<vmem>>, vector<1x1x16xf32>,
        %get3A_879 = vector.shape_cast %get3A_878 : vector<1x1x16xf32> to vector<16xf32>
        %get3A_880 = arith.constant 0 : i32
        %get3A_881 = arith.index_cast %get3A_880 : i32 to index
        %get3A_882 = arith.index_cast %scan3A_736 : i32 to index
        %get3A_883 = arith.constant 96 : index
        %get3A_884 = tpu.vector_load %arg10[%get3A_881, %get3A_882, %get3A_883] {strides = array<i32>} : memref<2x64x128xf32, #tpu.memory_space<vmem>>, vector<1x1x16xf32>,
        %get3A_885 = vector.shape_cast %get3A_884 : vector<1x1x16xf32> to vector<16xf32>
        %add3A_886 = arith.addf %get3A_879, %get3A_885 : vector<16xf32>
        %max3A_887 = arith.constant 0.000000e+00 : f32
        %max3A_888 = vector.broadcast %max3A_887 : f32 to vector<16xf32>
        %max3A_889 = arith.maximumf %add3A_886, %max3A_888 : vector<16xf32>
        %swap3A_890 = arith.constant 0 : i32
        %swap3A_891 = arith.index_cast %swap3A_890 : i32 to index
        %swap3A_892 = arith.index_cast %scan3A_736 : i32 to index
        %swap3A_893 = arith.constant 96 : index
        %swap3A_894 = tpu.vector_load %arg11[%swap3A_891, %swap3A_892, %swap3A_893] {strides = array<i32>} : memref<2x64x128xf32, #tpu.memory_space<vmem>>, vector<1x1x16xf32>,
        %swap3A_895 = vector.shape_cast %swap3A_894 : vector<1x1x16xf32> to vector<16xf32>
        %swap3A_896 = vector.shape_cast %max3A_889 : vector<16xf32> to vector<1x1x16xf32>
        tpu.vector_store %arg11[%swap3A_891, %swap3A_892, %swap3A_893], %swap3A_896 {strides = array<i32>} : memref<2x64x128xf32, #tpu.memory_space<vmem>>, vector<1x1x16xf32>,
        %get3A_897 = arith.constant 0 : i32
        %get3A_898 = arith.index_cast %get3A_897 : i32 to index
        %get3A_899 = arith.index_cast %scan3A_736 : i32 to index
        %get3A_900 = arith.constant 112 : index
        %get3A_901 = tpu.vector_load %arg11[%get3A_898, %get3A_899, %get3A_900] {strides = array<i32>} : memref<2x64x128xf32, #tpu.memory_space<vmem>>, vector<1x1x16xf32>,
        %get3A_902 = vector.shape_cast %get3A_901 : vector<1x1x16xf32> to vector<16xf32>
        %get3A_903 = arith.constant 0 : i32
        %get3A_904 = arith.index_cast %get3A_903 : i32 to index
        %get3A_905 = arith.index_cast %scan3A_736 : i32 to index
        %get3A_906 = arith.constant 112 : index
        %get3A_907 = tpu.vector_load %arg10[%get3A_904, %get3A_905, %get3A_906] {strides = array<i32>} : memref<2x64x128xf32, #tpu.memory_space<vmem>>, vector<1x1x16xf32>,
        %get3A_908 = vector.shape_cast %get3A_907 : vector<1x1x16xf32> to vector<16xf32>
        %add3A_909 = arith.addf %get3A_902, %get3A_908 : vector<16xf32>
        %max3A_910 = arith.constant 0.000000e+00 : f32
        %max3A_911 = vector.broadcast %max3A_910 : f32 to vector<16xf32>
        %max3A_912 = arith.maximumf %add3A_909, %max3A_911 : vector<16xf32>
        %swap3A_913 = arith.constant 0 : i32
        %swap3A_914 = arith.index_cast %swap3A_913 : i32 to index
        %swap3A_915 = arith.index_cast %scan3A_736 : i32 to index
        %swap3A_916 = arith.constant 112 : index
        %swap3A_917 = tpu.vector_load %arg11[%swap3A_914, %swap3A_915, %swap3A_916] {strides = array<i32>} : memref<2x64x128xf32, #tpu.memory_space<vmem>>, vector<1x1x16xf32>,
        %swap3A_918 = vector.shape_cast %swap3A_917 : vector<1x1x16xf32> to vector<16xf32>
        %swap3A_919 = vector.shape_cast %max3A_912 : vector<16xf32> to vector<1x1x16xf32>
        tpu.vector_store %arg11[%swap3A_914, %swap3A_915, %swap3A_916], %swap3A_919 {strides = array<i32>} : memref<2x64x128xf32, #tpu.memory_space<vmem>>, vector<1x1x16xf32>,
      }
      %scan3A_575 = arith.constant 64 : i32
      %get3A_576 = arith.constant 0 : i32
      %get3A_577 = arith.index_cast %get3A_576 : i32 to index
      %get3A_578 = arith.constant 0 : index
      %get3A_579 = tpu.vector_load %arg8[%get3A_577, %get3A_578] {strides = array<i32>} : memref<2x64xi32, #tpu.memory_space<vmem>>, vector<1x16xi32>,
      %get3A_580 = vector.shape_cast %get3A_579 : vector<1x16xi32> to vector<16xi32>
      %swap3A_581 = arith.constant 0 : i32
      %swap3A_582 = arith.index_cast %swap3A_581 : i32 to index
      %swap3A_583 = arith.constant 0 : index
      %swap3A_584 = tpu.vector_load %arg9[%swap3A_582, %swap3A_583] {strides = array<i32>} : memref<2x64xi32, #tpu.memory_space<vmem>>, vector<1x16xi32>,
      %swap3A_585 = vector.shape_cast %swap3A_584 : vector<1x16xi32> to vector<16xi32>
      %swap3A_586 = vector.shape_cast %get3A_580 : vector<16xi32> to vector<1x16xi32>
      tpu.vector_store %arg9[%swap3A_582, %swap3A_583], %swap3A_586 {strides = array<i32>} : memref<2x64xi32, #tpu.memory_space<vmem>>, vector<1x16xi32>,
      %get3A_587 = arith.constant 0 : i32
      %get3A_588 = arith.index_cast %get3A_587 : i32 to index
      %get3A_589 = arith.constant 16 : index
      %get3A_590 = tpu.vector_load %arg8[%get3A_588, %get3A_589] {strides = array<i32>} : memref<2x64xi32, #tpu.memory_space<vmem>>, vector<1x16xi32>,
      %get3A_591 = vector.shape_cast %get3A_590 : vector<1x16xi32> to vector<16xi32>
      %swap3A_592 = arith.constant 0 : i32
      %swap3A_593 = arith.index_cast %swap3A_592 : i32 to index
      %swap3A_594 = arith.constant 16 : index
      %swap3A_595 = tpu.vector_load %arg9[%swap3A_593, %swap3A_594] {strides = array<i32>} : memref<2x64xi32, #tpu.memory_space<vmem>>, vector<1x16xi32>,
      %swap3A_596 = vector.shape_cast %swap3A_595 : vector<1x16xi32> to vector<16xi32>
      %swap3A_597 = vector.shape_cast %get3A_591 : vector<16xi32> to vector<1x16xi32>
      tpu.vector_store %arg9[%swap3A_593, %swap3A_594], %swap3A_597 {strides = array<i32>} : memref<2x64xi32, #tpu.memory_space<vmem>>, vector<1x16xi32>,
      %get3A_598 = arith.constant 0 : i32
      %get3A_599 = arith.index_cast %get3A_598 : i32 to index
      %get3A_600 = arith.constant 32 : index
      %get3A_601 = tpu.vector_load %arg8[%get3A_599, %get3A_600] {strides = array<i32>} : memref<2x64xi32, #tpu.memory_space<vmem>>, vector<1x16xi32>,
      %get3A_602 = vector.shape_cast %get3A_601 : vector<1x16xi32> to vector<16xi32>
      %swap3A_603 = arith.constant 0 : i32
      %swap3A_604 = arith.index_cast %swap3A_603 : i32 to index
      %swap3A_605 = arith.constant 32 : index
      %swap3A_606 = tpu.vector_load %arg9[%swap3A_604, %swap3A_605] {strides = array<i32>} : memref<2x64xi32, #tpu.memory_space<vmem>>, vector<1x16xi32>,
      %swap3A_607 = vector.shape_cast %swap3A_606 : vector<1x16xi32> to vector<16xi32>
      %swap3A_608 = vector.shape_cast %get3A_602 : vector<16xi32> to vector<1x16xi32>
      tpu.vector_store %arg9[%swap3A_604, %swap3A_605], %swap3A_608 {strides = array<i32>} : memref<2x64xi32, #tpu.memory_space<vmem>>, vector<1x16xi32>,
      %get3A_609 = arith.constant 0 : i32
      %get3A_610 = arith.index_cast %get3A_609 : i32 to index
      %get3A_611 = arith.constant 48 : index
      %get3A_612 = tpu.vector_load %arg8[%get3A_610, %get3A_611] {strides = array<i32>} : memref<2x64xi32, #tpu.memory_space<vmem>>, vector<1x16xi32>,
      %get3A_613 = vector.shape_cast %get3A_612 : vector<1x16xi32> to vector<16xi32>
      %swap3A_614 = arith.constant 0 : i32
      %swap3A_615 = arith.index_cast %swap3A_614 : i32 to index
      %swap3A_616 = arith.constant 48 : index
      %swap3A_617 = tpu.vector_load %arg9[%swap3A_615, %swap3A_616] {strides = array<i32>} : memref<2x64xi32, #tpu.memory_space<vmem>>, vector<1x16xi32>,
      %swap3A_618 = vector.shape_cast %swap3A_617 : vector<1x16xi32> to vector<16xi32>
      %swap3A_619 = vector.shape_cast %get3A_613 : vector<16xi32> to vector<1x16xi32>
      tpu.vector_store %arg9[%swap3A_615, %swap3A_616], %swap3A_619 {strides = array<i32>} : memref<2x64xi32, #tpu.memory_space<vmem>>, vector<1x16xi32>,
      %dma_start3A_620 = arith.constant 0 : i32
      %dma_start3A_621 = arith.constant 0 : i32
      %dma_start3A_622 = arith.constant 0 : i32
      %dma_start3A_623 = arith.constant 0 : i32
      %dma_start3A_624 = tpu.memref_slice %arg11[%dma_start3A_620, %dma_start3A_622, %dma_start3A_623] : memref<2x64x128xf32, #tpu.memory_space<vmem>> -> memref<1x64x128xf32, #tpu.memory_space<vmem>>
      %dma_start3A_625 = tpu.memref_squeeze %dma_start3A_624 : memref<1x64x128xf32, #tpu.memory_space<vmem>> -> memref<64x128xf32, #tpu.memory_space<vmem>>
      %dma_start3A_626 = arith.constant 0 : i32
      %dma_start3A_627 = tpu.memref_slice %arg9[%dma_start3A_621, %dma_start3A_626] : memref<2x64xi32, #tpu.memory_space<vmem>> -> memref<1x64xi32, #tpu.memory_space<vmem>>
      %dma_start3A_628 = tpu.memref_squeeze %dma_start3A_627 : memref<1x64xi32, #tpu.memory_space<vmem>> -> memref<64xi32, #tpu.memory_space<vmem>>
      %dma_start3A_629 = arith.constant 0 : i32
      %dma_start3A_630 = arith.constant 0 : i32
      %dma_start3A_631 = tpu.memref_slice %arg12[%dma_start3A_629, %dma_start3A_630] : memref<10008x128xf32, #tpu.memory_space<vmem_shared>> -> memref<10008x128xf32, #tpu.memory_space<vmem_shared>>
      tpu.enqueue_indirect_dma source(%dma_start3A_625 : memref<64x128xf32, #tpu.memory_space<vmem>>) target(%dma_start3A_631 : memref<10008x128xf32, #tpu.memory_space<vmem_shared>>) offsets(%dma_start3A_628 : memref<64xi32, #tpu.memory_space<vmem>>) semaphore(%arg17 : memref<!tpu.dma_semaphore, #tpu.memory_space<semaphore_mem>>) {add = true}
      %dma_wait3A_632 = arith.constant 1 : i32
      %dma_wait3A_633 = arith.constant 1 : i32
      %dma_wait3A_634 = arith.constant 0 : i32
      %dma_wait3A_635 = arith.constant 0 : i32
      %dma_wait3A_636 = tpu.memref_slice %arg11[%dma_wait3A_632, %dma_wait3A_634, %dma_wait3A_635] : memref<2x64x128xf32, #tpu.memory_space<vmem>> -> memref<1x64x128xf32, #tpu.memory_space<vmem>>
      %dma_wait3A_637 = tpu.memref_squeeze %dma_wait3A_636 : memref<1x64x128xf32, #tpu.memory_space<vmem>> -> memref<64x128xf32, #tpu.memory_space<vmem>>
      %dma_wait3A_638 = arith.constant 0 : i32
      %dma_wait3A_639 = tpu.memref_slice %arg9[%dma_wait3A_633, %dma_wait3A_638] : memref<2x64xi32, #tpu.memory_space<vmem>> -> memref<1x64xi32, #tpu.memory_space<vmem>>
      %dma_wait3A_640 = tpu.memref_squeeze %dma_wait3A_639 : memref<1x64xi32, #tpu.memory_space<vmem>> -> memref<64xi32, #tpu.memory_space<vmem>>
      %dma_wait3A_641 = arith.constant 0 : i32
      %dma_wait3A_642 = arith.constant 0 : i32
      %dma_wait3A_643 = tpu.memref_slice %arg12[%dma_wait3A_641, %dma_wait3A_642] : memref<10008x128xf32, #tpu.memory_space<vmem_shared>> -> memref<10008x128xf32, #tpu.memory_space<vmem_shared>>
      tpu.wait_indirect_dma semaphore(%arg18 : memref<!tpu.dma_semaphore, #tpu.memory_space<semaphore_mem>>) src(%dma_wait3A_637 : memref<64x128xf32, #tpu.memory_space<vmem>>) dst(%dma_wait3A_643 : memref<10008x128xf32, #tpu.memory_space<vmem_shared>>)
      %add3A_644 = arith.constant 1 : i32
      %add3A_645 = arith.addi %add3A_557, %add3A_644 : i32
      %mul3A_646 = arith.constant 32 : i32
      %mul3A_647 = arith.muli %add3A_645, %mul3A_646 : i32
      %add3A_648 = arith.addi %mul3A_647, %add3A : i32
      %min3A_649 = arith.constant 5023 : i32
      %min3A_650 = arith.minsi %add3A_648, %min3A_649 : i32
      %mul3A_651 = arith.constant 64 : i32
      %mul3A_652 = arith.muli %min3A_650, %mul3A_651 : i32
      %dma_wait3A_653 = arith.constant 1 : i32
      %dma_wait3A_654 = arith.constant 0 : i32
      %dma_wait3A_655 = tpu.memref_slice %arg7[%dma_wait3A_653, %dma_wait3A_654] : memref<2x64xi32, #tpu.memory_space<vmem>> -> memref<1x64xi32, #tpu.memory_space<vmem>>
      %dma_wait3A_656 = tpu.memref_squeeze %dma_wait3A_655 : memref<1x64xi32, #tpu.memory_space<vmem>> -> memref<64xi32, #tpu.memory_space<vmem>>
      %dma_wait3A_657 = tpu.memref_slice %arg4[%mul3A_652] : memref<321536xi32, #tpu.memory_space<hbm>> -> memref<64xi32, #tpu.memory_space<hbm>>
      %dma_wait3A_658 = arith.constant 0 : i32
      %dma_wait3A_659 = tpu.memref_slice %arg7[%dma_wait3A_653, %dma_wait3A_658] : memref<2x64xi32, #tpu.memory_space<vmem>> -> memref<1x64xi32, #tpu.memory_space<vmem>>
      %dma_wait3A_660 = tpu.memref_squeeze %dma_wait3A_659 : memref<1x64xi32, #tpu.memory_space<vmem>> -> memref<64xi32, #tpu.memory_space<vmem>>
      %dma_wait3A_661 = tpu.memref_slice %arg4[%mul3A_652] : memref<321536xi32, #tpu.memory_space<hbm>> -> memref<64xi32, #tpu.memory_space<hbm>>
      tpu.wait_dma2 semaphore(%arg14 : memref<!tpu.dma_semaphore, #tpu.memory_space<semaphore_mem>>) src(%dma_wait3A_661 : memref<64xi32, #tpu.memory_space<hbm>>) dst(%dma_wait3A_660 : memref<64xi32, #tpu.memory_space<vmem>>)
      %dma_wait3A_662 = arith.constant 1 : i32
      %dma_wait3A_663 = arith.constant 0 : i32
      %dma_wait3A_664 = tpu.memref_slice %arg8[%dma_wait3A_662, %dma_wait3A_663] : memref<2x64xi32, #tpu.memory_space<vmem>> -> memref<1x64xi32, #tpu.memory_space<vmem>>
      %dma_wait3A_665 = tpu.memref_squeeze %dma_wait3A_664 : memref<1x64xi32, #tpu.memory_space<vmem>> -> memref<64xi32, #tpu.memory_space<vmem>>
      %dma_wait3A_666 = tpu.memref_slice %arg5[%mul3A_652] : memref<321536xi32, #tpu.memory_space<hbm>> -> memref<64xi32, #tpu.memory_space<hbm>>
      %dma_wait3A_667 = arith.constant 0 : i32
      %dma_wait3A_668 = tpu.memref_slice %arg8[%dma_wait3A_662, %dma_wait3A_667] : memref<2x64xi32, #tpu.memory_space<vmem>> -> memref<1x64xi32, #tpu.memory_space<vmem>>
      %dma_wait3A_669 = tpu.memref_squeeze %dma_wait3A_668 : memref<1x64xi32, #tpu.memory_space<vmem>> -> memref<64xi32, #tpu.memory_space<vmem>>
      %dma_wait3A_670 = tpu.memref_slice %arg5[%mul3A_652] : memref<321536xi32, #tpu.memory_space<hbm>> -> memref<64xi32, #tpu.memory_space<hbm>>
      tpu.wait_dma2 semaphore(%arg14 : memref<!tpu.dma_semaphore, #tpu.memory_space<semaphore_mem>>) src(%dma_wait3A_670 : memref<64xi32, #tpu.memory_space<hbm>>) dst(%dma_wait3A_669 : memref<64xi32, #tpu.memory_space<vmem>>)
      %dma_wait3A_671 = arith.constant 1 : i32
      %dma_wait3A_672 = arith.constant 0 : i32
      %dma_wait3A_673 = arith.constant 0 : i32
      %dma_wait3A_674 = tpu.memref_slice %arg10[%dma_wait3A_671, %dma_wait3A_672, %dma_wait3A_673] : memref<2x64x128xf32, #tpu.memory_space<vmem>> -> memref<1x64x128xf32, #tpu.memory_space<vmem>>
      %dma_wait3A_675 = tpu.memref_squeeze %dma_wait3A_674 : memref<1x64x128xf32, #tpu.memory_space<vmem>> -> memref<64x128xf32, #tpu.memory_space<vmem>>
      %dma_wait3A_676 = arith.constant 0 : i32
      %dma_wait3A_677 = tpu.memref_slice %arg3[%mul3A_652, %dma_wait3A_676] : memref<321536x128xf32, #tpu.memory_space<hbm>> -> memref<64x128xf32, #tpu.memory_space<hbm>>
      %dma_wait3A_678 = arith.constant 0 : i32
      %dma_wait3A_679 = arith.constant 0 : i32
      %dma_wait3A_680 = tpu.memref_slice %arg10[%dma_wait3A_671, %dma_wait3A_678, %dma_wait3A_679] : memref<2x64x128xf32, #tpu.memory_space<vmem>> -> memref<1x64x128xf32, #tpu.memory_space<vmem>>
      %dma_wait3A_681 = tpu.memref_squeeze %dma_wait3A_680 : memref<1x64x128xf32, #tpu.memory_space<vmem>> -> memref<64x128xf32, #tpu.memory_space<vmem>>
      %dma_wait3A_682 = arith.constant 0 : i32
      %dma_wait3A_683 = tpu.memref_slice %arg3[%mul3A_652, %dma_wait3A_682] : memref<321536x128xf32, #tpu.memory_space<hbm>> -> memref<64x128xf32, #tpu.memory_space<hbm>>
      tpu.wait_dma2 semaphore(%arg14 : memref<!tpu.dma_semaphore, #tpu.memory_space<semaphore_mem>>) src(%dma_wait3A_683 : memref<64x128xf32, #tpu.memory_space<hbm>>) dst(%dma_wait3A_681 : memref<64x128xf32, #tpu.memory_space<vmem>>)
      %dma_start3A_684 = arith.constant 1 : i32
      %dma_start3A_685 = arith.constant 1 : i32
      %dma_start3A_686 = arith.constant 0 : i32
      %dma_start3A_687 = arith.constant 0 : i32
      %dma_start3A_688 = tpu.memref_slice %arg11[%dma_start3A_685, %dma_start3A_686, %dma_start3A_687] : memref<2x64x128xf32, #tpu.memory_space<vmem>> -> memref<1x64x128xf32, #tpu.memory_space<vmem>>
      %dma_start3A_689 = tpu.memref_squeeze %dma_start3A_688 : memref<1x64x128xf32, #tpu.memory_space<vmem>> -> memref<64x128xf32, #tpu.memory_space<vmem>>
      %dma_start3A_690 = arith.constant 0 : i32
      %dma_start3A_691 = tpu.memref_slice %arg7[%dma_start3A_684, %dma_start3A_690] : memref<2x64xi32, #tpu.memory_space<vmem>> -> memref<1x64xi32, #tpu.memory_space<vmem>>
      %dma_start3A_692 = tpu.memref_squeeze %dma_start3A_691 : memref<1x64xi32, #tpu.memory_space<vmem>> -> memref<64xi32, #tpu.memory_space<vmem>>
      %dma_start3A_693 = arith.constant 0 : i32
      %dma_start3A_694 = arith.constant 0 : i32
      %dma_start3A_695 = tpu.memref_slice %arg2[%dma_start3A_693, %dma_start3A_694] : memref<10000x128xf32, #tpu.memory_space<hbm>> -> memref<10000x128xf32, #tpu.memory_space<hbm>>
      tpu.enqueue_indirect_dma source(%dma_start3A_695 : memref<10000x128xf32, #tpu.memory_space<hbm>>) target(%dma_start3A_689 : memref<64x128xf32, #tpu.memory_space<vmem>>) offsets(%dma_start3A_692 : memref<64xi32, #tpu.memory_space<vmem>>) semaphore(%arg16 : memref<!tpu.dma_semaphore, #tpu.memory_space<semaphore_mem>>)
      %add3A_696 = arith.constant 2 : i32
      %add3A_697 = arith.addi %add3A_557, %add3A_696 : i32
      %mul3A_698 = arith.constant 32 : i32
      %mul3A_699 = arith.muli %add3A_697, %mul3A_698 : i32
      %add3A_700 = arith.addi %mul3A_699, %add3A : i32
      %min3A_701 = arith.constant 5023 : i32
      %min3A_702 = arith.minsi %add3A_700, %min3A_701 : i32
      %mul3A_703 = arith.constant 64 : i32
      %mul3A_704 = arith.muli %min3A_702, %mul3A_703 : i32
      %dma_start3A_705 = arith.constant 0 : i32
      %dma_start3A_706 = arith.constant 0 : i32
      %dma_start3A_707 = tpu.memref_slice %arg7[%dma_start3A_705, %dma_start3A_706] : memref<2x64xi32, #tpu.memory_space<vmem>> -> memref<1x64xi32, #tpu.memory_space<vmem>>
      %dma_start3A_708 = tpu.memref_squeeze %dma_start3A_707 : memref<1x64xi32, #tpu.memory_space<vmem>> -> memref<64xi32, #tpu.memory_space<vmem>>
      %dma_start3A_709 = tpu.memref_slice %arg4[%mul3A_704] : memref<321536xi32, #tpu.memory_space<hbm>> -> memref<64xi32, #tpu.memory_space<hbm>>
      %dma_start3A_710 = arith.constant 0 : i32
      %dma_start3A_711 = tpu.memref_slice %arg7[%dma_start3A_705, %dma_start3A_710] : memref<2x64xi32, #tpu.memory_space<vmem>> -> memref<1x64xi32, #tpu.memory_space<vmem>>
      %dma_start3A_712 = tpu.memref_squeeze %dma_start3A_711 : memref<1x64xi32, #tpu.memory_space<vmem>> -> memref<64xi32, #tpu.memory_space<vmem>>
      %dma_start3A_713 = tpu.memref_slice %arg4[%mul3A_704] : memref<321536xi32, #tpu.memory_space<hbm>> -> memref<64xi32, #tpu.memory_space<hbm>>
      tpu.enqueue_dma source(%dma_start3A_713 : memref<64xi32, #tpu.memory_space<hbm>>) target(%dma_start3A_712 : memref<64xi32, #tpu.memory_space<vmem>>) target_semaphore(%arg13 : memref<!tpu.dma_semaphore, #tpu.memory_space<semaphore_mem>>)
      %dma_start3A_714 = arith.constant 0 : i32
      %dma_start3A_715 = arith.constant 0 : i32
      %dma_start3A_716 = tpu.memref_slice %arg8[%dma_start3A_714, %dma_start3A_715] : memref<2x64xi32, #tpu.memory_space<vmem>> -> memref<1x64xi32, #tpu.memory_space<vmem>>
      %dma_start3A_717 = tpu.memref_squeeze %dma_start3A_716 : memref<1x64xi32, #tpu.memory_space<vmem>> -> memref<64xi32, #tpu.memory_space<vmem>>
      %dma_start3A_718 = tpu.memref_slice %arg5[%mul3A_704] : memref<321536xi32, #tpu.memory_space<hbm>> -> memref<64xi32, #tpu.memory_space<hbm>>
      %dma_start3A_719 = arith.constant 0 : i32
      %dma_start3A_720 = tpu.memref_slice %arg8[%dma_start3A_714, %dma_start3A_719] : memref<2x64xi32, #tpu.memory_space<vmem>> -> memref<1x64xi32, #tpu.memory_space<vmem>>
      %dma_start3A_721 = tpu.memref_squeeze %dma_start3A_720 : memref<1x64xi32, #tpu.memory_space<vmem>> -> memref<64xi32, #tpu.memory_space<vmem>>
      %dma_start3A_722 = tpu.memref_slice %arg5[%mul3A_704] : memref<321536xi32, #tpu.memory_space<hbm>> -> memref<64xi32, #tpu.memory_space<hbm>>
      tpu.enqueue_dma source(%dma_start3A_722 : memref<64xi32, #tpu.memory_space<hbm>>) target(%dma_start3A_721 : memref<64xi32, #tpu.memory_space<vmem>>) target_semaphore(%arg13 : memref<!tpu.dma_semaphore, #tpu.memory_space<semaphore_mem>>)
      %dma_start3A_723 = arith.constant 0 : i32
      %dma_start3A_724 = arith.constant 0 : i32
      %dma_start3A_725 = arith.constant 0 : i32
      %dma_start3A_726 = tpu.memref_slice %arg10[%dma_start3A_723, %dma_start3A_724, %dma_start3A_725] : memref<2x64x128xf32, #tpu.memory_space<vmem>> -> memref<1x64x128xf32, #tpu.memory_space<vmem>>
      %dma_start3A_727 = tpu.memref_squeeze %dma_start3A_726 : memref<1x64x128xf32, #tpu.memory_space<vmem>> -> memref<64x128xf32, #tpu.memory_space<vmem>>
      %dma_start3A_728 = arith.constant 0 : i32
      %dma_start3A_729 = tpu.memref_slice %arg3[%mul3A_704, %dma_start3A_728] : memref<321536x128xf32, #tpu.memory_space<hbm>> -> memref<64x128xf32, #tpu.memory_space<hbm>>
      %dma_start3A_730 = arith.constant 0 : i32
      %dma_start3A_731 = arith.constant 0 : i32
      %dma_start3A_732 = tpu.memref_slice %arg10[%dma_start3A_723, %dma_start3A_730, %dma_start3A_731] : memref<2x64x128xf32, #tpu.memory_space<vmem>> -> memref<1x64x128xf32, #tpu.memory_space<vmem>>
      %dma_start3A_733 = tpu.memref_squeeze %dma_start3A_732 : memref<1x64x128xf32, #tpu.memory_space<vmem>> -> memref<64x128xf32, #tpu.memory_space<vmem>>
      %dma_start3A_734 = arith.constant 0 : i32
      %dma_start3A_735 = tpu.memref_slice %arg3[%mul3A_704, %dma_start3A_734] : memref<321536x128xf32, #tpu.memory_space<hbm>> -> memref<64x128xf32, #tpu.memory_space<hbm>>
      tpu.enqueue_dma source(%dma_start3A_735 : memref<64x128xf32, #tpu.memory_space<hbm>>) target(%dma_start3A_733 : memref<64x128xf32, #tpu.memory_space<vmem>>) target_semaphore(%arg13 : memref<!tpu.dma_semaphore, #tpu.memory_space<semaphore_mem>>)
    }
    %scan3A_297 = arith.constant 78 : i32
    %dma_wait3A_298 = arith.constant 0 : i32
    %dma_wait3A_299 = arith.constant 0 : i32
    %dma_wait3A_300 = arith.constant 0 : i32
    %dma_wait3A_301 = arith.constant 0 : i32
    %dma_wait3A_302 = tpu.memref_slice %arg11[%dma_wait3A_298, %dma_wait3A_300, %dma_wait3A_301] : memref<2x64x128xf32, #tpu.memory_space<vmem>> -> memref<1x64x128xf32, #tpu.memory_space<vmem>>
    %dma_wait3A_303 = tpu.memref_squeeze %dma_wait3A_302 : memref<1x64x128xf32, #tpu.memory_space<vmem>> -> memref<64x128xf32, #tpu.memory_space<vmem>>
    %dma_wait3A_304 = arith.constant 0 : i32
    %dma_wait3A_305 = tpu.memref_slice %arg9[%dma_wait3A_299, %dma_wait3A_304] : memref<2x64xi32, #tpu.memory_space<vmem>> -> memref<1x64xi32, #tpu.memory_space<vmem>>
    %dma_wait3A_306 = tpu.memref_squeeze %dma_wait3A_305 : memref<1x64xi32, #tpu.memory_space<vmem>> -> memref<64xi32, #tpu.memory_space<vmem>>
    %dma_wait3A_307 = arith.constant 0 : i32
    %dma_wait3A_308 = arith.constant 0 : i32
    %dma_wait3A_309 = tpu.memref_slice %arg12[%dma_wait3A_307, %dma_wait3A_308] : memref<10008x128xf32, #tpu.memory_space<vmem_shared>> -> memref<10008x128xf32, #tpu.memory_space<vmem_shared>>
    tpu.wait_indirect_dma semaphore(%arg17 : memref<!tpu.dma_semaphore, #tpu.memory_space<semaphore_mem>>) src(%dma_wait3A_303 : memref<64x128xf32, #tpu.memory_space<vmem>>) dst(%dma_wait3A_309 : memref<10008x128xf32, #tpu.memory_space<vmem_shared>>)
    %dma_wait3A_310 = arith.constant 1 : i32
    %dma_wait3A_311 = arith.constant 1 : i32
    %dma_wait3A_312 = arith.constant 0 : i32
    %dma_wait3A_313 = arith.constant 0 : i32
    %dma_wait3A_314 = tpu.memref_slice %arg11[%dma_wait3A_311, %dma_wait3A_312, %dma_wait3A_313] : memref<2x64x128xf32, #tpu.memory_space<vmem>> -> memref<1x64x128xf32, #tpu.memory_space<vmem>>
    %dma_wait3A_315 = tpu.memref_squeeze %dma_wait3A_314 : memref<1x64x128xf32, #tpu.memory_space<vmem>> -> memref<64x128xf32, #tpu.memory_space<vmem>>
    %dma_wait3A_316 = arith.constant 0 : i32
    %dma_wait3A_317 = tpu.memref_slice %arg7[%dma_wait3A_310, %dma_wait3A_316] : memref<2x64xi32, #tpu.memory_space<vmem>> -> memref<1x64xi32, #tpu.memory_space<vmem>>
    %dma_wait3A_318 = tpu.memref_squeeze %dma_wait3A_317 : memref<1x64xi32, #tpu.memory_space<vmem>> -> memref<64xi32, #tpu.memory_space<vmem>>
    %dma_wait3A_319 = arith.constant 0 : i32
    %dma_wait3A_320 = arith.constant 0 : i32
    %dma_wait3A_321 = tpu.memref_slice %arg2[%dma_wait3A_319, %dma_wait3A_320] : memref<10000x128xf32, #tpu.memory_space<hbm>> -> memref<10000x128xf32, #tpu.memory_space<hbm>>
    tpu.wait_indirect_dma semaphore(%arg16 : memref<!tpu.dma_semaphore, #tpu.memory_space<semaphore_mem>>) src(%dma_wait3A_321 : memref<10000x128xf32, #tpu.memory_space<hbm>>) dst(%dma_wait3A_315 : memref<64x128xf32, #tpu.memory_space<vmem>>)
    %add3A_322 = arith.constant 5056 : i32
    %add3A_323 = arith.addi %add3A_322, %add3A : i32
    %min3A_324 = arith.constant 5023 : i32
    %min3A_325 = arith.minsi %add3A_323, %min3A_324 : i32
    %mul3A_326 = arith.constant 64 : i32
    %mul3A_327 = arith.muli %min3A_325, %mul3A_326 : i32
    %dma_wait3A_328 = arith.constant 0 : i32
    %dma_wait3A_329 = arith.constant 0 : i32
    %dma_wait3A_330 = tpu.memref_slice %arg7[%dma_wait3A_328, %dma_wait3A_329] : memref<2x64xi32, #tpu.memory_space<vmem>> -> memref<1x64xi32, #tpu.memory_space<vmem>>
    %dma_wait3A_331 = tpu.memref_squeeze %dma_wait3A_330 : memref<1x64xi32, #tpu.memory_space<vmem>> -> memref<64xi32, #tpu.memory_space<vmem>>
    %dma_wait3A_332 = tpu.memref_slice %arg4[%mul3A_327] : memref<321536xi32, #tpu.memory_space<hbm>> -> memref<64xi32, #tpu.memory_space<hbm>>
    %dma_wait3A_333 = arith.constant 0 : i32
    %dma_wait3A_334 = tpu.memref_slice %arg7[%dma_wait3A_328, %dma_wait3A_333] : memref<2x64xi32, #tpu.memory_space<vmem>> -> memref<1x64xi32, #tpu.memory_space<vmem>>
    %dma_wait3A_335 = tpu.memref_squeeze %dma_wait3A_334 : memref<1x64xi32, #tpu.memory_space<vmem>> -> memref<64xi32, #tpu.memory_space<vmem>>
    %dma_wait3A_336 = tpu.memref_slice %arg4[%mul3A_327] : memref<321536xi32, #tpu.memory_space<hbm>> -> memref<64xi32, #tpu.memory_space<hbm>>
    tpu.wait_dma2 semaphore(%arg13 : memref<!tpu.dma_semaphore, #tpu.memory_space<semaphore_mem>>) src(%dma_wait3A_336 : memref<64xi32, #tpu.memory_space<hbm>>) dst(%dma_wait3A_335 : memref<64xi32, #tpu.memory_space<vmem>>)
    %dma_wait3A_337 = arith.constant 0 : i32
    %dma_wait3A_338 = arith.constant 0 : i32
    %dma_wait3A_339 = tpu.memref_slice %arg8[%dma_wait3A_337, %dma_wait3A_338] : memref<2x64xi32, #tpu.memory_space<vmem>> -> memref<1x64xi32, #tpu.memory_space<vmem>>
    %dma_wait3A_340 = tpu.memref_squeeze %dma_wait3A_339 : memref<1x64xi32, #tpu.memory_space<vmem>> -> memref<64xi32, #tpu.memory_space<vmem>>
    %dma_wait3A_341 = tpu.memref_slice %arg5[%mul3A_327] : memref<321536xi32, #tpu.memory_space<hbm>> -> memref<64xi32, #tpu.memory_space<hbm>>
    %dma_wait3A_342 = arith.constant 0 : i32
    %dma_wait3A_343 = tpu.memref_slice %arg8[%dma_wait3A_337, %dma_wait3A_342] : memref<2x64xi32, #tpu.memory_space<vmem>> -> memref<1x64xi32, #tpu.memory_space<vmem>>
    %dma_wait3A_344 = tpu.memref_squeeze %dma_wait3A_343 : memref<1x64xi32, #tpu.memory_space<vmem>> -> memref<64xi32, #tpu.memory_space<vmem>>
    %dma_wait3A_345 = tpu.memref_slice %arg5[%mul3A_327] : memref<321536xi32, #tpu.memory_space<hbm>> -> memref<64xi32, #tpu.memory_space<hbm>>
    tpu.wait_dma2 semaphore(%arg13 : memref<!tpu.dma_semaphore, #tpu.memory_space<semaphore_mem>>) src(%dma_wait3A_345 : memref<64xi32, #tpu.memory_space<hbm>>) dst(%dma_wait3A_344 : memref<64xi32, #tpu.memory_space<vmem>>)
    %dma_wait3A_346 = arith.constant 0 : i32
    %dma_wait3A_347 = arith.constant 0 : i32
    %dma_wait3A_348 = arith.constant 0 : i32
    %dma_wait3A_349 = tpu.memref_slice %arg10[%dma_wait3A_346, %dma_wait3A_347, %dma_wait3A_348] : memref<2x64x128xf32, #tpu.memory_space<vmem>> -> memref<1x64x128xf32, #tpu.memory_space<vmem>>
    %dma_wait3A_350 = tpu.memref_squeeze %dma_wait3A_349 : memref<1x64x128xf32, #tpu.memory_space<vmem>> -> memref<64x128xf32, #tpu.memory_space<vmem>>
    %dma_wait3A_351 = arith.constant 0 : i32
    %dma_wait3A_352 = tpu.memref_slice %arg3[%mul3A_327, %dma_wait3A_351] : memref<321536x128xf32, #tpu.memory_space<hbm>> -> memref<64x128xf32, #tpu.memory_space<hbm>>
    %dma_wait3A_353 = arith.constant 0 : i32
    %dma_wait3A_354 = arith.constant 0 : i32
    %dma_wait3A_355 = tpu.memref_slice %arg10[%dma_wait3A_346, %dma_wait3A_353, %dma_wait3A_354] : memref<2x64x128xf32, #tpu.memory_space<vmem>> -> memref<1x64x128xf32, #tpu.memory_space<vmem>>
    %dma_wait3A_356 = tpu.memref_squeeze %dma_wait3A_355 : memref<1x64x128xf32, #tpu.memory_space<vmem>> -> memref<64x128xf32, #tpu.memory_space<vmem>>
    %dma_wait3A_357 = arith.constant 0 : i32
    %dma_wait3A_358 = tpu.memref_slice %arg3[%mul3A_327, %dma_wait3A_357] : memref<321536x128xf32, #tpu.memory_space<hbm>> -> memref<64x128xf32, #tpu.memory_space<hbm>>
    tpu.wait_dma2 semaphore(%arg13 : memref<!tpu.dma_semaphore, #tpu.memory_space<semaphore_mem>>) src(%dma_wait3A_358 : memref<64x128xf32, #tpu.memory_space<hbm>>) dst(%dma_wait3A_356 : memref<64x128xf32, #tpu.memory_space<vmem>>)
    %barrier3A_359 = arith.constant 0 : index
    tpu.barrier barrier_id(%barrier3A_359)
    %scan3A_360 = arith.constant 0 : i32
    %scan3A_361 = arith.constant 0 : i32
    %scan3A_362 = arith.constant 10 : i32
    %scan3A_363 = arith.addi %scan3A_361, %scan3A_362 : i32
    %scan3A_364 = arith.constant 1 : i32
    scf.for %scan3A_371 = %scan3A_361 to %scan3A_363 step %scan3A_364  : i32 {
      %mul3A_372 = arith.constant 16 : i32
      %mul3A_373 = arith.muli %scan3A_371, %mul3A_372 : i32
      %add3A_374 = arith.addi %mul3A_373, %arg1 : i32
      %lt3A = arith.constant 156 : i32
      %lt3A_375 = arith.cmpi slt, %add3A_374, %lt3A : i32
      %convert_element_type3A_376 = arith.extui %lt3A_375 : i1 to i32
      %cond3A_377 = arith.constant 0 : i32
      %cond3A_378 = arith.cmpi ne, %convert_element_type3A_376, %cond3A_377 : i32
      scf.if %cond3A_378 {
        %mul3A_379 = arith.constant 64 : i32
        %mul3A_380 = arith.muli %add3A_374, %mul3A_379 : i32
        %run_scoped3A = arith.constant 0 : i32
        "tpu.region"() ({
          %run_scoped3A_382 = tpu.sem_alloc : memref<!tpu.dma_semaphore, #tpu.memory_space<semaphore_mem>>
          %dma_start3A_383 = arith.constant 0 : i32
          %dma_start3A_384 = arith.constant 0 : i32
          %dma_start3A_385 = tpu.memref_slice %arg11[%run_scoped3A, %dma_start3A_383, %dma_start3A_384] : memref<2x64x128xf32, #tpu.memory_space<vmem>> -> memref<1x64x128xf32, #tpu.memory_space<vmem>>
          %dma_start3A_386 = tpu.memref_squeeze %dma_start3A_385 : memref<1x64x128xf32, #tpu.memory_space<vmem>> -> memref<64x128xf32, #tpu.memory_space<vmem>>
          %dma_start3A_387 = arith.constant 0 : i32
          %dma_start3A_388 = tpu.memref_slice %arg12[%mul3A_380, %dma_start3A_387] : memref<10008x128xf32, #tpu.memory_space<vmem_shared>> -> memref<64x128xf32, #tpu.memory_space<vmem_shared>>
          %dma_start3A_389 = arith.constant 0 : i32
          %dma_start3A_390 = arith.constant 0 : i32
          %dma_start3A_391 = tpu.memref_slice %arg11[%run_scoped3A, %dma_start3A_389, %dma_start3A_390] : memref<2x64x128xf32, #tpu.memory_space<vmem>> -> memref<1x64x128xf32, #tpu.memory_space<vmem>>
          %dma_start3A_392 = tpu.memref_squeeze %dma_start3A_391 : memref<1x64x128xf32, #tpu.memory_space<vmem>> -> memref<64x128xf32, #tpu.memory_space<vmem>>
          %dma_start3A_393 = arith.constant 0 : i32
          %dma_start3A_394 = tpu.memref_slice %arg12[%mul3A_380, %dma_start3A_393] : memref<10008x128xf32, #tpu.memory_space<vmem_shared>> -> memref<64x128xf32, #tpu.memory_space<vmem_shared>>
          tpu.enqueue_dma source(%dma_start3A_394 : memref<64x128xf32, #tpu.memory_space<vmem_shared>>) target(%dma_start3A_392 : memref<64x128xf32, #tpu.memory_space<vmem>>) target_semaphore(%run_scoped3A_382 : memref<!tpu.dma_semaphore, #tpu.memory_space<semaphore_mem>>)
          %dma_wait3A_395 = arith.constant 0 : i32
          %dma_wait3A_396 = arith.constant 0 : i32
          %dma_wait3A_397 = tpu.memref_slice %arg11[%run_scoped3A, %dma_wait3A_395, %dma_wait3A_396] : memref<2x64x128xf32, #tpu.memory_space<vmem>> -> memref<1x64x128xf32, #tpu.memory_space<vmem>>
          %dma_wait3A_398 = tpu.memref_squeeze %dma_wait3A_397 : memref<1x64x128xf32, #tpu.memory_space<vmem>> -> memref<64x128xf32, #tpu.memory_space<vmem>>
          %dma_wait3A_399 = arith.constant 0 : i32
          %dma_wait3A_400 = tpu.memref_slice %arg12[%mul3A_380, %dma_wait3A_399] : memref<10008x128xf32, #tpu.memory_space<vmem_shared>> -> memref<64x128xf32, #tpu.memory_space<vmem_shared>>
          %dma_wait3A_401 = arith.constant 0 : i32
          %dma_wait3A_402 = arith.constant 0 : i32
          %dma_wait3A_403 = tpu.memref_slice %arg11[%run_scoped3A, %dma_wait3A_401, %dma_wait3A_402] : memref<2x64x128xf32, #tpu.memory_space<vmem>> -> memref<1x64x128xf32, #tpu.memory_space<vmem>>
          %dma_wait3A_404 = tpu.memref_squeeze %dma_wait3A_403 : memref<1x64x128xf32, #tpu.memory_space<vmem>> -> memref<64x128xf32, #tpu.memory_space<vmem>>
          %dma_wait3A_405 = arith.constant 0 : i32
          %dma_wait3A_406 = tpu.memref_slice %arg12[%mul3A_380, %dma_wait3A_405] : memref<10008x128xf32, #tpu.memory_space<vmem_shared>> -> memref<64x128xf32, #tpu.memory_space<vmem_shared>>
          tpu.wait_dma2 semaphore(%run_scoped3A_382 : memref<!tpu.dma_semaphore, #tpu.memory_space<semaphore_mem>>) src(%dma_wait3A_406 : memref<64x128xf32, #tpu.memory_space<vmem_shared>>) dst(%dma_wait3A_404 : memref<64x128xf32, #tpu.memory_space<vmem>>)
          tpu.yield
        }) : () -> ()
        %run_scoped3A_381 = arith.constant 0 : i32
        "tpu.region"() ({
          %run_scoped3A_382 = tpu.sem_alloc : memref<!tpu.dma_semaphore, #tpu.memory_space<semaphore_mem>>
          %dma_start3A_383 = arith.constant 0 : i32
          %dma_start3A_384 = arith.constant 0 : i32
          %dma_start3A_385 = tpu.memref_slice %arg11[%run_scoped3A_381, %dma_start3A_383, %dma_start3A_384] : memref<2x64x128xf32, #tpu.memory_space<vmem>> -> memref<1x64x128xf32, #tpu.memory_space<vmem>>
          %dma_start3A_386 = tpu.memref_squeeze %dma_start3A_385 : memref<1x64x128xf32, #tpu.memory_space<vmem>> -> memref<64x128xf32, #tpu.memory_space<vmem>>
          %dma_start3A_387 = arith.constant 0 : i32
          %dma_start3A_388 = tpu.memref_slice %arg6[%arg0, %mul3A_380, %dma_start3A_387] : memref<2x10000x128xf32, #tpu.memory_space<hbm>> -> memref<1x64x128xf32, #tpu.memory_space<hbm>>
          %dma_start3A_389 = tpu.memref_squeeze %dma_start3A_388 : memref<1x64x128xf32, #tpu.memory_space<hbm>> -> memref<64x128xf32, #tpu.memory_space<hbm>>
          %dma_start3A_390 = arith.constant 0 : i32
          %dma_start3A_391 = tpu.memref_slice %arg6[%arg0, %mul3A_380, %dma_start3A_390] : memref<2x10000x128xf32, #tpu.memory_space<hbm>> -> memref<1x64x128xf32, #tpu.memory_space<hbm>>
          %dma_start3A_392 = tpu.memref_squeeze %dma_start3A_391 : memref<1x64x128xf32, #tpu.memory_space<hbm>> -> memref<64x128xf32, #tpu.memory_space<hbm>>
          %dma_start3A_393 = arith.constant 0 : i32
          %dma_start3A_394 = arith.constant 0 : i32
          %dma_start3A_395 = tpu.memref_slice %arg11[%run_scoped3A_381, %dma_start3A_393, %dma_start3A_394] : memref<2x64x128xf32, #tpu.memory_space<vmem>> -> memref<1x64x128xf32, #tpu.memory_space<vmem>>
          %dma_start3A_396 = tpu.memref_squeeze %dma_start3A_395 : memref<1x64x128xf32, #tpu.memory_space<vmem>> -> memref<64x128xf32, #tpu.memory_space<vmem>>
          tpu.enqueue_dma source(%dma_start3A_396 : memref<64x128xf32, #tpu.memory_space<vmem>>) target(%dma_start3A_392 : memref<64x128xf32, #tpu.memory_space<hbm>>) target_semaphore(%run_scoped3A_382 : memref<!tpu.dma_semaphore, #tpu.memory_space<semaphore_mem>>)
          %dma_wait3A_397 = arith.constant 0 : i32
          %dma_wait3A_398 = arith.constant 0 : i32
          %dma_wait3A_399 = tpu.memref_slice %arg11[%run_scoped3A_381, %dma_wait3A_397, %dma_wait3A_398] : memref<2x64x128xf32, #tpu.memory_space<vmem>> -> memref<1x64x128xf32, #tpu.memory_space<vmem>>
          %dma_wait3A_400 = tpu.memref_squeeze %dma_wait3A_399 : memref<1x64x128xf32, #tpu.memory_space<vmem>> -> memref<64x128xf32, #tpu.memory_space<vmem>>
          %dma_wait3A_401 = arith.constant 0 : i32
          %dma_wait3A_402 = tpu.memref_slice %arg6[%arg0, %mul3A_380, %dma_wait3A_401] : memref<2x10000x128xf32, #tpu.memory_space<hbm>> -> memref<1x64x128xf32, #tpu.memory_space<hbm>>
          %dma_wait3A_403 = tpu.memref_squeeze %dma_wait3A_402 : memref<1x64x128xf32, #tpu.memory_space<hbm>> -> memref<64x128xf32, #tpu.memory_space<hbm>>
          %dma_wait3A_404 = arith.constant 0 : i32
          %dma_wait3A_405 = tpu.memref_slice %arg6[%arg0, %mul3A_380, %dma_wait3A_404] : memref<2x10000x128xf32, #tpu.memory_space<hbm>> -> memref<1x64x128xf32, #tpu.memory_space<hbm>>
          %dma_wait3A_406 = tpu.memref_squeeze %dma_wait3A_405 : memref<1x64x128xf32, #tpu.memory_space<hbm>> -> memref<64x128xf32, #tpu.memory_space<hbm>>
          %dma_wait3A_407 = arith.constant 0 : i32
          %dma_wait3A_408 = arith.constant 0 : i32
          %dma_wait3A_409 = tpu.memref_slice %arg11[%run_scoped3A_381, %dma_wait3A_407, %dma_wait3A_408] : memref<2x64x128xf32, #tpu.memory_space<vmem>> -> memref<1x64x128xf32, #tpu.memory_space<vmem>>
          %dma_wait3A_410 = tpu.memref_squeeze %dma_wait3A_409 : memref<1x64x128xf32, #tpu.memory_space<vmem>> -> memref<64x128xf32, #tpu.memory_space<vmem>>
          tpu.wait_dma2 semaphore(%run_scoped3A_382 : memref<!tpu.dma_semaphore, #tpu.memory_space<semaphore_mem>>) src(%dma_wait3A_410 : memref<64x128xf32, #tpu.memory_space<vmem>>) dst(%dma_wait3A_406 : memref<64x128xf32, #tpu.memory_space<hbm>>)
          tpu.yield
        }) : () -> ()
      } else {
      }
    }
    %scan3A_365 = arith.constant 10 : i32
    %eq3A_366 = arith.constant 0 : i32
    %eq3A_367 = arith.cmpi eq, %arg1, %eq3A_366 : i32
    %convert_element_type3A_368 = arith.extui %eq3A_367 : i1 to i32
    %cond3A_369 = arith.constant 0 : i32
    %cond3A_370 = arith.cmpi ne, %convert_element_type3A_368, %cond3A_369 : i32
    scf.if %cond3A_370 {
      %run_scoped3A = arith.constant 0 : i32
      "tpu.region"() ({
        %run_scoped3A_372 = tpu.sem_alloc : memref<!tpu.dma_semaphore, #tpu.memory_space<semaphore_mem>>
        %dma_start3A_373 = arith.constant 0 : i32
        %dma_start3A_374 = arith.constant 0 : i32
        %dma_start3A_375 = tpu.memref_slice %arg11[%run_scoped3A, %dma_start3A_373, %dma_start3A_374] : memref<2x64x128xf32, #tpu.memory_space<vmem>> -> memref<1x16x128xf32, #tpu.memory_space<vmem>>
        %dma_start3A_376 = tpu.memref_squeeze %dma_start3A_375 : memref<1x16x128xf32, #tpu.memory_space<vmem>> -> memref<16x128xf32, #tpu.memory_space<vmem>>
        %dma_start3A_377 = arith.constant 9984 : i32
        %dma_start3A_378 = arith.constant 0 : i32
        %dma_start3A_379 = tpu.memref_slice %arg12[%dma_start3A_377, %dma_start3A_378] : memref<10008x128xf32, #tpu.memory_space<vmem_shared>> -> memref<16x128xf32, #tpu.memory_space<vmem_shared>>
        %dma_start3A_380 = arith.constant 0 : i32
        %dma_start3A_381 = arith.constant 0 : i32
        %dma_start3A_382 = tpu.memref_slice %arg11[%run_scoped3A, %dma_start3A_380, %dma_start3A_381] : memref<2x64x128xf32, #tpu.memory_space<vmem>> -> memref<1x16x128xf32, #tpu.memory_space<vmem>>
        %dma_start3A_383 = tpu.memref_squeeze %dma_start3A_382 : memref<1x16x128xf32, #tpu.memory_space<vmem>> -> memref<16x128xf32, #tpu.memory_space<vmem>>
        %dma_start3A_384 = arith.constant 9984 : i32
        %dma_start3A_385 = arith.constant 0 : i32
        %dma_start3A_386 = tpu.memref_slice %arg12[%dma_start3A_384, %dma_start3A_385] : memref<10008x128xf32, #tpu.memory_space<vmem_shared>> -> memref<16x128xf32, #tpu.memory_space<vmem_shared>>
        tpu.enqueue_dma source(%dma_start3A_386 : memref<16x128xf32, #tpu.memory_space<vmem_shared>>) target(%dma_start3A_383 : memref<16x128xf32, #tpu.memory_space<vmem>>) target_semaphore(%run_scoped3A_372 : memref<!tpu.dma_semaphore, #tpu.memory_space<semaphore_mem>>)
        %dma_wait3A_387 = arith.constant 0 : i32
        %dma_wait3A_388 = arith.constant 0 : i32
        %dma_wait3A_389 = tpu.memref_slice %arg11[%run_scoped3A, %dma_wait3A_387, %dma_wait3A_388] : memref<2x64x128xf32, #tpu.memory_space<vmem>> -> memref<1x16x128xf32, #tpu.memory_space<vmem>>
        %dma_wait3A_390 = tpu.memref_squeeze %dma_wait3A_389 : memref<1x16x128xf32, #tpu.memory_space<vmem>> -> memref<16x128xf32, #tpu.memory_space<vmem>>
        %dma_wait3A_391 = arith.constant 9984 : i32
        %dma_wait3A_392 = arith.constant 0 : i32
        %dma_wait3A_393 = tpu.memref_slice %arg12[%dma_wait3A_391, %dma_wait3A_392] : memref<10008x128xf32, #tpu.memory_space<vmem_shared>> -> memref<16x128xf32, #tpu.memory_space<vmem_shared>>
        %dma_wait3A_394 = arith.constant 0 : i32
        %dma_wait3A_395 = arith.constant 0 : i32
        %dma_wait3A_396 = tpu.memref_slice %arg11[%run_scoped3A, %dma_wait3A_394, %dma_wait3A_395] : memref<2x64x128xf32, #tpu.memory_space<vmem>> -> memref<1x16x128xf32, #tpu.memory_space<vmem>>
        %dma_wait3A_397 = tpu.memref_squeeze %dma_wait3A_396 : memref<1x16x128xf32, #tpu.memory_space<vmem>> -> memref<16x128xf32, #tpu.memory_space<vmem>>
        %dma_wait3A_398 = arith.constant 9984 : i32
        %dma_wait3A_399 = arith.constant 0 : i32
        %dma_wait3A_400 = tpu.memref_slice %arg12[%dma_wait3A_398, %dma_wait3A_399] : memref<10008x128xf32, #tpu.memory_space<vmem_shared>> -> memref<16x128xf32, #tpu.memory_space<vmem_shared>>
        tpu.wait_dma2 semaphore(%run_scoped3A_372 : memref<!tpu.dma_semaphore, #tpu.memory_space<semaphore_mem>>) src(%dma_wait3A_400 : memref<16x128xf32, #tpu.memory_space<vmem_shared>>) dst(%dma_wait3A_397 : memref<16x128xf32, #tpu.memory_space<vmem>>)
        tpu.yield
      }) : () -> ()
      %run_scoped3A_371 = arith.constant 0 : i32
      "tpu.region"() ({
        %run_scoped3A_372 = tpu.sem_alloc : memref<!tpu.dma_semaphore, #tpu.memory_space<semaphore_mem>>
        %dma_start3A_373 = arith.constant 0 : i32
        %dma_start3A_374 = arith.constant 0 : i32
        %dma_start3A_375 = tpu.memref_slice %arg11[%run_scoped3A_371, %dma_start3A_373, %dma_start3A_374] : memref<2x64x128xf32, #tpu.memory_space<vmem>> -> memref<1x16x128xf32, #tpu.memory_space<vmem>>
        %dma_start3A_376 = tpu.memref_squeeze %dma_start3A_375 : memref<1x16x128xf32, #tpu.memory_space<vmem>> -> memref<16x128xf32, #tpu.memory_space<vmem>>
        %dma_start3A_377 = arith.constant 9984 : i32
        %dma_start3A_378 = arith.constant 0 : i32
        %dma_start3A_379 = tpu.memref_slice %arg6[%arg0, %dma_start3A_377, %dma_start3A_378] : memref<2x10000x128xf32, #tpu.memory_space<hbm>> -> memref<1x16x128xf32, #tpu.memory_space<hbm>>
        %dma_start3A_380 = tpu.memref_squeeze %dma_start3A_379 : memref<1x16x128xf32, #tpu.memory_space<hbm>> -> memref<16x128xf32, #tpu.memory_space<hbm>>
        %dma_start3A_381 = arith.constant 9984 : i32
        %dma_start3A_382 = arith.constant 0 : i32
        %dma_start3A_383 = tpu.memref_slice %arg6[%arg0, %dma_start3A_381, %dma_start3A_382] : memref<2x10000x128xf32, #tpu.memory_space<hbm>> -> memref<1x16x128xf32, #tpu.memory_space<hbm>>
        %dma_start3A_384 = tpu.memref_squeeze %dma_start3A_383 : memref<1x16x128xf32, #tpu.memory_space<hbm>> -> memref<16x128xf32, #tpu.memory_space<hbm>>
        %dma_start3A_385 = arith.constant 0 : i32
        %dma_start3A_386 = arith.constant 0 : i32
        %dma_start3A_387 = tpu.memref_slice %arg11[%run_scoped3A_371, %dma_start3A_385, %dma_start3A_386] : memref<2x64x128xf32, #tpu.memory_space<vmem>> -> memref<1x16x128xf32, #tpu.memory_space<vmem>>
        %dma_start3A_388 = tpu.memref_squeeze %dma_start3A_387 : memref<1x16x128xf32, #tpu.memory_space<vmem>> -> memref<16x128xf32, #tpu.memory_space<vmem>>
        tpu.enqueue_dma source(%dma_start3A_388 : memref<16x128xf32, #tpu.memory_space<vmem>>) target(%dma_start3A_384 : memref<16x128xf32, #tpu.memory_space<hbm>>) target_semaphore(%run_scoped3A_372 : memref<!tpu.dma_semaphore, #tpu.memory_space<semaphore_mem>>)
        %dma_wait3A_389 = arith.constant 0 : i32
        %dma_wait3A_390 = arith.constant 0 : i32
        %dma_wait3A_391 = tpu.memref_slice %arg11[%run_scoped3A_371, %dma_wait3A_389, %dma_wait3A_390] : memref<2x64x128xf32, #tpu.memory_space<vmem>> -> memref<1x16x128xf32, #tpu.memory_space<vmem>>
        %dma_wait3A_392 = tpu.memref_squeeze %dma_wait3A_391 : memref<1x16x128xf32, #tpu.memory_space<vmem>> -> memref<16x128xf32, #tpu.memory_space<vmem>>
        %dma_wait3A_393 = arith.constant 9984 : i32
        %dma_wait3A_394 = arith.constant 0 : i32
        %dma_wait3A_395 = tpu.memref_slice %arg6[%arg0, %dma_wait3A_393, %dma_wait3A_394] : memref<2x10000x128xf32, #tpu.memory_space<hbm>> -> memref<1x16x128xf32, #tpu.memory_space<hbm>>
        %dma_wait3A_396 = tpu.memref_squeeze %dma_wait3A_395 : memref<1x16x128xf32, #tpu.memory_space<hbm>> -> memref<16x128xf32, #tpu.memory_space<hbm>>
        %dma_wait3A_397 = arith.constant 9984 : i32
        %dma_wait3A_398 = arith.constant 0 : i32
        %dma_wait3A_399 = tpu.memref_slice %arg6[%arg0, %dma_wait3A_397, %dma_wait3A_398] : memref<2x10000x128xf32, #tpu.memory_space<hbm>> -> memref<1x16x128xf32, #tpu.memory_space<hbm>>
        %dma_wait3A_400 = tpu.memref_squeeze %dma_wait3A_399 : memref<1x16x128xf32, #tpu.memory_space<hbm>> -> memref<16x128xf32, #tpu.memory_space<hbm>>
        %dma_wait3A_401 = arith.constant 0 : i32
        %dma_wait3A_402 = arith.constant 0 : i32
        %dma_wait3A_403 = tpu.memref_slice %arg11[%run_scoped3A_371, %dma_wait3A_401, %dma_wait3A_402] : memref<2x64x128xf32, #tpu.memory_space<vmem>> -> memref<1x16x128xf32, #tpu.memory_space<vmem>>
        %dma_wait3A_404 = tpu.memref_squeeze %dma_wait3A_403 : memref<1x16x128xf32, #tpu.memory_space<vmem>> -> memref<16x128xf32, #tpu.memory_space<vmem>>
        tpu.wait_dma2 semaphore(%run_scoped3A_372 : memref<!tpu.dma_semaphore, #tpu.memory_space<semaphore_mem>>) src(%dma_wait3A_404 : memref<16x128xf32, #tpu.memory_space<vmem>>) dst(%dma_wait3A_400 : memref<16x128xf32, #tpu.memory_space<hbm>>)
        tpu.yield
      }) : () -> ()
    } else {
    }
    return
  }
}

module attributes {stable_mosaic.version = 14 : i64} {
  func.func @_edge_linear_body(%arg0: i32, %arg1: memref<2048x10xf32, #tpu.memory_space<vmem>>, %arg2: memref<10x128xf32, #tpu.memory_space<vmem>>, %arg3: memref<1x128xf32, #tpu.memory_space<vmem>>, %arg4: memref<2048x128xf32, #tpu.memory_space<vmem>>) attributes {dimension_semantics = [#tpu.dimension_semantics<arbitrary>], iteration_bounds = array<i64: 157>, scalar_prefetch = 0 : i64, scratch_operands = 0 : i64, tpu.core_type = #tpu.core_type<tc>, window_params = [{transform_indices = @transform_0, window_bounds = array<i64: 2048, 10>}, {pipeline_mode = #tpu.pipeline_mode<synchronous>, transform_indices = @transform_1, window_bounds = array<i64: 10, 128>}, {pipeline_mode = #tpu.pipeline_mode<synchronous>, transform_indices = @transform_2, window_bounds = array<i64: 1, 128>}, {transform_indices = @transform_3, window_bounds = array<i64: 2048, 128>}]} {
    %get3A = arith.constant 0 : index
    %get3A_0 = arith.constant 0 : index
    %get3A_1 = vector.load %arg1[%get3A, %get3A_0] : memref<2048x10xf32, #tpu.memory_space<vmem>>, vector<2048x10xf32>
    %get3A_2 = arith.constant 0 : index
    %get3A_3 = arith.constant 0 : index
    %get3A_4 = vector.load %arg2[%get3A_2, %get3A_3] : memref<10x128xf32, #tpu.memory_space<vmem>>, vector<10x128xf32>
    %dot_general3A = arith.constant dense<0.000000e+00> : vector<2048x128xf32>
    %dot_general3A_5 = tpu.matmul %get3A_1, %get3A_4, %dot_general3A {dimension_numbers = #tpu.dot_dimension_numbers<[1], [0], [0], [1], [0, 0, 1, 1], [], []>, transpose_lhs_hint = false} : vector<2048x10xf32>, vector<10x128xf32>, vector<2048x128xf32> -> vector<2048x128xf32>
    %get3A_6 = arith.constant 0 : index
    %get3A_7 = arith.constant 0 : index
    %get3A_8 = vector.load %arg3[%get3A_6, %get3A_7] : memref<1x128xf32, #tpu.memory_space<vmem>>, vector<1x128xf32>
    %add3A = vector.broadcast %get3A_8 : vector<1x128xf32> to vector<2048x128xf32>
    %add3A_9 = arith.addf %dot_general3A_5, %add3A : vector<2048x128xf32>
    %swap3A = arith.constant 0 : index
    %swap3A_10 = arith.constant 0 : index
    %swap3A_11 = vector.load %arg4[%swap3A, %swap3A_10] : memref<2048x128xf32, #tpu.memory_space<vmem>>, vector<2048x128xf32>
    tpu.vector_store %arg4[%swap3A, %swap3A_10], %add3A_9 {strides = array<i32>} : memref<2048x128xf32, #tpu.memory_space<vmem>>, vector<2048x128xf32>,
    return
  }
  func.func @transform_0(%arg0: i32) -> (i32, i32) {
    %c0_i32 = arith.constant 0 : i32
    %c0_i32_0 = arith.constant 0 : i32
    return %arg0, %c0_i32 : i32, i32
  }
  func.func @transform_1(%arg0: i32) -> (i32, i32) {
    %c0_i32 = arith.constant 0 : i32
    %c0_i32_0 = arith.constant 0 : i32
    %c0_i32_1 = arith.constant 0 : i32
    return %c0_i32, %c0_i32_0 : i32, i32
  }
  func.func @transform_2(%arg0: i32) -> (i32, i32) {
    %c0_i32 = arith.constant 0 : i32
    %c0_i32_0 = arith.constant 0 : i32
    %c0_i32_1 = arith.constant 0 : i32
    return %c0_i32, %c0_i32_0 : i32, i32
  }
  func.func @transform_3(%arg0: i32) -> (i32, i32) {
    %c0_i32 = arith.constant 0 : i32
    %c0_i32_0 = arith.constant 0 : i32
    return %arg0, %c0_i32 : i32, i32
  }
}

module attributes {stable_mosaic.version = 14 : i64} {
  func.func @_mlp_stats_body(%arg0: i32, %arg1: memref<2000x128xf32, #tpu.memory_space<vmem>>, %arg2: memref<2000x128xf32, #tpu.memory_space<vmem>>, %arg3: memref<2000x128xf32, #tpu.memory_space<vmem>>, %arg4: memref<128x128xf32, #tpu.memory_space<vmem>>, %arg5: memref<1x128xf32, #tpu.memory_space<vmem>>, %arg6: memref<128x128xf32, #tpu.memory_space<vmem>>, %arg7: memref<1x128xf32, #tpu.memory_space<vmem>>, %arg8: memref<2000x128xf32, #tpu.memory_space<vmem>>, %arg9: memref<1x128xf32, #tpu.memory_space<vmem>>, %arg10: memref<1x128xf32, #tpu.memory_space<vmem>>) attributes {dimension_semantics = [#tpu.dimension_semantics<arbitrary>], iteration_bounds = array<i64: 5>, scalar_prefetch = 0 : i64, scratch_operands = 0 : i64, tpu.core_type = #tpu.core_type<tc>, window_params = [{transform_indices = @transform_0, window_bounds = array<i64: 2000, 128>}, {transform_indices = @transform_1, window_bounds = array<i64: 2000, 128>}, {transform_indices = @transform_2, window_bounds = array<i64: 2000, 128>}, {pipeline_mode = #tpu.pipeline_mode<synchronous>, transform_indices = @transform_3, window_bounds = array<i64: 128, 128>}, {pipeline_mode = #tpu.pipeline_mode<synchronous>, transform_indices = @transform_4, window_bounds = array<i64: 1, 128>}, {pipeline_mode = #tpu.pipeline_mode<synchronous>, transform_indices = @transform_5, window_bounds = array<i64: 128, 128>}, {pipeline_mode = #tpu.pipeline_mode<synchronous>, transform_indices = @transform_6, window_bounds = array<i64: 1, 128>}, {transform_indices = @transform_7, window_bounds = array<i64: 2000, 128>}, {pipeline_mode = #tpu.pipeline_mode<synchronous>, transform_indices = @transform_8, window_bounds = array<i64: 1, 128>}, {pipeline_mode = #tpu.pipeline_mode<synchronous>, transform_indices = @transform_9, window_bounds = array<i64: 1, 128>}]} {
    %get3A = arith.constant 0 : index
    %get3A_0 = arith.constant 0 : index
    %get3A_1 = vector.load %arg1[%get3A, %get3A_0] : memref<2000x128xf32, #tpu.memory_space<vmem>>, vector<2000x128xf32>
    %get3A_2 = arith.constant 0 : index
    %get3A_3 = arith.constant 0 : index
    %get3A_4 = vector.load %arg2[%get3A_2, %get3A_3] : memref<2000x128xf32, #tpu.memory_space<vmem>>, vector<2000x128xf32>
    %add3A = arith.addf %get3A_1, %get3A_4 : vector<2000x128xf32>
    %get3A_5 = arith.constant 0 : index
    %get3A_6 = arith.constant 0 : index
    %get3A_7 = vector.load %arg3[%get3A_5, %get3A_6] : memref<2000x128xf32, #tpu.memory_space<vmem>>, vector<2000x128xf32>
    %add3A_8 = arith.addf %add3A, %get3A_7 : vector<2000x128xf32>
    %get3A_9 = arith.constant 0 : index
    %get3A_10 = arith.constant 0 : index
    %get3A_11 = vector.load %arg4[%get3A_9, %get3A_10] : memref<128x128xf32, #tpu.memory_space<vmem>>, vector<128x128xf32>
    %dot_general3A = arith.constant dense<0.000000e+00> : vector<2000x128xf32>
    %dot_general3A_12 = tpu.matmul %add3A_8, %get3A_11, %dot_general3A {dimension_numbers = #tpu.dot_dimension_numbers<[1], [0], [0], [1], [0, 0, 1, 1], [], []>, transpose_lhs_hint = false} : vector<2000x128xf32>, vector<128x128xf32>, vector<2000x128xf32> -> vector<2000x128xf32>
    %get3A_13 = arith.constant 0 : index
    %get3A_14 = arith.constant 0 : index
    %get3A_15 = vector.load %arg5[%get3A_13, %get3A_14] : memref<1x128xf32, #tpu.memory_space<vmem>>, vector<1x128xf32>
    %add3A_16 = vector.broadcast %get3A_15 : vector<1x128xf32> to vector<2000x128xf32>
    %add3A_17 = arith.addf %dot_general3A_12, %add3A_16 : vector<2000x128xf32>
    %max3A = arith.constant 0.000000e+00 : f32
    %max3A_18 = vector.broadcast %max3A : f32 to vector<2000x128xf32>
    %max3A_19 = arith.maximumf %add3A_17, %max3A_18 : vector<2000x128xf32>
    %get3A_20 = arith.constant 0 : index
    %get3A_21 = arith.constant 0 : index
    %get3A_22 = vector.load %arg6[%get3A_20, %get3A_21] : memref<128x128xf32, #tpu.memory_space<vmem>>, vector<128x128xf32>
    %dot_general3A_23 = arith.constant dense<0.000000e+00> : vector<2000x128xf32>
    %dot_general3A_24 = tpu.matmul %max3A_19, %get3A_22, %dot_general3A_23 {dimension_numbers = #tpu.dot_dimension_numbers<[1], [0], [0], [1], [0, 0, 1, 1], [], []>, transpose_lhs_hint = false} : vector<2000x128xf32>, vector<128x128xf32>, vector<2000x128xf32> -> vector<2000x128xf32>
    %get3A_25 = arith.constant 0 : index
    %get3A_26 = arith.constant 0 : index
    %get3A_27 = vector.load %arg7[%get3A_25, %get3A_26] : memref<1x128xf32, #tpu.memory_space<vmem>>, vector<1x128xf32>
    %add3A_28 = vector.broadcast %get3A_27 : vector<1x128xf32> to vector<2000x128xf32>
    %add3A_29 = arith.addf %dot_general3A_24, %add3A_28 : vector<2000x128xf32>
    %max3A_30 = arith.constant 0.000000e+00 : f32
    %max3A_31 = vector.broadcast %max3A_30 : f32 to vector<2000x128xf32>
    %max3A_32 = arith.maximumf %add3A_29, %max3A_31 : vector<2000x128xf32>
    %swap3A = arith.constant 0 : index
    %swap3A_33 = arith.constant 0 : index
    %swap3A_34 = vector.load %arg8[%swap3A, %swap3A_33] : memref<2000x128xf32, #tpu.memory_space<vmem>>, vector<2000x128xf32>
    tpu.vector_store %arg8[%swap3A, %swap3A_33], %max3A_32 {strides = array<i32>} : memref<2000x128xf32, #tpu.memory_space<vmem>>, vector<2000x128xf32>,
    %reduce_sum3A = arith.constant dense<0.000000e+00> : vector<128xf32>
    %reduce_sum3A_35 = vector.multi_reduction <add>, %max3A_32, %reduce_sum3A [0] : vector<2000x128xf32> to vector<128xf32>
    %broadcast_in_dim3A = vector.shape_cast %reduce_sum3A_35 : vector<128xf32> to vector<1x128xf32>
    %mul3A = arith.mulf %max3A_32, %max3A_32 : vector<2000x128xf32>
    %reduce_sum3A_36 = arith.constant dense<0.000000e+00> : vector<128xf32>
    %reduce_sum3A_37 = vector.multi_reduction <add>, %mul3A, %reduce_sum3A_36 [0] : vector<2000x128xf32> to vector<128xf32>
    %broadcast_in_dim3A_38 = vector.shape_cast %reduce_sum3A_37 : vector<128xf32> to vector<1x128xf32>
    %eq3A = arith.constant 0 : i32
    %eq3A_39 = arith.cmpi eq, %arg0, %eq3A : i32
    %convert_element_type3A = arith.extui %eq3A_39 : i1 to i32
    %cond3A = arith.constant 0 : i32
    %cond3A_40 = arith.cmpi ne, %convert_element_type3A, %cond3A : i32
    scf.if %cond3A_40 {
      %swap3A_45 = arith.constant 0 : index
      %swap3A_46 = arith.constant 0 : index
      %swap3A_47 = vector.load %arg9[%swap3A_45, %swap3A_46] : memref<1x128xf32, #tpu.memory_space<vmem>>, vector<1x128xf32>
      tpu.vector_store %arg9[%swap3A_45, %swap3A_46], %broadcast_in_dim3A {strides = array<i32>} : memref<1x128xf32, #tpu.memory_space<vmem>>, vector<1x128xf32>,
      %swap3A_48 = arith.constant 0 : index
      %swap3A_49 = arith.constant 0 : index
      %swap3A_50 = vector.load %arg10[%swap3A_48, %swap3A_49] : memref<1x128xf32, #tpu.memory_space<vmem>>, vector<1x128xf32>
      tpu.vector_store %arg10[%swap3A_48, %swap3A_49], %broadcast_in_dim3A_38 {strides = array<i32>} : memref<1x128xf32, #tpu.memory_space<vmem>>, vector<1x128xf32>,
    } else {
    }
    %ne3A = arith.constant 0 : i32
    %ne3A_41 = arith.cmpi ne, %arg0, %ne3A : i32
    %convert_element_type3A_42 = arith.extui %ne3A_41 : i1 to i32
    %cond3A_43 = arith.constant 0 : i32
    %cond3A_44 = arith.cmpi ne, %convert_element_type3A_42, %cond3A_43 : i32
    scf.if %cond3A_44 {
      %get3A_45 = arith.constant 0 : index
      %get3A_46 = arith.constant 0 : index
      %get3A_47 = vector.load %arg9[%get3A_45, %get3A_46] : memref<1x128xf32, #tpu.memory_space<vmem>>, vector<1x128xf32>
      %add3A_48 = arith.addf %get3A_47, %broadcast_in_dim3A : vector<1x128xf32>
      %swap3A_49 = arith.constant 0 : index
      %swap3A_50 = arith.constant 0 : index
      %swap3A_51 = vector.load %arg9[%swap3A_49, %swap3A_50] : memref<1x128xf32, #tpu.memory_space<vmem>>, vector<1x128xf32>
      tpu.vector_store %arg9[%swap3A_49, %swap3A_50], %add3A_48 {strides = array<i32>} : memref<1x128xf32, #tpu.memory_space<vmem>>, vector<1x128xf32>,
      %get3A_52 = arith.constant 0 : index
      %get3A_53 = arith.constant 0 : index
      %get3A_54 = vector.load %arg10[%get3A_52, %get3A_53] : memref<1x128xf32, #tpu.memory_space<vmem>>, vector<1x128xf32>
      %add3A_55 = arith.addf %get3A_54, %broadcast_in_dim3A_38 : vector<1x128xf32>
      %swap3A_56 = arith.constant 0 : index
      %swap3A_57 = arith.constant 0 : index
      %swap3A_58 = vector.load %arg10[%swap3A_56, %swap3A_57] : memref<1x128xf32, #tpu.memory_space<vmem>>, vector<1x128xf32>
      tpu.vector_store %arg10[%swap3A_56, %swap3A_57], %add3A_55 {strides = array<i32>} : memref<1x128xf32, #tpu.memory_space<vmem>>, vector<1x128xf32>,
    } else {
    }
    return
  }
  func.func @transform_0(%arg0: i32) -> (i32, i32) {
    %c0_i32 = arith.constant 0 : i32
    %c0_i32_0 = arith.constant 0 : i32
    return %arg0, %c0_i32 : i32, i32
  }
  func.func @transform_1(%arg0: i32) -> (i32, i32) {
    %c0_i32 = arith.constant 0 : i32
    %c0_i32_0 = arith.constant 0 : i32
    return %arg0, %c0_i32 : i32, i32
  }
  func.func @transform_2(%arg0: i32) -> (i32, i32) {
    %c0_i32 = arith.constant 0 : i32
    %c0_i32_0 = arith.constant 0 : i32
    return %arg0, %c0_i32 : i32, i32
  }
  func.func @transform_3(%arg0: i32) -> (i32, i32) {
    %c0_i32 = arith.constant 0 : i32
    %c0_i32_0 = arith.constant 0 : i32
    %c0_i32_1 = arith.constant 0 : i32
    return %c0_i32, %c0_i32_0 : i32, i32
  }
  func.func @transform_4(%arg0: i32) -> (i32, i32) {
    %c0_i32 = arith.constant 0 : i32
    %c0_i32_0 = arith.constant 0 : i32
    %c0_i32_1 = arith.constant 0 : i32
    return %c0_i32, %c0_i32_0 : i32, i32
  }
  func.func @transform_5(%arg0: i32) -> (i32, i32) {
    %c0_i32 = arith.constant 0 : i32
    %c0_i32_0 = arith.constant 0 : i32
    %c0_i32_1 = arith.constant 0 : i32
    return %c0_i32, %c0_i32_0 : i32, i32
  }
  func.func @transform_6(%arg0: i32) -> (i32, i32) {
    %c0_i32 = arith.constant 0 : i32
    %c0_i32_0 = arith.constant 0 : i32
    %c0_i32_1 = arith.constant 0 : i32
    return %c0_i32, %c0_i32_0 : i32, i32
  }
  func.func @transform_7(%arg0: i32) -> (i32, i32) {
    %c0_i32 = arith.constant 0 : i32
    %c0_i32_0 = arith.constant 0 : i32
    return %arg0, %c0_i32 : i32, i32
  }
  func.func @transform_8(%arg0: i32) -> (i32, i32) {
    %c0_i32 = arith.constant 0 : i32
    %c0_i32_0 = arith.constant 0 : i32
    %c0_i32_1 = arith.constant 0 : i32
    return %c0_i32, %c0_i32_0 : i32, i32
  }
  func.func @transform_9(%arg0: i32) -> (i32, i32) {
    %c0_i32 = arith.constant 0 : i32
    %c0_i32_0 = arith.constant 0 : i32
    %c0_i32_1 = arith.constant 0 : i32
    return %c0_i32, %c0_i32_0 : i32, i32
  }
}

module attributes {stable_mosaic.version = 14 : i64} {
  func.func @_bn_body(%arg0: i32, %arg1: memref<2000x128xf32, #tpu.memory_space<vmem>>, %arg2: memref<1x128xf32, #tpu.memory_space<vmem>>, %arg3: memref<1x128xf32, #tpu.memory_space<vmem>>, %arg4: memref<1x128xf32, #tpu.memory_space<vmem>>, %arg5: memref<1x128xf32, #tpu.memory_space<vmem>>, %arg6: memref<2000x128xf32, #tpu.memory_space<vmem>>) attributes {dimension_semantics = [#tpu.dimension_semantics<arbitrary>], iteration_bounds = array<i64: 5>, scalar_prefetch = 0 : i64, scratch_operands = 0 : i64, tpu.core_type = #tpu.core_type<tc>, window_params = [{transform_indices = @transform_0, window_bounds = array<i64: 2000, 128>}, {pipeline_mode = #tpu.pipeline_mode<synchronous>, transform_indices = @transform_1, window_bounds = array<i64: 1, 128>}, {pipeline_mode = #tpu.pipeline_mode<synchronous>, transform_indices = @transform_2, window_bounds = array<i64: 1, 128>}, {pipeline_mode = #tpu.pipeline_mode<synchronous>, transform_indices = @transform_3, window_bounds = array<i64: 1, 128>}, {pipeline_mode = #tpu.pipeline_mode<synchronous>, transform_indices = @transform_4, window_bounds = array<i64: 1, 128>}, {transform_indices = @transform_5, window_bounds = array<i64: 2000, 128>}]} {
    %get3A = arith.constant 0 : index
    %get3A_0 = arith.constant 0 : index
    %get3A_1 = vector.load %arg2[%get3A, %get3A_0] : memref<1x128xf32, #tpu.memory_space<vmem>>, vector<1x128xf32>
    %div3A = arith.constant 1.000000e+04 : f32
    %div3A_2 = vector.broadcast %div3A : f32 to vector<1x128xf32>
    %div3A_3 = arith.divf %get3A_1, %div3A_2 : vector<1x128xf32>
    %get3A_4 = arith.constant 0 : index
    %get3A_5 = arith.constant 0 : index
    %get3A_6 = vector.load %arg3[%get3A_4, %get3A_5] : memref<1x128xf32, #tpu.memory_space<vmem>>, vector<1x128xf32>
    %div3A_7 = arith.constant 1.000000e+04 : f32
    %div3A_8 = vector.broadcast %div3A_7 : f32 to vector<1x128xf32>
    %div3A_9 = arith.divf %get3A_6, %div3A_8 : vector<1x128xf32>
    %mul3A = arith.mulf %div3A_3, %div3A_3 : vector<1x128xf32>
    %sub3A = arith.subf %div3A_9, %mul3A : vector<1x128xf32>
    %add3A = arith.constant 9.99999974E-6 : f32
    %add3A_10 = vector.broadcast %add3A : f32 to vector<1x128xf32>
    %add3A_11 = arith.addf %sub3A, %add3A_10 : vector<1x128xf32>
    %rsqrt3A = math.rsqrt %add3A_11 : vector<1x128xf32>
    %get3A_12 = arith.constant 0 : index
    %get3A_13 = arith.constant 0 : index
    %get3A_14 = vector.load %arg1[%get3A_12, %get3A_13] : memref<2000x128xf32, #tpu.memory_space<vmem>>, vector<2000x128xf32>
    %sub3A_15 = vector.broadcast %div3A_3 : vector<1x128xf32> to vector<2000x128xf32>
    %sub3A_16 = arith.subf %get3A_14, %sub3A_15 : vector<2000x128xf32>
    %get3A_17 = arith.constant 0 : index
    %get3A_18 = arith.constant 0 : index
    %get3A_19 = vector.load %arg4[%get3A_17, %get3A_18] : memref<1x128xf32, #tpu.memory_space<vmem>>, vector<1x128xf32>
    %mul3A_20 = arith.mulf %rsqrt3A, %get3A_19 : vector<1x128xf32>
    %mul3A_21 = vector.broadcast %mul3A_20 : vector<1x128xf32> to vector<2000x128xf32>
    %mul3A_22 = arith.mulf %sub3A_16, %mul3A_21 : vector<2000x128xf32>
    %get3A_23 = arith.constant 0 : index
    %get3A_24 = arith.constant 0 : index
    %get3A_25 = vector.load %arg5[%get3A_23, %get3A_24] : memref<1x128xf32, #tpu.memory_space<vmem>>, vector<1x128xf32>
    %add3A_26 = vector.broadcast %get3A_25 : vector<1x128xf32> to vector<2000x128xf32>
    %add3A_27 = arith.addf %mul3A_22, %add3A_26 : vector<2000x128xf32>
    %swap3A = arith.constant 0 : index
    %swap3A_28 = arith.constant 0 : index
    %swap3A_29 = vector.load %arg6[%swap3A, %swap3A_28] : memref<2000x128xf32, #tpu.memory_space<vmem>>, vector<2000x128xf32>
    tpu.vector_store %arg6[%swap3A, %swap3A_28], %add3A_27 {strides = array<i32>} : memref<2000x128xf32, #tpu.memory_space<vmem>>, vector<2000x128xf32>,
    return
  }
  func.func @transform_0(%arg0: i32) -> (i32, i32) {
    %c0_i32 = arith.constant 0 : i32
    %c0_i32_0 = arith.constant 0 : i32
    return %arg0, %c0_i32 : i32, i32
  }
  func.func @transform_1(%arg0: i32) -> (i32, i32) {
    %c0_i32 = arith.constant 0 : i32
    %c0_i32_0 = arith.constant 0 : i32
    %c0_i32_1 = arith.constant 0 : i32
    return %c0_i32, %c0_i32_0 : i32, i32
  }
  func.func @transform_2(%arg0: i32) -> (i32, i32) {
    %c0_i32 = arith.constant 0 : i32
    %c0_i32_0 = arith.constant 0 : i32
    %c0_i32_1 = arith.constant 0 : i32
    return %c0_i32, %c0_i32_0 : i32, i32
  }
  func.func @transform_3(%arg0: i32) -> (i32, i32) {
    %c0_i32 = arith.constant 0 : i32
    %c0_i32_0 = arith.constant 0 : i32
    %c0_i32_1 = arith.constant 0 : i32
    return %c0_i32, %c0_i32_0 : i32, i32
  }
  func.func @transform_4(%arg0: i32) -> (i32, i32) {
    %c0_i32 = arith.constant 0 : i32
    %c0_i32_0 = arith.constant 0 : i32
    %c0_i32_1 = arith.constant 0 : i32
    return %c0_i32, %c0_i32_0 : i32, i32
  }
  func.func @transform_5(%arg0: i32) -> (i32, i32) {
    %c0_i32 = arith.constant 0 : i32
    %c0_i32_0 = arith.constant 0 : i32
    return %arg0, %c0_i32 : i32, i32
  }
}

</mosaic_0001>

<sc_bundles>
// kernel: kernel.6.cloned.1.call-start
scs
__scs_entry_jumppad:
0x0: {  	(pc) =	sbr.rel $0x88, $3  }
0x1: {  	(tag) =	ssettag $0x0;
	lr =	simm.s32 $0x1  }
0x2: {  	[smem:$0x3F96] =	sst lr;
	_ =	strace $0xD0000000  }
0x3: {  	_ = 	snop  }
0x4: {  	_ = 	snop  }
0x5: {  	_ = 	snop  }
0x6: {  	_ = 	snop  }
0x7: {  	_ = 	snop  }
__scs_overlays_trampoline_lowered:
0x8: {  	[smem:$0x3FA5] =	sst s0  }
0x9: {  	[smem:$0x3FA6] =	sst s1  }
0xa: {  	[smem:$0x3FA7] =	sst s2  }
0xb: {  	[smem:$0x3FA8] =	sst s3  }
0xc: {  	[smem:$0x3FA9] =	sst s4  }
0xd: {  	[smem:$0x3FAA] =	sst s5  }
0xe: {  	[smem:$0x3FAB] =	sst s6  }
0xf: {  	[smem:$0x3FAC] =	sst s7  }
0x10: {  	[smem:$0x3FAD] =	sst s8  }
0x11: {  	[smem:$0x3FAE] =	sst s9;
	s0 =	simm.s32 @!p0 $0x0  }
0x12: {  	s1 =	sld [smem:$0x3F94];
	s0 =	simm.s32 @p0 $0x1  }
0x13: {  	[smem:$0x3FAF] =	sst s0;
	s0 =	simm.s32 @!p1 $0x0  }
0x14: {  	s2 =	sld [smem:$0x3F93];
	s0 =	simm.s32 @p1 $0x1  }
0x15: {  	[smem:$0x3FB0] =	sst s0;
	s0 =	simm.s32 @!p2 $0x0  }
0x16: {  	s3 =	sld [smem:$0x3FDB];
	s0 =	simm.s32 @p2 $0x1  }
0x17: {  	s4 =	simm.s32 $0x1BF5;
	[smem:$0x3FB2] =	sst s0  }
0x18: {  	s0 =	sld [smem:$0x3F95];
	_ =	swait.ge [sflag:s4], $0x0  }
0x19: {  	s7 =	sld [smem:$0x3F96]  }
0x1a: {  	s8 =	sadd.s32 $0xFFFFE003, lr  }
0x1b: {  	s9 =	sadd.s32 $0xFFFFFEF7, lr;
	s5 =	simm.s32 $0xFFFFFFFF;
	p2 =	slt.u32 s8, $0xFFFFF086  }
0x1c: {  	p1 =	slt.u32 s9, $0xF7A;
	s5 =	simm.s32 @!p2 $0x0  }
0x1d: {  	s5 =	simm.s32 @p1 $0x1;
	p0 =	seq.s32 s7, s2  }
0x1e: {  	s7 =	smul.u32 @!p0 $0xF7A, s2;
	p2 =	seq.s32 @!p0 s5, $0x0  }
0x1f: {  	s9 =	smul.u32 $0xF7A, s1;
	s8 =	simm.s32 @!p0 $0x1BF5;
	p2 =	por !p2, p0  }
0x20: {  	[sflag:s8] =	ssyncset.s32 @!p0 $0xFFFFF086;
	s6 =	sadd.s32 @!p0 s3, s7;
	s7 =	simm.s32 @!p0 $0x108  }
0x21: {  	s3 =	sadd.s32 s3, s9;
	s6 =	sadd.s32 @!p0 $0x88, s6;
	s7 =	simm.s32 @p2 $0x1082  }
0x22: {  	[simem:s7], [sflag:s8] =	dma.local @!p0 [hbm:s6], $0xF7A  }
0x23: {  	s9 =	sor.u32 $0xD0000000, s2;
	s6 =	simm.s32 $0x108;
	_ =	swait.ge @!p0 [sflag:s8], $0x0  }
0x24: {  	s3 =	sadd.s32 $0x88, s3;
	s6 =	simm.s32 @!p1 $0x1082;
	[sflag:s4] =	ssyncset.s32 $0xFFFFF086  }
0x25: {  	[simem:s6], [sflag:s4] =	dma.local [hbm:s3], $0xF7A  }
0x26: {  	[smem:$0x3F96] =	sst s1;
	(tag) =	ssettag s2;
	_ =	strace s9  }
0x27: {  	s1 =	sld [smem:$0x3FA6]  }
0x28: {  	s2 =	sld [smem:$0x3FA7]  }
0x29: {  	s4 =	sld [smem:$0x3FA9]  }
0x2a: {  	p0 =	seq.s32 s5, $0x0;
	s5 =	sld [smem:$0x3FAA]  }
0x2b: {  	s6 =	sld [smem:$0x3FAB]  }
0x2c: {  	s7 =	sld [smem:$0x3FAC]  }
0x2d: {  	s3 =	simm.s32 $0x108;
	s8 =	sld [smem:$0x3FAD]  }
0x2e: {  	s3 =	simm.s32 @!p0 $0x1082;
	s9 =	sld [smem:$0x3FAE]  }
0x2f: {  	lr =	sadd.s32 s0, s3;
	s0 =	sld [smem:$0x3FA5]  }
0x30: {  	s3 =	sld [smem:$0x3FA8]  }
0x31: {  	[smem:$0x3FB1] =	sst s10  }
0x32: {  	s10 =	sld [smem:$0x3FAF];
	_ =	sdelay $0x3  }
0x33: {  	p0 =	seq.s32 s10, $0x1;
	s10 =	sld [smem:$0x3FB1];
	_ =	sdelay $0x3  }
0x34: {  	[smem:$0x3FB1] =	sst s10  }
0x35: {  	s10 =	sld [smem:$0x3FB0];
	_ =	sdelay $0x3  }
0x36: {  	p1 =	seq.s32 s10, $0x1;
	s10 =	sld [smem:$0x3FB1];
	_ =	sdelay $0x3  }
0x37: {  	[smem:$0x3FB1] =	sst s10  }
0x38: {  	s10 =	sld [smem:$0x3FB2]  }
0x39: {  	_ = 	snop;
	(pc) =	sbr.ind lr, $3  }
0x3a: {  	_ = 	snop  }
0x3b: {  	_ = 	snop  }
0x3c: {  	p2 =	seq.s32 s10, $0x1;
	s10 =	sld [smem:$0x3FB1]  }
0x3d: {  	_ =	shalt  }
0x3e: {  	_ =	shalt  }
0x3f: {  	_ =	shalt  }
0x40: {  	_ =	shalt  }
0x41: {  	_ =	shalt  }
0x42: {  	_ =	shalt  }
0x43: {  	_ =	shalt  }
0x44: {  	_ =	shalt  }
0x45: {  	_ =	shalt  }
0x46: {  	_ =	shalt  }
0x47: {  	_ =	shalt  }
0x48: {  	_ =	shalt  }
0x49: {  	_ =	shalt  }
0x4a: {  	_ =	shalt  }
0x4b: {  	_ =	shalt  }
0x4c: {  	_ =	shalt  }
0x4d: {  	_ =	shalt  }
0x4e: {  	_ =	shalt  }
0x4f: {  	_ =	shalt  }
0x50: {  	_ =	shalt  }
0x51: {  	_ =	shalt  }
0x52: {  	_ =	shalt  }
0x53: {  	_ =	shalt  }
0x54: {  	_ =	shalt  }
0x55: {  	_ =	shalt  }
0x56: {  	_ =	shalt  }
0x57: {  	_ =	shalt  }
0x58: {  	_ =	shalt  }
0x59: {  	_ =	shalt  }
0x5a: {  	_ =	shalt  }
0x5b: {  	_ =	shalt  }
0x5c: {  	_ =	shalt  }
0x5d: {  	_ =	shalt  }
0x5e: {  	_ =	shalt  }
0x5f: {  	_ =	shalt  }
0x60: {  	_ =	shalt  }
0x61: {  	_ =	shalt  }
0x62: {  	_ =	shalt  }
0x63: {  	_ =	shalt  }
0x64: {  	_ =	shalt  }
0x65: {  	_ =	shalt  }
0x66: {  	_ =	shalt  }
0x67: {  	_ =	shalt  }
0x68: {  	_ =	shalt  }
0x69: {  	_ =	shalt  }
0x6a: {  	_ =	shalt  }
0x6b: {  	_ =	shalt  }
0x6c: {  	_ =	shalt  }
0x6d: {  	_ =	shalt  }
0x6e: {  	_ =	shalt  }
0x6f: {  	_ =	shalt  }
0x70: {  	_ =	shalt  }
0x71: {  	_ =	shalt  }
0x72: {  	_ =	shalt  }
0x73: {  	_ =	shalt  }
0x74: {  	_ =	shalt  }
0x75: {  	_ =	shalt  }
0x76: {  	_ =	shalt  }
0x77: {  	_ =	shalt  }
0x78: {  	_ =	shalt  }
0x79: {  	_ =	shalt  }
0x7a: {  	_ =	shalt  }
0x7b: {  	_ =	shalt  }
0x7c: {  	_ =	shalt  }
0x7d: {  	_ =	shalt  }
0x7e: {  	_ =	shalt  }
0x7f: {  	_ =	shalt  }
0x80: {  	_ =	shalt  }
0x81: {  	_ =	shalt  }
0x82: {  	_ =	shalt  }
0x83: {  	_ =	shalt  }
0x84: {  	_ =	shalt  }
0x85: {  	_ =	shalt  }
0x86: {  	_ =	shalt  }
0x87: {  	_ =	shalt  }
.Lfunc_end0:
.L_simem_size_0:
called_computation_lowered:
.L_overlay_start_0:
0x88: {  	s2 =	sld [smem:$0x3FD9]  }
0x89: {  	s3 =	sld [smem:$0x3FFE];
	_ =	sdelay $0x1  }
0x8a: {  	s1 =	srdreg.scid  }
0x8b: {  	s0 =	sand.u32 $0x1, s1  }
0x8c: {  	s17 =	sshll.u32 s0, $0xA;
	s2 =	sadd.s32 s3, s2  }
0x8d: {  	s2 =	sadd.s32 s2, s17  }
0x8e: {  	[smem:$0x3FBD] =	sst s2  }
0x8f: {  	_ = 	snop  }
0x90: {  	s2 =	sld [smem:$0x3FC9]  }
0x91: {  	s18 =	sld [smem:$0x3FD0];
	(tm) =	ssettm $0x1  }
0x92: {  	s4 =	sld [smem:$0x3FFB];
	_ =	sdelay $0x3  }
0x93: {  	_ =	strace s4  }
0x94: {  	s4 =	sld [smem:$0x3FFC];
	_ =	sdelay $0x3  }
0x95: {  	_ =	strace s4  }
0x96: {  	s4 =	sld [smem:$0x3FFD];
	_ =	sdelay $0x3  }
0x97: {  	_ =	strace s4  }
0x98: {  	_ =	strace $0x8FFFFFFF  }
0x99: {  	s19 =	sld [smem:$0x3FDB];
	_ =	sdelay $0x1  }
0x9a: {  	s5 =	simm.s32 $_scs_section_size  }
0x9b: {  	s6 =	simm.s32 $_size__tile_overlayer_lowered;
	s7 =	simm.s32 $_tile_overlayer_lowered  }
0x9c: {  	s22 =	simm.s32 $0x1BFF;
	s21 =	sshll.u32 s7, $0x1;
	s4 =	sadd.s32 s5, s19  }
0x9d: {  	s8 =	simm.s32 $0x0;
	s20 =	sshll.u32 s6, $0x1;
	s6 =	sadd.s32 s21, s4  }
0x9e: {  	[timem:s8], [sflag:s22] =	dma.local [hbm:s6], s20  }
0x9f: {  	_ =	swait.ge [sflag:s22], s20  }
0xa0: {  	s5 =	ssub.s32 $0x0, s20;
	[sflag:s22] =	ssyncset.done $0x0  }
0xa1: {  	[sflag:s22] =	ssyncadd.s32 s5;
	_ =	sdelay $0x1  }
0xa2: {  	s23 =	simm.s32 $0x1B8B  }
0xa3: {  	_ =	swait.ge [sflag:s23], $0x1  }
0xa4: {  	[sflag:s23] =	ssyncset.done $0x0  }
0xa5: {  	s25 =	simm.s32 $0x1B8E;
	s24 =	sld [smem:$0x3FFE];
	[sflag:s23] =	ssyncadd.s32 $0xFFFFFFFF  }
0xa6: {  	s26 =	simm.s32 $execute0_lowered;
	[smem:$0x3FD2] =	sst s25  }
0xa7: {  	s6 =	sshll.u32 s26, $0x1;
	_ =	strace $0x80000046;
	[dreg:$0x1] =	wrdreg $0xFFFFFFFF  }
0xa8: {  	s28 =	simm.s32 $_size_execute0_lowered;
	s4 =	sadd.s32 s4, s6;
	[dreg:$0x0] =	wrdreg $0x0  }
0xa9: {  	s6 =	sshll.u32 s28, $0x1;
	[dreg:$0x2] =	wrdreg s4  }
0xaa: {  	[dreg:$0x3] =	wrdreg s6  }
0xab: {  	[dreg:$0x4] =	wrdreg $0xC0  }
0xac: {  	_ =	task [dreg:s8], $0x5FFFF  }
0xad: {  	[dreg:$0x1] =	wrdreg $0xFFFFFFFF  }
0xae: {  	[dreg:$0x0] =	wrdreg $0x60  }
0xaf: {  	[dreg:$0x2] =	wrdreg s2  }
0xb0: {  	[dreg:$0x3] =	wrdreg s24  }
0xb1: {  	[dreg:$0x4] =	wrdreg s18  }
0xb2: {  	[dreg:$0x5] =	wrdreg $0x83000  }
0xb3: {  	[dreg:$0x6] =	wrdreg $0x9  }
0xb4: {  	_ =	task.clear_ibuf [dreg:s8], $0x7FFFF;
	_ =	strace $0x90000046  }
0xb5: {  	s29 =	simm.s32 $0x9;
	_ =	strace $0x80000048  }
0xb6: {  	_ =	swait.ge [sflag:s29], $0x1  }
0xb7: {  	[sflag:s29] =	ssyncadd.s32 $0xFFFFFFFF  }
0xb8: {  	_ =	strace $0x90000048  }
0xb9: {  	_ =	sfence  }
0xba: {  	s30 =	sld [smem:$0x0];
	_ =	sdelay $0x2  }
0xbb: {  	s31 =	sshll.u32 s1, $0xD;
	s1 =	sshrl.u32 s1, $0x2  }
0xbc: {  	s3 =	sand.u32 $0x4000, s31;
	s1 =	sadd.s32 s1, s30  }
0xbd: {  	s0 =	sor.u32 s3, s0;
	s1 =	sshll.u32 s1, $0x11  }
0xbe: {  	s0 =	sor.u32 s1, s0  }
0xbf: {  	s0 =	sadd.s32 $0x8F2B, s0  }
0xc0: {  	[sflag:s0] =	ssyncadd.remote.s32 $0x1  }
0xc1: {  	_ =	sfence.sel $0xFFFF  }
0xc2: {  	[dreg:$0x0] =	wrdreg $0xFFFFFFFF;
	(pc) =	sbr.abs _section_cstart, $3  }
0xc3: {  	[dreg:$0x1] =	wrdreg $0xFFFFFFFF  }
0xc4: {  	_ =	task.clear_ibuf [dreg:s8], $0x2FFFF;
	_ =	strace $0x9FFFFFFF  }
0xc5: {  	(tm) =	ssettm $0x7FFFFFFF  }
tec
execute0_lowered:
.L_overlay_start_1:
0x0: {  	(tag) =	ssettag $0x1  }
0x1: {  	s1 =	rddreg [dreg:$0x0]  }
0x2: {  	s0 =	rddreg [dreg:$0x1]  }
0x3: {  	s2 =	rddreg [dreg:$0x2]  }
0x4: {  	s3 =	rddreg [dreg:$0x3];
	s4 =	simm.s32 $0x0;
	s5 =	srdreg.scid  }
0x5: {  	s6 =	stileid.u32;
	s28 =	simm.s32 $0x6300;
	s29 =	simm.s32 $0x4  }
0x6: {  	s31 =	simm.s32 $0x5;
	[smem:$0x7FF] =	sst s4;
	s8 =	sand.u32 $0x1, s5  }
0x7: {  	s5 =	sadd.s32 $0x9CB400, s0;
	s7 =	sadd.s32 $0x1400, s0;
	s11 =	sshll.u32 s6, $0x1  }
0x8: {  	s0 =	sadd.s32 $0xB200, s0;
	s23 =	sadd.s32 $0x138000, s3;
	_ =	strace $0x80000047  }
0x9: {  	s9 =	ssub.s32 $0x2, s8;
	s15 =	sor.u32 s8, s11;
	s8 =	smul.u32 $0x138800, s8  }
0xa: {  	[dreg:$0x5] =	wrdreg s23;
	s10 =	sshrl.u32 s9, $0x1;
	s11 =	sshll.u32 s15, $0x3  }
0xb: {  	s12 =	sor.u32 $0x20, s15;
	s16 =	sshll.u32 s15, $0xA;
	s21 =	sor.u32 $0x40, s15  }
0xc: {  	s9 =	ssub.s32 s9, s10;
	s13 =	sadd.s32 s2, s11;
	s14 =	sshll.u32 s12, $0x3  }
0xd: {  	s11 =	sadd.s32 s7, s11;
	s17 =	sadd.s32 s5, s16;
	[dreg:$0x6] =	wrdreg s13  }
0xe: {  	s20 =	sshll.u32 s12, $0xA;
	s22 =	sshll.u32 s21, $0x3;
	[dreg:$0x7] =	wrdreg s11  }
0xf: {  	s25 =	sshll.u32 s21, $0xA;
	[dreg:$0x8] =	wrdreg s17;
	s18 =	sadd.s32 s2, s14  }
0x10: {  	s26 =	sshrl.u32 s8, $0x3;
	s19 =	sadd.s32 s7, s14;
	[dreg:$0x9] =	wrdreg s18  }
0x11: {  	s11 =	sadd.s32 s5, s20;
	s24 =	sadd.s32 s2, s22;
	[dreg:$0xa] =	wrdreg s19  }
0x12: {  	s12 =	sadd.s32 s0, s26;
	s13 =	sshll.u32 s6, $0xD;
	[dreg:$0xb] =	wrdreg s11  }
0x13: {  	s9 =	smax.u32 s9, $0x1;
	s14 =	sor.u32 $0x90, s6;
	[dreg:$0xc] =	wrdreg s24  }
0x14: {  	s11 =	sadd.s32 s7, s22;
	s18 =	sor.u32 $0x60, s15;
	[dreg:$0x10] =	wrdreg s9  }
0x15: {  	s19 =	sor.u32 $0x80, s15;
	s10 =	sadd.s32 $0x27000, s12;
	[dreg:$0xd] =	wrdreg s11  }
0x16: {  	s8 =	sadd.s32 s13, s8;
	s30 =	sadd.s32 s13, s3;
	[dreg:$0xf] =	wrdreg s10  }
0x17: {  	s15 =	sshll.u32 s14, $0xD;
	s11 =	sadd.s32 s5, s25;
	[dreg:$0x11] =	wrdreg s30  }
0x18: {  	p1 =	sgt.u32 s14, $0x9B;
	s16 =	sadd.s32 $0x20000, s30;
	[dreg:$0xe] =	wrdreg s11  }
0x19: {  	s12 =	simm.s32 $0x100;
	s17 =	sadd.s32 $0x40000, s30;
	[dreg:$0x13] =	wrdreg s16  }
0x1a: {  	s13 =	simm.s32 $0x300;
	s20 =	sadd.s32 $0x60000, s30;
	[dreg:$0x15] =	wrdreg s17  }
0x1b: {  	s14 =	simm.s32 $0x1;
	s21 =	sadd.s32 $0x80000, s30;
	[dreg:$0x16] =	wrdreg s20  }
0x1c: {  	s8 =	sshrl.u32 s8, $0x3;
	s22 =	sadd.s32 $0xA0000, s30;
	[dreg:$0x17] =	wrdreg s21  }
0x1d: {  	p0 =	sne.s32 @!p1 s6, $0x0;
	s24 =	sadd.s32 $0xC0000, s30;
	[dreg:$0x18] =	wrdreg s22  }
0x1e: {  	s25 =	sadd.s32 $0xE0000, s30;
	s26 =	sadd.s32 $0x100000, s30;
	[dreg:$0x19] =	wrdreg s24  }
0x1f: {  	s10 =	simm.s32 $0x4300;
	s0 =	sadd.s32 s8, s0;
	[dreg:$0x1a] =	wrdreg s25  }
0x20: {  	p2 =	por p0, p1;
	p0 =	sne.s32 s6, $0x0;
	[dreg:$0x1b] =	wrdreg s26  }
0x21: {  	s16 =	simm.s32 $0x80;
	s17 =	simm.s32 $0x180;
	s20 =	simm.s32 $0x2300  }
0x22: {  	s21 =	simm.s32 $0x3;
	s25 =	simm.s32 $0x200;
	s26 =	simm.s32 $0x2  }
0x23: {  	s11 =	simm.s32 $0x0;
	[dreg:$0x12] =	wrdreg s0;
	s0 =	sadd.s32 s15, s3  }
0x24: {  	v0 =	vimm.f32 $0.0e+00;
	s15 =	simm.s32 $0x40;
	[dreg:$0x14] =	wrdreg s0;
	s0 =	simm.s32 $0x6  }
.LBB2_1:
0x25: {  	s8 =	simm.s32 $0x0;
	s22 =	simm.s32 $0x200  }
.LBB2_2:
0x26: {  	p3 =	sne.s32 s22, $0x7E00;
	[tilespmem:s8+$0x4370] =	vst v0  }
0x27: {  	[tilespmem:s8+$0x4300] =	vst v0  }
0x28: {  	[tilespmem:s8+$0x4310] =	vst v0  }
.Ltmp0:
0x29: {  	[tilespmem:s8+$0x4320] =	vst v0;
	(pc) =	sbr.rel @p3 .LBB2_2-.Ltmp0, $4  }
0x2a: {  	[tilespmem:s8+$0x4330] =	vst v0  }
0x2b: {  	[tilespmem:s8+$0x4340] =	vst v0  }
0x2c: {  	[tilespmem:s8+$0x4350] =	vst v0  }
0x2d: {  	[tilespmem:s8+$0x4360] =	vst v0;
	s8 =	sshra.s32 s22, $0x2;
	s22 =	sadd.s32 $0x200, s22  }
0x2e: {  	[tilespmem:s8+$0x4370] =	vst v0  }
0x2f: {  	[tilespmem:s8+$0x4300] =	vst v0  }
0x30: {  	[tilespmem:s8+$0x4310] =	vst v0  }
0x31: {  	[tilespmem:s8+$0x4320] =	vst v0  }
0x32: {  	[tilespmem:s8+$0x4330] =	vst v0  }
0x33: {  	[tilespmem:s8+$0x4340] =	vst v0  }
0x34: {  	[tilespmem:s8+$0x4350] =	vst v0  }
0x35: {  	[tilespmem:s8+$0x4360] =	vst v0;
	s9 =	simm.s32 $0x7  }
0x36: {  	[spmem:s30] =	stream.linear.scatter [tilespmem:s10], [sflag:$0x7], $0x2000, $0x38;
	[tilespmem:$0x1BBC0] =	vst v63  }
0x37: {  	_ =	swait.ge [sflag:s9], $0x2000  }
0x38: {  	[sflag:s9] =	ssyncset.done $0x0  }
0x39: {  	s22 =	rddreg [dreg:$0x13];
	[sflag:s9] =	ssyncadd.s32 $0xFFFFE000  }
0x3a: {  	[spmem:s22] =	stream.linear.scatter [tilespmem:s10], [sflag:$0x7], $0x2000, $0x38;
	[tilespmem:$0x1BBC0] =	vst v63  }
0x3b: {  	_ =	swait.ge [sflag:s9], $0x2000  }
0x3c: {  	[sflag:s9] =	ssyncset.done $0x0  }
0x3d: {  	s24 =	rddreg [dreg:$0x15];
	[sflag:s9] =	ssyncadd.s32 $0xFFFFE000  }
0x3e: {  	[spmem:s24] =	stream.linear.scatter [tilespmem:s10], [sflag:$0x7], $0x2000, $0x38;
	[tilespmem:$0x1BBC0] =	vst v63  }
0x3f: {  	_ =	swait.ge [sflag:s9], $0x2000  }
0x40: {  	[sflag:s9] =	ssyncset.done $0x0  }
0x41: {  	s22 =	rddreg [dreg:$0x16];
	[sflag:s9] =	ssyncadd.s32 $0xFFFFE000  }
0x42: {  	[spmem:s22] =	stream.linear.scatter [tilespmem:s10], [sflag:$0x7], $0x2000, $0x38;
	[tilespmem:$0x1BBC0] =	vst v63  }
0x43: {  	_ =	swait.ge [sflag:s9], $0x2000  }
0x44: {  	[sflag:s9] =	ssyncset.done $0x0  }
0x45: {  	s24 =	rddreg [dreg:$0x17];
	[sflag:s9] =	ssyncadd.s32 $0xFFFFE000  }
0x46: {  	[spmem:s24] =	stream.linear.scatter [tilespmem:s10], [sflag:$0x7], $0x2000, $0x38;
	[tilespmem:$0x1BBC0] =	vst v63  }
0x47: {  	_ =	swait.ge [sflag:s9], $0x2000  }
0x48: {  	[sflag:s9] =	ssyncset.done $0x0  }
0x49: {  	s22 =	rddreg [dreg:$0x18];
	[sflag:s9] =	ssyncadd.s32 $0xFFFFE000  }
0x4a: {  	[spmem:s22] =	stream.linear.scatter [tilespmem:s10], [sflag:$0x7], $0x2000, $0x38;
	[tilespmem:$0x1BBC0] =	vst v63  }
0x4b: {  	_ =	swait.ge [sflag:s9], $0x2000  }
0x4c: {  	[sflag:s9] =	ssyncset.done $0x0  }
0x4d: {  	s24 =	rddreg [dreg:$0x19];
	[sflag:s9] =	ssyncadd.s32 $0xFFFFE000  }
0x4e: {  	[spmem:s24] =	stream.linear.scatter [tilespmem:s10], [sflag:$0x7], $0x2000, $0x38;
	[tilespmem:$0x1BBC0] =	vst v63  }
0x4f: {  	_ =	swait.ge [sflag:s9], $0x2000  }
0x50: {  	[sflag:s9] =	ssyncset.done $0x0  }
0x51: {  	s22 =	rddreg [dreg:$0x1a];
	[sflag:s9] =	ssyncadd.s32 $0xFFFFE000  }
0x52: {  	[spmem:s22] =	stream.linear.scatter [tilespmem:s10], [sflag:$0x7], $0x2000, $0x38;
	[tilespmem:$0x1BBC0] =	vst v63  }
0x53: {  	_ =	swait.ge [sflag:s9], $0x2000  }
0x54: {  	[sflag:s9] =	ssyncset.done $0x0  }
0x55: {  	s24 =	rddreg [dreg:$0x1b];
	[sflag:s9] =	ssyncadd.s32 $0xFFFFE000  }
0x56: {  	[spmem:s24] =	stream.linear.scatter [tilespmem:s10], [sflag:$0x7], $0x2000, $0x38;
	[tilespmem:$0x1BBC0] =	vst v63  }
0x57: {  	_ =	swait.ge [sflag:s9], $0x2000  }
0x58: {  	[sflag:s9] =	ssyncset.done $0x0  }
0x59: {  	s8 =	simm.s32 @!p1 $0x4300;
	[sflag:s9] =	ssyncadd.s32 $0xFFFFE000;
	s9 =	rddreg [dreg:$0x14]  }
0x5a: {  	[spmem:s9] =	stream.linear.scatter @!p1 [tilespmem:s8], [sflag:$0x7], $0x2000, $0x38;
	[tilespmem:$0x1BBC0] =	vst v63  }
0x5b: {  	s8 =	simm.s32 @!p1 $0x7  }
0x5c: {  	_ =	swait.ge @!p1 [sflag:s8], $0x2000  }
0x5d: {  	[sflag:s8] =	ssyncset.done @!p1 $0x0  }
0x5e: {  	[sflag:s8] =	ssyncadd.s32 @!p1 $0xFFFFE000;
	s8 =	simm.s32 @!p2 $0x4300  }
0x5f: {  	[spmem:s23] =	stream.linear.scatter @!p2 [tilespmem:s8], [sflag:$0x7], $0x800, $0x38;
	[tilespmem:$0x1BBC0] =	vst v63  }
0x60: {  	s8 =	simm.s32 @!p2 $0x7  }
0x61: {  	_ =	swait.ge @!p2 [sflag:s8], $0x800  }
0x62: {  	[sflag:s8] =	ssyncset.done @!p2 $0x0  }
0x63: {  	[sflag:s8] =	ssyncadd.s32 @!p2 $0xFFFFF800  }
0x64: {  	[bflag:$0x0] =	sbarrier.arrive $0xFFFF  }
0x65: {  	s8 =	simm.s32 $0x0;
	s22 =	rddreg [dreg:$0x6]  }
0x66: {  	[tilespmem:s8], [sflag:$0x1] =	stream.linear.gather [hbm4b:s22+s8], $0x40, $0x38;
	[tilespmem:$0x1BBC0] =	vst v63  }
0x67: {  	s23 =	rddreg [dreg:$0x7]  }
0x68: {  	[tilespmem:s12], [sflag:$0x1] =	stream.linear.gather [hbm4b:s23+s8], $0x40, $0x38;
	[tilespmem:$0x1BBC0] =	vst v63  }
0x69: {  	s24 =	rddreg [dreg:$0x8]  }
0x6a: {  	[tilespmem:s13], [sflag:$0x1] =	stream.linear.gather [hbm4b:s24+s8], $0x2000, $0x38;
	[tilespmem:$0x1BBC0] =	vst v63  }
0x6b: {  	_ =	swait.ge [sflag:s14], $0x40  }
0x6c: {  	[sflag:s14] =	ssyncset.done $0x0  }
0x6d: {  	[sflag:s14] =	ssyncadd.s32 $0xFFFFFFC0  }
0x6e: {  	_ =	swait.ge [sflag:s14], $0x40  }
0x6f: {  	[sflag:s14] =	ssyncset.done $0x0  }
0x70: {  	[sflag:s14] =	ssyncadd.s32 $0xFFFFFFC0  }
0x71: {  	_ =	swait.ge [sflag:s14], $0x2000  }
0x72: {  	[sflag:s14] =	ssyncset.done $0x0  }
0x73: {  	[sflag:s14] =	ssyncadd.s32 $0xFFFFE000  }
0x74: {  	[tilespmem:s10], [sflag:$0x3] =	stream.indirect.gather [hbm4b:s1+s15], $0x80, s8, s15, $0xb8;
	[tilespmem:$0x1BBC0] =	vst v63  }
0x75: {  	s22 =	rddreg [dreg:$0x9]  }
0x76: {  	[tilespmem:s16], [sflag:$0x2] =	stream.linear.gather [hbm4b:s22+s8], $0x40, $0x38;
	[tilespmem:$0x1BBC0] =	vst v63  }
0x77: {  	s23 =	rddreg [dreg:$0xa]  }
0x78: {  	[tilespmem:s17], [sflag:$0x2] =	stream.linear.gather [hbm4b:s23+s8], $0x40, $0x38;
	[tilespmem:$0x1BBC0] =	vst v63  }
0x79: {  	s24 =	rddreg [dreg:$0xb]  }
0x7a: {  	[tilespmem:s20], [sflag:$0x2] =	stream.linear.gather [hbm4b:s24+s8], $0x2000, $0x38;
	[tilespmem:$0x1BBC0] =	vst v63  }
0x7b: {  	_ =	swait.ge [sflag:s21], $0x2000  }
0x7c: {  	[sflag:s21] =	ssyncset.done $0x0  }
0x7d: {  	s8 =	simm.s32 $0x0;
	[sflag:s21] =	ssyncadd.s32 $0xFFFFE000  }
0x7e: {  	v7 =	vld [tilespmem:s8+$0x300]  }
0x7f: {  	v12 =	vld [tilespmem:s8+$0x310]  }
0x80: {  	v6 =	vld [tilespmem:s8+$0x320]  }
0x81: {  	v5 =	vld [tilespmem:s8+$0x330]  }
0x82: {  	v4 =	vld [tilespmem:s8+$0x340]  }
0x83: {  	v3 =	vld [tilespmem:s8+$0x350]  }
0x84: {  	v2 =	vld [tilespmem:s8+$0x360]  }
0x85: {  	v1 =	vld [tilespmem:s8+$0x370]  }
0x86: {  	v13 =	vld [tilespmem:s8+$0x4300]  }
0x87: {  	v14 =	vld [tilespmem:s8+$0x4310]  }
0x88: {  	v11 =	vld [tilespmem:s8+$0x4320]  }
0x89: {  	v10 =	vld [tilespmem:s8+$0x4330]  }
0x8a: {  	v9 =	vld [tilespmem:s8+$0x4340]  }
0x8b: {  	v8 =	vld [tilespmem:s8+$0x4350];
	v13 =	vadd.f32 v7, v13  }
0x8c: {  	s23 =	simm.s32 $0x200;
	v12 =	vadd.f32 v12, v14;
	v7 =	vld [tilespmem:s8+$0x4360]  }
.LBB2_4:
0x8d: {  	s22 =	sshra.s32 s23, $0x2;
	p3 =	sne.s32 s23, $0x7E00;
	v13 =	vmax.f32 v13, $0.0e+00;
	v6 =	vadd.f32 v6, v11;
	v11 =	vld [tilespmem:s8+$0x4370]  }
0x8e: {  	v14 =	vld [tilespmem:s22+$0x300];
	[tilespmem:s8+$0x4300] =	vst v13;
	v12 =	vmax.f32 v12, $0.0e+00;
	v5 =	vadd.f32 v5, v10  }
0x8f: {  	v15 =	vld [tilespmem:s22+$0x310];
	[tilespmem:s8+$0x4310] =	vst v12;
	v10 =	vmax.f32 v6, $0.0e+00;
	v4 =	vadd.f32 v4, v9  }
0x90: {  	v6 =	vld [tilespmem:s22+$0x320];
	[tilespmem:s8+$0x4320] =	vst v10;
	v9 =	vmax.f32 v5, $0.0e+00;
	v3 =	vadd.f32 v3, v8  }
0x91: {  	v5 =	vld [tilespmem:s22+$0x330];
	[tilespmem:s8+$0x4330] =	vst v9;
	v8 =	vmax.f32 v4, $0.0e+00;
	v2 =	vadd.f32 v2, v7  }
0x92: {  	v4 =	vld [tilespmem:s22+$0x340];
	[tilespmem:s8+$0x4340] =	vst v8;
	v7 =	vmax.f32 v3, $0.0e+00;
	v1 =	vadd.f32 v1, v11  }
0x93: {  	v3 =	vld [tilespmem:s22+$0x350];
	[tilespmem:s8+$0x4350] =	vst v7;
	v7 =	vmax.f32 v2, $0.0e+00  }
0x94: {  	v2 =	vld [tilespmem:s22+$0x360];
	[tilespmem:s8+$0x4360] =	vst v7;
	v7 =	vmax.f32 v1, $0.0e+00  }
0x95: {  	v1 =	vld [tilespmem:s22+$0x370];
	[tilespmem:s8+$0x4370] =	vst v7;
	s8 =	smov.u32 s22  }
0x96: {  	v7 =	vld [tilespmem:s8+$0x4300]  }
0x97: {  	v12 =	vld [tilespmem:s8+$0x4310]  }
.Ltmp1:
0x98: {  	v11 =	vld [tilespmem:s8+$0x4320];
	(pc) =	sbr.rel @p3 .LBB2_4-.Ltmp1, $4  }
0x99: {  	v10 =	vld [tilespmem:s8+$0x4330]  }
0x9a: {  	v9 =	vld [tilespmem:s8+$0x4340]  }
0x9b: {  	v13 =	vadd.f32 v14, v7;
	v8 =	vld [tilespmem:s8+$0x4350]  }
0x9c: {  	s23 =	sadd.s32 $0x200, s23;
	v12 =	vadd.f32 v15, v12;
	v7 =	vld [tilespmem:s8+$0x4360]  }
0x9d: {  	v13 =	vmax.f32 v13, $0.0e+00;
	v6 =	vadd.f32 v6, v11;
	v63 =	vld [tilespmem:s8+$0x4370]  }
0x9e: {  	[tilespmem:s8+$0x4300] =	vst v13;
	v12 =	vmax.f32 v12, $0.0e+00;
	v5 =	vadd.f32 v5, v10  }
0x9f: {  	[tilespmem:s8+$0x4310] =	vst v12;
	v6 =	vmax.f32 v6, $0.0e+00;
	v4 =	vadd.f32 v4, v9  }
0xa0: {  	[tilespmem:s8+$0x4320] =	vst v6;
	v5 =	vmax.f32 v5, $0.0e+00;
	v3 =	vadd.f32 v3, v8  }
0xa1: {  	[tilespmem:s8+$0x4330] =	vst v5;
	v4 =	vmax.f32 v4, $0.0e+00;
	v2 =	vadd.f32 v2, v7  }
0xa2: {  	[tilespmem:s8+$0x4340] =	vst v4;
	v3 =	vmax.f32 v3, $0.0e+00;
	v1 =	vadd.f32 v1, v63  }
0xa3: {  	[tilespmem:s8+$0x4350] =	vst v3;
	v2 =	vmax.f32 v2, $0.0e+00  }
0xa4: {  	[tilespmem:s8+$0x4360] =	vst v2;
	v1 =	vmax.f32 v1, $0.0e+00  }
0xa5: {  	[tilespmem:s8+$0x4370] =	vst v1  }
0xa6: {  	v1 =	vld [tilespmem:$0x100]  }
0xa7: {  	v2 =	vld [tilespmem:$0x110]  }
0xa8: {  	v3 =	vld [tilespmem:$0x120]  }
0xa9: {  	v4 =	vld [tilespmem:$0x130];
	_ =	sdelay $0x1  }
0xaa: {  	[tilespmem:$0x200] =	vst v1  }
0xab: {  	[tilespmem:$0x210] =	vst v2  }
0xac: {  	[tilespmem:$0x220] =	vst v3  }
0xad: {  	[dreg:$0x1c] =	wrdreg s11;
	[tilespmem:$0x230] =	vst v4  }
0xae: {  	[spmem:s3] =	stream.indirect.scatter.add.f32 [tilespmem:s10], [sflag:$0x5], $0x80, s25, s15, $0xb8;
	[tilespmem:$0x1BBC0] =	vst v63  }
0xaf: {  	_ =	swait.ge [sflag:s26], $0x40  }
0xb0: {  	[sflag:s26] =	ssyncset.done $0x0  }
0xb1: {  	[sflag:s26] =	ssyncadd.s32 $0xFFFFFFC0  }
0xb2: {  	_ =	swait.ge [sflag:s26], $0x40  }
0xb3: {  	[sflag:s26] =	ssyncset.done $0x0  }
0xb4: {  	[sflag:s26] =	ssyncadd.s32 $0xFFFFFFC0  }
0xb5: {  	_ =	swait.ge [sflag:s26], $0x2000  }
0xb6: {  	[sflag:s26] =	ssyncset.done $0x0  }
0xb7: {  	[sflag:s26] =	ssyncadd.s32 $0xFFFFE000  }
0xb8: {  	[tilespmem:s28], [sflag:$0x4] =	stream.indirect.gather [hbm4b:s1+s15], $0x80, s16, s15, $0xb8;
	[tilespmem:$0x1BBC0] =	vst v63  }
0xb9: {  	s8 =	simm.s32 $0x0;
	s9 =	rddreg [dreg:$0xc]  }
0xba: {  	[tilespmem:s8], [sflag:$0x1] =	stream.linear.gather [hbm4b:s9+s8], $0x40, $0x38;
	[tilespmem:$0x1BBC0] =	vst v63  }
0xbb: {  	s23 =	rddreg [dreg:$0xd]  }
0xbc: {  	[tilespmem:s12], [sflag:$0x1] =	stream.linear.gather [hbm4b:s23+s8], $0x40, $0x38;
	[tilespmem:$0x1BBC0] =	vst v63  }
0xbd: {  	s24 =	rddreg [dreg:$0xe]  }
0xbe: {  	[tilespmem:s13], [sflag:$0x1] =	stream.linear.gather [hbm4b:s24+s8], $0x2000, $0x38;
	[tilespmem:$0x1BBC0] =	vst v63  }
.LBB2_6:
0xbf: {  	_ =	swait.ge [sflag:s29], $0x2000  }
0xc0: {  	[sflag:s29] =	ssyncset.done $0x0  }
0xc1: {  	s23 =	simm.s32 $0x0;
	[sflag:s29] =	ssyncadd.s32 $0xFFFFE000  }
0xc2: {  	v7 =	vld [tilespmem:s23+$0x2300]  }
0xc3: {  	v12 =	vld [tilespmem:s23+$0x2310]  }
0xc4: {  	v6 =	vld [tilespmem:s23+$0x2320]  }
0xc5: {  	v5 =	vld [tilespmem:s23+$0x2330]  }
0xc6: {  	v4 =	vld [tilespmem:s23+$0x2340]  }
0xc7: {  	v3 =	vld [tilespmem:s23+$0x2350]  }
0xc8: {  	v2 =	vld [tilespmem:s23+$0x2360]  }
0xc9: {  	v1 =	vld [tilespmem:s23+$0x2370]  }
0xca: {  	v13 =	vld [tilespmem:s23+$0x6300]  }
0xcb: {  	v14 =	vld [tilespmem:s23+$0x6310]  }
0xcc: {  	v11 =	vld [tilespmem:s23+$0x6320]  }
0xcd: {  	v10 =	vld [tilespmem:s23+$0x6330]  }
0xce: {  	v9 =	vld [tilespmem:s23+$0x6340]  }
0xcf: {  	v8 =	vld [tilespmem:s23+$0x6350];
	v13 =	vadd.f32 v7, v13  }
0xd0: {  	s24 =	simm.s32 $0x200;
	v12 =	vadd.f32 v12, v14;
	v7 =	vld [tilespmem:s23+$0x6360]  }
.LBB2_7:
0xd1: {  	s22 =	sshra.s32 s24, $0x2;
	p3 =	sne.s32 s24, $0x7E00;
	v13 =	vmax.f32 v13, $0.0e+00;
	v6 =	vadd.f32 v6, v11;
	v11 =	vld [tilespmem:s23+$0x6370]  }
0xd2: {  	v14 =	vld [tilespmem:s22+$0x2300];
	[tilespmem:s23+$0x6300] =	vst v13;
	v12 =	vmax.f32 v12, $0.0e+00;
	v5 =	vadd.f32 v5, v10  }
0xd3: {  	v15 =	vld [tilespmem:s22+$0x2310];
	[tilespmem:s23+$0x6310] =	vst v12;
	v10 =	vmax.f32 v6, $0.0e+00;
	v4 =	vadd.f32 v4, v9  }
0xd4: {  	v6 =	vld [tilespmem:s22+$0x2320];
	[tilespmem:s23+$0x6320] =	vst v10;
	v9 =	vmax.f32 v5, $0.0e+00;
	v3 =	vadd.f32 v3, v8  }
0xd5: {  	v5 =	vld [tilespmem:s22+$0x2330];
	[tilespmem:s23+$0x6330] =	vst v9;
	v8 =	vmax.f32 v4, $0.0e+00;
	v2 =	vadd.f32 v2, v7  }
0xd6: {  	v4 =	vld [tilespmem:s22+$0x2340];
	[tilespmem:s23+$0x6340] =	vst v8;
	v7 =	vmax.f32 v3, $0.0e+00;
	v1 =	vadd.f32 v1, v11  }
0xd7: {  	v3 =	vld [tilespmem:s22+$0x2350];
	[tilespmem:s23+$0x6350] =	vst v7;
	v7 =	vmax.f32 v2, $0.0e+00  }
0xd8: {  	v2 =	vld [tilespmem:s22+$0x2360];
	[tilespmem:s23+$0x6360] =	vst v7;
	v7 =	vmax.f32 v1, $0.0e+00  }
0xd9: {  	v1 =	vld [tilespmem:s22+$0x2370];
	[tilespmem:s23+$0x6370] =	vst v7;
	s23 =	smov.u32 s22  }
0xda: {  	v7 =	vld [tilespmem:s23+$0x6300]  }
0xdb: {  	v12 =	vld [tilespmem:s23+$0x6310]  }
.Ltmp2:
0xdc: {  	v11 =	vld [tilespmem:s23+$0x6320];
	(pc) =	sbr.rel @p3 .LBB2_7-.Ltmp2, $4  }
0xdd: {  	v10 =	vld [tilespmem:s23+$0x6330]  }
0xde: {  	v9 =	vld [tilespmem:s23+$0x6340]  }
0xdf: {  	v13 =	vadd.f32 v14, v7;
	v8 =	vld [tilespmem:s23+$0x6350]  }
0xe0: {  	s24 =	sadd.s32 $0x200, s24;
	v12 =	vadd.f32 v15, v12;
	v7 =	vld [tilespmem:s23+$0x6360]  }
0xe1: {  	v13 =	vmax.f32 v13, $0.0e+00;
	v6 =	vadd.f32 v6, v11;
	v11 =	vld [tilespmem:s23+$0x6370]  }
0xe2: {  	[tilespmem:s23+$0x6300] =	vst v13;
	v12 =	vmax.f32 v12, $0.0e+00;
	v5 =	vadd.f32 v5, v10  }
0xe3: {  	[tilespmem:s23+$0x6310] =	vst v12;
	v6 =	vmax.f32 v6, $0.0e+00;
	v4 =	vadd.f32 v4, v9  }
0xe4: {  	[tilespmem:s23+$0x6320] =	vst v6;
	v5 =	vmax.f32 v5, $0.0e+00;
	v3 =	vadd.f32 v3, v8  }
0xe5: {  	[tilespmem:s23+$0x6330] =	vst v5;
	v4 =	vmax.f32 v4, $0.0e+00;
	v2 =	vadd.f32 v2, v7  }
0xe6: {  	[tilespmem:s23+$0x6340] =	vst v4;
	v3 =	vmax.f32 v3, $0.0e+00;
	v1 =	vadd.f32 v1, v11  }
0xe7: {  	[tilespmem:s23+$0x6350] =	vst v3;
	v2 =	vmax.f32 v2, $0.0e+00  }
0xe8: {  	[tilespmem:s23+$0x6360] =	vst v2;
	v1 =	vmax.f32 v1, $0.0e+00  }
0xe9: {  	[tilespmem:s23+$0x6370] =	vst v1  }
0xea: {  	v1 =	vld [tilespmem:$0x180]  }
0xeb: {  	v2 =	vld [tilespmem:$0x190]  }
0xec: {  	v3 =	vld [tilespmem:$0x1A0]  }
0xed: {  	v4 =	vld [tilespmem:$0x1B0];
	_ =	sdelay $0x1  }
0xee: {  	[tilespmem:$0x280] =	vst v1  }
0xef: {  	[tilespmem:$0x290] =	vst v2  }
0xf0: {  	[tilespmem:$0x2A0] =	vst v3  }
0xf1: {  	s9 =	simm.s32 $0x280;
	[tilespmem:$0x2B0] =	vst v4  }
0xf2: {  	[spmem:s3] =	stream.indirect.scatter.add.f32 [tilespmem:s28], [sflag:$0x6], $0x80, s9, s15, $0xb8;
	[tilespmem:$0x1BBC0] =	vst v63  }
0xf3: {  	_ =	swait.ge [sflag:s31], $0x2000  }
0xf4: {  	[sflag:s31] =	ssyncset.done $0x0  }
0xf5: {  	[sflag:s31] =	ssyncadd.s32 $0xFFFFE000  }
0xf6: {  	_ =	swait.ge [sflag:s14], $0x40  }
0xf7: {  	[sflag:s14] =	ssyncset.done $0x0  }
0xf8: {  	[sflag:s14] =	ssyncadd.s32 $0xFFFFFFC0  }
0xf9: {  	_ =	swait.ge [sflag:s14], $0x40  }
0xfa: {  	[sflag:s14] =	ssyncset.done $0x0  }
0xfb: {  	s23 =	sshll.u32 s8, $0x6;
	[sflag:s14] =	ssyncadd.s32 $0xFFFFFFC0  }
0xfc: {  	s24 =	sadd.s32 s18, s23;
	_ =	swait.ge [sflag:s14], $0x2000  }
0xfd: {  	s24 =	smin.u32 s24, $0x139F;
	[sflag:s14] =	ssyncset.done $0x0  }
0xfe: {  	s22 =	simm.s32 $0x0;
	s9 =	sshll.u32 s24, $0x3;
	[sflag:s14] =	ssyncadd.s32 $0xFFFFE000  }
0xff: {  	[tilespmem:s10], [sflag:$0x3] =	stream.indirect.gather [hbm4b:s1+s15], $0x80, s22, s15, $0xb8;
	[tilespmem:$0x1BBC0] =	vst v63  }
0x100: {  	s11 =	sadd.s32 s2, s9  }
0x101: {  	[tilespmem:s16], [sflag:$0x2] =	stream.linear.gather [hbm4b:s11+s22], $0x40, $0x38;
	[tilespmem:$0x1BBC0] =	vst v63  }
0x102: {  	s24 =	sshll.u32 s24, $0xA;
	s9 =	sadd.s32 s7, s9  }
0x103: {  	[tilespmem:s17], [sflag:$0x2] =	stream.linear.gather [hbm4b:s9+s22], $0x40, $0x38;
	[tilespmem:$0x1BBC0] =	vst v63  }
0x104: {  	s9 =	sadd.s32 s5, s24  }
0x105: {  	[tilespmem:s20], [sflag:$0x2] =	stream.linear.gather [hbm4b:s9+s22], $0x2000, $0x38;
	[tilespmem:$0x1BBC0] =	vst v63  }
0x106: {  	_ =	swait.ge [sflag:s21], $0x2000  }
0x107: {  	[sflag:s21] =	ssyncset.done $0x0  }
0x108: {  	s24 =	simm.s32 $0x0;
	[sflag:s21] =	ssyncadd.s32 $0xFFFFE000  }
0x109: {  	v7 =	vld [tilespmem:s24+$0x300]  }
0x10a: {  	v12 =	vld [tilespmem:s24+$0x310]  }
0x10b: {  	v6 =	vld [tilespmem:s24+$0x320]  }
0x10c: {  	v5 =	vld [tilespmem:s24+$0x330]  }
0x10d: {  	v4 =	vld [tilespmem:s24+$0x340]  }
0x10e: {  	v3 =	vld [tilespmem:s24+$0x350]  }
0x10f: {  	v2 =	vld [tilespmem:s24+$0x360]  }
0x110: {  	v1 =	vld [tilespmem:s24+$0x370]  }
0x111: {  	v13 =	vld [tilespmem:s24+$0x4300]  }
0x112: {  	v14 =	vld [tilespmem:s24+$0x4310]  }
0x113: {  	v11 =	vld [tilespmem:s24+$0x4320]  }
0x114: {  	v10 =	vld [tilespmem:s24+$0x4330]  }
0x115: {  	v9 =	vld [tilespmem:s24+$0x4340]  }
0x116: {  	v8 =	vld [tilespmem:s24+$0x4350];
	v13 =	vadd.f32 v7, v13  }
0x117: {  	s22 =	simm.s32 $0x200;
	v12 =	vadd.f32 v12, v14;
	v7 =	vld [tilespmem:s24+$0x4360]  }
.LBB2_9:
0x118: {  	s9 =	sshra.s32 s22, $0x2;
	p3 =	sne.s32 s22, $0x7E00;
	v13 =	vmax.f32 v13, $0.0e+00;
	v6 =	vadd.f32 v6, v11;
	v11 =	vld [tilespmem:s24+$0x4370]  }
0x119: {  	v14 =	vld [tilespmem:s9+$0x300];
	[tilespmem:s24+$0x4300] =	vst v13;
	v12 =	vmax.f32 v12, $0.0e+00;
	v5 =	vadd.f32 v5, v10  }
0x11a: {  	v15 =	vld [tilespmem:s9+$0x310];
	[tilespmem:s24+$0x4310] =	vst v12;
	v10 =	vmax.f32 v6, $0.0e+00;
	v4 =	vadd.f32 v4, v9  }
0x11b: {  	v6 =	vld [tilespmem:s9+$0x320];
	[tilespmem:s24+$0x4320] =	vst v10;
	v9 =	vmax.f32 v5, $0.0e+00;
	v3 =	vadd.f32 v3, v8  }
0x11c: {  	v5 =	vld [tilespmem:s9+$0x330];
	[tilespmem:s24+$0x4330] =	vst v9;
	v8 =	vmax.f32 v4, $0.0e+00;
	v2 =	vadd.f32 v2, v7  }
0x11d: {  	v4 =	vld [tilespmem:s9+$0x340];
	[tilespmem:s24+$0x4340] =	vst v8;
	v7 =	vmax.f32 v3, $0.0e+00;
	v1 =	vadd.f32 v1, v11  }
0x11e: {  	v3 =	vld [tilespmem:s9+$0x350];
	[tilespmem:s24+$0x4350] =	vst v7;
	v7 =	vmax.f32 v2, $0.0e+00  }
0x11f: {  	v2 =	vld [tilespmem:s9+$0x360];
	[tilespmem:s24+$0x4360] =	vst v7;
	v7 =	vmax.f32 v1, $0.0e+00  }
0x120: {  	v1 =	vld [tilespmem:s9+$0x370];
	[tilespmem:s24+$0x4370] =	vst v7;
	s24 =	smov.u32 s9  }
0x121: {  	v7 =	vld [tilespmem:s24+$0x4300]  }
0x122: {  	v12 =	vld [tilespmem:s24+$0x4310]  }
.Ltmp3:
0x123: {  	v11 =	vld [tilespmem:s24+$0x4320];
	(pc) =	sbr.rel @p3 .LBB2_9-.Ltmp3, $4  }
0x124: {  	v10 =	vld [tilespmem:s24+$0x4330]  }
0x125: {  	v9 =	vld [tilespmem:s24+$0x4340]  }
0x126: {  	v13 =	vadd.f32 v14, v7;
	v8 =	vld [tilespmem:s24+$0x4350]  }
0x127: {  	s22 =	sadd.s32 $0x200, s22;
	v12 =	vadd.f32 v15, v12;
	v7 =	vld [tilespmem:s24+$0x4360]  }
0x128: {  	v13 =	vmax.f32 v13, $0.0e+00;
	v6 =	vadd.f32 v6, v11;
	v63 =	vld [tilespmem:s24+$0x4370]  }
0x129: {  	[tilespmem:s24+$0x4300] =	vst v13;
	v12 =	vmax.f32 v12, $0.0e+00;
	v5 =	vadd.f32 v5, v10  }
0x12a: {  	[tilespmem:s24+$0x4310] =	vst v12;
	v6 =	vmax.f32 v6, $0.0e+00;
	v4 =	vadd.f32 v4, v9  }
0x12b: {  	[tilespmem:s24+$0x4320] =	vst v6;
	v5 =	vmax.f32 v5, $0.0e+00;
	v3 =	vadd.f32 v3, v8  }
0x12c: {  	[tilespmem:s24+$0x4330] =	vst v5;
	v4 =	vmax.f32 v4, $0.0e+00;
	v2 =	vadd.f32 v2, v7  }
0x12d: {  	[tilespmem:s24+$0x4340] =	vst v4;
	v3 =	vmax.f32 v3, $0.0e+00;
	v1 =	vadd.f32 v1, v63  }
0x12e: {  	[tilespmem:s24+$0x4350] =	vst v3;
	v2 =	vmax.f32 v2, $0.0e+00  }
0x12f: {  	[tilespmem:s24+$0x4360] =	vst v2;
	v1 =	vmax.f32 v1, $0.0e+00  }
0x130: {  	[tilespmem:s24+$0x4370] =	vst v1  }
0x131: {  	v1 =	vld [tilespmem:$0x100]  }
0x132: {  	v2 =	vld [tilespmem:$0x110]  }
0x133: {  	v3 =	vld [tilespmem:$0x120]  }
0x134: {  	v4 =	vld [tilespmem:$0x130];
	_ =	sdelay $0x1  }
0x135: {  	[tilespmem:$0x200] =	vst v1  }
0x136: {  	[tilespmem:$0x210] =	vst v2  }
0x137: {  	[tilespmem:$0x220] =	vst v3  }
0x138: {  	[tilespmem:$0x230] =	vst v4  }
0x139: {  	[spmem:s3] =	stream.indirect.scatter.add.f32 [tilespmem:s10], [sflag:$0x5], $0x80, s25, s15, $0xb8;
	[tilespmem:$0x1BBC0] =	vst v63  }
0x13a: {  	_ =	swait.ge [sflag:s0], $0x2000  }
0x13b: {  	[sflag:s0] =	ssyncset.done $0x0  }
0x13c: {  	[sflag:s0] =	ssyncadd.s32 $0xFFFFE000  }
0x13d: {  	_ =	swait.ge [sflag:s26], $0x40  }
0x13e: {  	[sflag:s26] =	ssyncset.done $0x0  }
0x13f: {  	[sflag:s26] =	ssyncadd.s32 $0xFFFFFFC0  }
0x140: {  	_ =	swait.ge [sflag:s26], $0x40  }
0x141: {  	[sflag:s26] =	ssyncset.done $0x0  }
0x142: {  	[sflag:s26] =	ssyncadd.s32 $0xFFFFFFC0  }
0x143: {  	s9 =	sadd.s32 s19, s23;
	_ =	swait.ge [sflag:s26], $0x2000  }
0x144: {  	s9 =	smin.u32 s9, $0x139F;
	[sflag:s26] =	ssyncset.done $0x0  }
0x145: {  	s8 =	sadd.s32 $0x1, s8;
	s11 =	sshll.u32 s9, $0x3;
	[sflag:s26] =	ssyncadd.s32 $0xFFFFE000  }
0x146: {  	[tilespmem:s28], [sflag:$0x4] =	stream.indirect.gather [hbm4b:s1+s15], $0x80, s16, s15, $0xb8;
	[tilespmem:$0x1BBC0] =	vst v63  }
0x147: {  	p3 =	sne.s32 s8, $0x4E;
	s22 =	sadd.s32 s2, s11  }
0x148: {  	[tilespmem:s4], [sflag:$0x1] =	stream.linear.gather [hbm4b:s22+s4], $0x40, $0x38;
	[tilespmem:$0x1BBC0] =	vst v63  }
.Ltmp4:
0x149: {  	_ = 	snop;
	(pc) =	sbr.rel @p3 .LBB2_6-.Ltmp4, $4  }
0x14a: {  	s9 =	sshll.u32 s9, $0xA;
	s11 =	sadd.s32 s7, s11  }
0x14b: {  	[tilespmem:s12], [sflag:$0x1] =	stream.linear.gather [hbm4b:s11+s4], $0x40, $0x38;
	[tilespmem:$0x1BBC0] =	vst v63  }
0x14c: {  	s9 =	sadd.s32 s5, s9  }
0x14d: {  	[tilespmem:s13], [sflag:$0x1] =	stream.linear.gather [hbm4b:s9+s4], $0x2000, $0x38;
	[tilespmem:$0x1BBC0] =	vst v63  }
0x14e: {  	_ =	swait.ge [sflag:s31], $0x2000  }
0x14f: {  	[sflag:s31] =	ssyncset.done $0x0  }
0x150: {  	[sflag:s31] =	ssyncadd.s32 $0xFFFFE000  }
0x151: {  	_ =	swait.ge [sflag:s29], $0x2000  }
0x152: {  	[sflag:s29] =	ssyncset.done $0x0  }
0x153: {  	[sflag:s29] =	ssyncadd.s32 $0xFFFFE000  }
0x154: {  	_ =	swait.ge [sflag:s14], $0x40  }
0x155: {  	[sflag:s14] =	ssyncset.done $0x0  }
0x156: {  	[sflag:s14] =	ssyncadd.s32 $0xFFFFFFC0  }
0x157: {  	_ =	swait.ge [sflag:s14], $0x40  }
0x158: {  	[sflag:s14] =	ssyncset.done $0x0  }
0x159: {  	[sflag:s14] =	ssyncadd.s32 $0xFFFFFFC0  }
0x15a: {  	s8 =	sadd.s32 $0x0, s6;
	_ =	swait.ge [sflag:s14], $0x2000  }
0x15b: {  	p3 =	sgt.u32 s8, $0x9B;
	[sflag:s14] =	ssyncset.done $0x0  }
0x15c: {  	s8 =	simm.s32 @!p3 $0x4300;
	[sflag:s14] =	ssyncadd.s32 $0xFFFFE000  }
0x15d: {  	s9 =	simm.s32 @!p3 $0x8;
	p3 =	por p3, p3;
	[bflag:$0x0] =	sbarrier.arrive $0xFFFF  }
0x15e: {  	[tilespmem:s8], [sflag:$0x8] =	stream.linear.gather @!p3 [spmem:s30], $0x2000, $0x38;
	[tilespmem:$0x1BBC0] =	vst v63  }
0x15f: {  	_ =	swait.ge @!p3 [sflag:s9], $0x2000  }
0x160: {  	s24 =	simm.s32 @!p3 $0x7;
	s30 =	sadd.s32 $0x10, s6;
	[sflag:s9] =	ssyncset.done @!p3 $0x0  }
0x161: {  	s11 =	rddreg [dreg:$0x12];
	[sflag:s9] =	ssyncadd.s32 @!p3 $0xFFFFE000;
	s9 =	simm.s32 @!p3 $0x0  }
0x162: {  	[hbm4b:s11+s9] =	stream.linear.scatter @!p3 [tilespmem:s8], [sflag:$0x7], $0x2000, $0x38;
	[tilespmem:$0x1BBC0] =	vst v63  }
0x163: {  	s22 =	simm.s32 $0x20;
	p4 =	sgt.u32 s30, $0x9B;
	_ =	swait.ge @!p3 [sflag:s24], $0x2000  }
0x164: {  	s8 =	sadd.s32 $0x4000, s11;
	[sflag:s24] =	ssyncset.done @!p3 $0x0;
	s23 =	rddreg [dreg:$0x13]  }
.LBB2_12:
0x165: {  	s9 =	simm.s32 @!p4 $0x4300;
	s11 =	simm.s32 @!p4 $0x8;
	[sflag:s24] =	ssyncadd.s32 @!p3 $0xFFFFE000  }
0x166: {  	s30 =	smov.u32 s22;
	p3 =	por p4, p4;
	s22 =	sadd.s32 $0x10, s22  }
0x167: {  	[tilespmem:s9], [sflag:$0x8] =	stream.linear.gather @!p3 [spmem:s23], $0x2000, $0x38;
	[tilespmem:$0x1BBC0] =	vst v63  }
0x168: {  	p5 =	sne.s32 s22, $0xA0;
	_ =	swait.ge @!p3 [sflag:s11], $0x2000  }
.Ltmp5:
0x169: {  	[sflag:s11] =	ssyncset.done @!p3 $0x0;
	(pc) =	sbr.rel @p5 .LBB2_12-.Ltmp5, $4  }
0x16a: {  	s24 =	simm.s32 @!p3 $0x7;
	[sflag:s11] =	ssyncadd.s32 @!p3 $0xFFFFE000;
	s11 =	simm.s32 @!p3 $0x0  }
0x16b: {  	[hbm4b:s8+s11] =	stream.linear.scatter @!p3 [tilespmem:s9], [sflag:$0x7], $0x2000, $0x38;
	[tilespmem:$0x1BBC0] =	vst v63  }
0x16c: {  	s9 =	sadd.s32 s30, s6;
	s8 =	sadd.s32 $0x4000, s8;
	_ =	swait.ge @!p3 [sflag:s24], $0x2000  }
0x16d: {  	s23 =	sadd.s32 $0x20000, s23;
	p4 =	sgt.u32 s9, $0x9B;
	[sflag:s24] =	ssyncset.done @!p3 $0x0  }
0x16e: {  	s9 =	simm.s32 @!p4 $0x4300  }
0x16f: {  	s11 =	simm.s32 @!p4 $0x8;
	[sflag:s24] =	ssyncadd.s32 @!p3 $0xFFFFE000;
	p3 =	por p4, p4  }
0x170: {  	[tilespmem:s9], [sflag:$0x8] =	stream.linear.gather @!p3 [spmem:s23], $0x2000, $0x38;
	[tilespmem:$0x1BBC0] =	vst v63  }
0x171: {  	_ =	swait.ge @!p3 [sflag:s11], $0x2000  }
0x172: {  	[sflag:s11] =	ssyncset.done @!p3 $0x0  }
0x173: {  	s22 =	simm.s32 @!p3 $0x7;
	[sflag:s11] =	ssyncadd.s32 @!p3 $0xFFFFE000;
	s11 =	simm.s32 @!p3 $0x0  }
0x174: {  	[hbm4b:s8+s11] =	stream.linear.scatter @!p3 [tilespmem:s9], [sflag:$0x7], $0x2000, $0x38;
	[tilespmem:$0x1BBC0] =	vst v63  }
0x175: {  	_ =	swait.ge @!p3 [sflag:s22], $0x2000  }
0x176: {  	s8 =	simm.s32 @!p0 $0x4300;
	[sflag:s22] =	ssyncset.done @!p3 $0x0  }
0x177: {  	s9 =	simm.s32 @!p0 $0x7;
	s23 =	rddreg [dreg:$0x5];
	[sflag:s22] =	ssyncadd.s32 @!p3 $0xFFFFE000  }
0x178: {  	[tilespmem:s8], [sflag:$0x7] =	stream.linear.gather @!p0 [spmem:s23], $0x800, $0x38;
	[tilespmem:$0x1BBC0] =	vst v63  }
0x179: {  	_ =	swait.ge @!p0 [sflag:s9], $0x800  }
0x17a: {  	[sflag:s9] =	ssyncset.done @!p0 $0x0  }
0x17b: {  	s11 =	simm.s32 @!p0 $0x0;
	s22 =	rddreg [dreg:$0xf];
	[sflag:s9] =	ssyncadd.s32 @!p0 $0xFFFFF800  }
0x17c: {  	[hbm4b:s22+s11] =	stream.linear.scatter @!p0 [tilespmem:s8], [sflag:$0x7], $0x800, $0x38;
	[tilespmem:$0x1BBC0] =	vst v63  }
0x17d: {  	_ =	swait.ge @!p0 [sflag:s9], $0x800  }
0x17e: {  	s22 =	rddreg [dreg:$0x1c]  }
0x17f: {  	s24 =	rddreg [dreg:$0x10];
	s11 =	sadd.s32 $0x1, s22  }
0x180: {  	p3 =	sne.s32 s11, s24  }
.Ltmp6:
0x181: {  	_ = 	snop;
	(pc) =	sbr.rel @p3 .LBB2_1-.Ltmp6, $3  }
0x182: {  	_ =	sdelay $0x1  }
0x183: {  	[sflag:s9] =	ssyncset.done @!p0 $0x0  }
0x184: {  	s30 =	rddreg [dreg:$0x11];
	[sflag:s9] =	ssyncadd.s32 @!p0 $0xFFFFF800  }
0x185: {  	_ =	sfence.sel $0x180000  }
0x186: {  	[bflag:$0x0] =	sbarrier.arrive $0xFFFF  }
0x187: {  	_ =	strace $0x90000047  }
0x188: {  	[bflag:$0x2] =	sbarrier.arrive $0xFFFF  }
0x189: {  	s0 =	rddreg [dreg:$0x4]  }
0x18a: {  	s0 =	sadd.s32 @!p0 $0x100000, s0  }
0x18b: {  	[sflag:s0] =	ssyncadd.tile.s32 @!p0 $0x1;
	_ =	shalt  }
.Lfunc_end2:
_tile_overlayer_lowered:
.L_overlay_start_2:
0x18c: {  	(tag) =	ssettag $0x2  }
0x18d: {  	s0 =	rddreg [dreg:$0x0];
	s2 =	stileid.u32  }
0x18e: {  	s1 =	rddreg [dreg:$0x1];
	p0 =	sne.s32 s2, $0x0  }
0x18f: {  	s3 =	rddreg [dreg:$0x2];
	[bflag:$0x3] =	sbarrier.arrive $0xFFFF;
	s2 =	simm.s32 @!p0 $0x1C07  }
0x190: {  	[timem:s3], [sflag:s2] =	dma.local @!p0 [hbm:s0], s1  }
0x191: {  	s0 =	simm.s32 @!p0 $0x7  }
0x192: {  	_ =	swait.ge @!p0 [sflag:s0], s1  }
0x193: {  	s1 =	ssub.s32 @!p0 $0x0, s1;
	[sflag:s0] =	ssyncset.done @!p0 $0x0  }
0x194: {  	[sflag:s0] =	ssyncadd.s32 @!p0 s1  }
0x195: {  	[bflag:$0x3] =	sbarrier.arrive $0xFFFF  }
0x196: {  	_ =	shalt  }

</sc_bundles>
